<compile_context>
chip_gen: v7x
topology: tpu7x:2x2x1
jax: 0.10.2.dev20260603
libtpu: 0.0.44.dev20260713+nightly
codegen_flags: <defaults>
</compile_context>

<pallas_src>
import jax
import jax.numpy as jnp
from jax import lax
from jax.experimental import pallas as pl
from jax.experimental.pallas import tpu as pltpu
from jax.experimental.pallas import tpu_sc as plsc

_NUM_CODE = 1024
_CODE_DIM = 64
_COMMIT = 0.25
_TILE = 4608

_NC = 2
_NS = 16
_NW = _NC * _NS
_ROWS = 73728
_RPW = _ROWS // _NW
_CHUNK = 128
_NCHUNK = _RPW // _CHUNK
_GROUP = 6
_PAD = 128


def _cb_prep_body(cb_ref, cbn_ref, cbnb_ref):
    cb = cb_ref[...]
    cbn = cb / jnp.maximum(
        jnp.sqrt(jnp.sum(cb * cb, axis=1, keepdims=True)), 1e-12)
    cbn_ref[...] = jnp.concatenate(
        [cbn, jnp.zeros((_NUM_CODE, _PAD - _CODE_DIM), jnp.float32)], axis=1)
    cbnb_ref[...] = cbn.astype(jnp.bfloat16)


def _cb_prep(codebook):
    return pl.pallas_call(
        _cb_prep_body,
        out_shape=[
            jax.ShapeDtypeStruct((_NUM_CODE, _PAD), jnp.float32),
            jax.ShapeDtypeStruct((_NUM_CODE, _CODE_DIM), jnp.bfloat16),
        ],
    )(codebook)


def _vq_tc_body(x_ref, cbnb_ref, idx_ref, maxsum_ref):
    pid = pl.program_id(0)
    x = jnp.reshape(x_ref[...], (_TILE, _CODE_DIM))
    xn = x / jnp.maximum(
        jnp.sqrt(jnp.sum(x * x, axis=1, keepdims=True)), 1e-12)
    simT = lax.dot_general(
        cbnb_ref[...], xn.astype(jnp.bfloat16),
        (((1,), (1,)), ((), ())),
        preferred_element_type=jnp.float32)
    maxv = jnp.max(simT, axis=0)
    onehot = jnp.where(simT == maxv[None, :],
                       jnp.float32(1.0), jnp.float32(0.0))
    i4 = lax.broadcasted_iota(jnp.int32, (4, _NUM_CODE), 1)
    r4 = lax.broadcasted_iota(jnp.int32, (4, _NUM_CODE), 0)
    wt = jnp.where(
        r4 == 0, i4 & 255,
        jnp.where(r4 == 1, i4 >> 8,
                  jnp.where(r4 == 2, 1, i4 * i4))).astype(jnp.float32)
    res = lax.dot_general(wt, onehot, (((1,), (0,)), ((), ())),
                          preferred_element_type=jnp.float32)
    ssum = res[0] + jnp.float32(256.0) * res[1]
    cnt = res[2]
    qsum = res[3]
    first = jnp.float32(0.5) * (
        ssum - jnp.sqrt(jnp.maximum(
            jnp.float32(2.0) * qsum - ssum * ssum, 0.0)))
    idx = jnp.where(cnt < jnp.float32(1.5), ssum, first).astype(jnp.int32)
    idx_ref[0, 0, :] = idx
    s = jnp.sum(maxv).reshape(1, 1)

    @pl.when(pid == 0)
    def _():
        maxsum_ref[...] = s

    @pl.when(pid != 0)
    def _():
        maxsum_ref[...] = maxsum_ref[...] + s


def _vq_tc(x4d, cbnb):
    b, c, t, d = x4d.shape
    grid = (b * c * t) // _TILE
    cpb = _TILE // t
    return pl.pallas_call(
        _vq_tc_body,
        grid=(grid,),
        in_specs=[
            pl.BlockSpec((1, cpb, t, d),
                         lambda i: (i // (8 // cpb), i % (8 // cpb), 0, 0)),
            pl.BlockSpec((_NUM_CODE, _CODE_DIM), lambda i: (0, 0)),
        ],
        out_specs=[
            pl.BlockSpec((1, 1, _TILE), lambda i: (i, 0, 0)),
            pl.BlockSpec((1, 1), lambda i: (0, 0)),
        ],
        out_shape=[
            jax.ShapeDtypeStruct((grid, 1, _TILE), jnp.int32),
            jax.ShapeDtypeStruct((1, 1), jnp.float32),
        ],
    )(x4d, cbnb)


def _vq_sc_body(cbn_hbm, idx_hbm, out_hbm, hist_hbm,
                idx_v, rows_v, hist16_v, hist_v, sem):
    wid = lax.axis_index("s") * _NC + lax.axis_index("c")

    pltpu.sync_copy(idx_hbm.at[wid], idx_v)

    zeros16 = jnp.zeros((_NS,), jnp.float32)

    def _zero(c, _):
        for l in range(_NS):
            hist16_v[l, pl.ds(c * _NS, _NS)] = zeros16
        return 0

    lax.fori_loop(0, _NUM_CODE // _NS, _zero, 0)

    lanes = lax.iota(jnp.int32, _NS)
    ones16 = jnp.ones((_NS,), jnp.float32)

    def _hist(g, _):
        codes = idx_v[pl.ds(g * _NS, _NS)]
        plsc.addupdate_scatter(hist16_v, [lanes, codes], ones16)
        return 0

    slots = [None] * _GROUP
    for c in range(_GROUP):
        slots[c] = pltpu.async_copy(
            cbn_hbm.at[idx_v.at[pl.ds(c * _CHUNK, _CHUNK)]],
            rows_v.at[c], sem.at[c])
    lax.fori_loop(0, _RPW // _NS, _hist, 0)
    for c in range(_NCHUNK):
        j = c % _GROUP
        slots[j].wait()
        pltpu.sync_copy(
            rows_v.at[j],
            out_hbm.at[pl.ds(wid * _RPW + c * _CHUNK, _CHUNK)])
        nxt = c + _GROUP
        if nxt < _NCHUNK:
            slots[j] = pltpu.async_copy(
                cbn_hbm.at[idx_v.at[pl.ds(nxt * _CHUNK, _CHUNK)]],
                rows_v.at[j], sem.at[j])

    def _red(c, _):
        acc = jnp.zeros((_NS,), jnp.float32)
        for l in range(_NS):
            acc = acc + hist16_v[l, pl.ds(c * _NS, _NS)]
        hist_v[0, pl.ds(c * _NS, _NS)] = acc
        return 0

    lax.fori_loop(0, _NUM_CODE // _NS, _red, 0)
    pltpu.sync_copy(hist_v, hist_hbm.at[wid].at[pl.ds(0, 1)])


def _vq_sc(cbn_pad, idx2d):
    mesh = plsc.VectorSubcoreMesh(core_axis_name="c", subcore_axis_name="s")
    f = pl.kernel(
        _vq_sc_body,
        mesh=mesh,
        compiler_params=pltpu.CompilerParams(needs_layout_passes=False),
        out_type=[
            jax.ShapeDtypeStruct((_ROWS, _PAD), jnp.float32),
            jax.ShapeDtypeStruct((_NW, 8, _NUM_CODE), jnp.float32),
        ],
        scratch_types=[
            pltpu.VMEM((_RPW,), jnp.int32),
            pltpu.VMEM((_GROUP, _CHUNK, _PAD), jnp.float32),
            pltpu.VMEM((_NS, _NUM_CODE), jnp.float32),
            pltpu.VMEM((1, _NUM_CODE), jnp.float32),
            pltpu.SemaphoreType.DMA((_GROUP,)),
        ],
    )
    return f(cbn_pad, idx2d)


def kernel(encoded_patch_input, codebook):
    b, c, t, d = encoded_patch_input.shape
    rows = b * c * t

    cbn, cbnb = _cb_prep(codebook)
    idx3, maxsum = _vq_tc(encoded_patch_input, cbnb)
    idx = idx3.reshape(rows)

    out128, hist32 = _vq_sc(cbn, idx.reshape(_NW, _RPW))
    quantized = out128[:, :_CODE_DIM]
    hist = jnp.sum(hist32[:, 0, :], axis=0)

    total = jnp.float32(rows * d)
    loss = (1.0 + _COMMIT) * (2.0 * rows - 2.0 * maxsum[0, 0]) / total
    avg_probs = hist / rows
    perplexity = jnp.exp(-jnp.sum(avg_probs * jnp.log(avg_probs + 1e-10)))
    quantized_st = quantized.reshape(b, c, t, d)
    code_indices = idx.reshape(b, c, t)
    return (loss, quantized_st, perplexity, codebook, code_indices)

# --- scband reference (transcript-rebuilt; emitter-appended) ---
"""Pipeline reference for scband-coarse-quantizer-45157286150849 (READ-ONLY COPY).

The authoritative reference and input builder live on the scoring server;
editing this copy changes nothing except your own understanding.
"""

import jax, jax.numpy as jnp
import numpy as np

NUM_CODE = 1024
CODE_DIM = 64
COMMITMENT_COST = 0.25


def _l2norm(x, axis=-1, eps=1e-12):
    n = jnp.linalg.norm(x, axis=axis, keepdims=True)
    return x / jnp.maximum(n, eps)


def setup_inputs(seed: int = 0) -> dict:
    key = jax.random.key(seed)
    k1, k2 = jax.random.split(key)
    encoded_patch_input = jax.random.normal(k1, (16, 8, 576, 64), dtype=jnp.float32)
    codebook = jax.random.uniform(k2, (NUM_CODE, CODE_DIM), minval=-1.0 / NUM_CODE, maxval=1.0 / NUM_CODE, dtype=jnp.float32)
    return {"encoded_patch_input": encoded_patch_input, "codebook": codebook}


def reference(encoded_patch_input, codebook):
    # normalize inputs and codebook (cosine-similarity VQ)
    x = _l2norm(encoded_patch_input, axis=-1)
    cb = _l2norm(codebook, axis=-1)
    # similarity and hard assignment
    similarity = jnp.einsum('bctd,nd->bctn', x, cb)
    code_indices = jnp.argmax(similarity, axis=-1)
    one_hot_encodings = jax.nn.one_hot(code_indices, NUM_CODE, dtype=jnp.float32)
    quantized = jnp.einsum('bctn,nd->bctd', one_hot_encodings, cb)
    # VQ losses
    e_latent_loss = jnp.mean((jax.lax.stop_gradient(quantized) - x) ** 2)
    q_latent_loss = jnp.mean((quantized - jax.lax.stop_gradient(x)) ** 2)
    loss = q_latent_loss + COMMITMENT_COST * e_latent_loss
    # straight-through estimator
    quantized_st = x + jax.lax.stop_gradient(quantized - x)
    # perplexity
    avg_probs = jnp.mean(one_hot_encodings, axis=(0, 1, 2))
    perplexity = jnp.exp(-jnp.sum(avg_probs * jnp.log(avg_probs + 1e-10)))
    return (loss, quantized_st, perplexity, codebook, code_indices)

if __name__ == "__main__":
    import jax
    _d = setup_inputs()
    print(jax.jit(kernel)(*tuple(_d.values())))

</pallas_src>

<mosaic_0001>
#map = affine_map<(d0, d1) -> (0, 0)>
#map1 = affine_map<(d0, d1) -> (0, 0, 0)>
module attributes {stable_mosaic.version = 14 : i64} {
  func.func @_vq_sc_body(%arg0: i32, %arg1: i32, %arg2: memref<1024x128xf32, #tpu.memory_space<hbm>>, %arg3: memref<32x2304xi32, #tpu.memory_space<hbm>>, %arg4: memref<73728x128xf32, #tpu.memory_space<hbm>>, %arg5: memref<32x8x1024xf32, #tpu.memory_space<hbm>>, %arg6: memref<2304xi32, #tpu.memory_space<vmem>>, %arg7: memref<6x128x128xf32, #tpu.memory_space<vmem>>, %arg8: memref<16x1024xf32, #tpu.memory_space<vmem>>, %arg9: memref<1x1024xf32, #tpu.memory_space<vmem>>, %arg10: memref<6x!tpu.dma_semaphore, #tpu.memory_space<semaphore_mem>>) attributes {dimension_semantics = [#tpu.dimension_semantics<core_parallel>, #tpu.dimension_semantics<subcore_parallel>], iteration_bounds = array<i64: 2, 16>, scalar_prefetch = 0 : i64, scratch_operands = 5 : i64, tpu.core_type = #tpu.core_type<sc_vector_subcore>, window_params = [{transform_indices = #map}, {transform_indices = #map}, {transform_indices = #map}, {transform_indices = #map1}]} {
    %mul3A = arith.constant 2 : i32
    %mul3A_0 = arith.muli %arg1, %mul3A : i32
    %add3A = arith.addi %mul3A_0, %arg0 : i32
    "tpu.region"() ({
      %run_scoped3A_579 = tpu.sem_alloc : memref<!tpu.dma_semaphore, #tpu.memory_space<semaphore_mem>>
      %dma_start3A_580 = arith.constant 0 : i32
      %dma_start3A_581 = tpu.memref_slice %arg3[%add3A, %dma_start3A_580] : memref<32x2304xi32, #tpu.memory_space<hbm>> -> memref<1x2304xi32, #tpu.memory_space<hbm>>
      %dma_start3A_582 = tpu.memref_squeeze %dma_start3A_581 : memref<1x2304xi32, #tpu.memory_space<hbm>> -> memref<2304xi32, #tpu.memory_space<hbm>>
      %dma_start3A_583 = arith.constant 0 : i32
      %dma_start3A_584 = tpu.memref_slice %arg3[%add3A, %dma_start3A_583] : memref<32x2304xi32, #tpu.memory_space<hbm>> -> memref<1x2304xi32, #tpu.memory_space<hbm>>
      %dma_start3A_585 = tpu.memref_squeeze %dma_start3A_584 : memref<1x2304xi32, #tpu.memory_space<hbm>> -> memref<2304xi32, #tpu.memory_space<hbm>>
      tpu.enqueue_dma source(%dma_start3A_585 : memref<2304xi32, #tpu.memory_space<hbm>>) target(%arg6 : memref<2304xi32, #tpu.memory_space<vmem>>) target_semaphore(%run_scoped3A_579 : memref<!tpu.dma_semaphore, #tpu.memory_space<semaphore_mem>>)
      %dma_wait3A_586 = arith.constant 0 : i32
      %dma_wait3A_587 = tpu.memref_slice %arg3[%add3A, %dma_wait3A_586] : memref<32x2304xi32, #tpu.memory_space<hbm>> -> memref<1x2304xi32, #tpu.memory_space<hbm>>
      %dma_wait3A_588 = tpu.memref_squeeze %dma_wait3A_587 : memref<1x2304xi32, #tpu.memory_space<hbm>> -> memref<2304xi32, #tpu.memory_space<hbm>>
      %dma_wait3A_589 = arith.constant 0 : i32
      %dma_wait3A_590 = tpu.memref_slice %arg3[%add3A, %dma_wait3A_589] : memref<32x2304xi32, #tpu.memory_space<hbm>> -> memref<1x2304xi32, #tpu.memory_space<hbm>>
      %dma_wait3A_591 = tpu.memref_squeeze %dma_wait3A_590 : memref<1x2304xi32, #tpu.memory_space<hbm>> -> memref<2304xi32, #tpu.memory_space<hbm>>
      tpu.wait_dma2 semaphore(%run_scoped3A_579 : memref<!tpu.dma_semaphore, #tpu.memory_space<semaphore_mem>>) src(%dma_wait3A_591 : memref<2304xi32, #tpu.memory_space<hbm>>) dst(%arg6 : memref<2304xi32, #tpu.memory_space<vmem>>)
      tpu.yield
    }) : () -> ()
    %broadcast_in_dim3A = arith.constant 0.000000e+00 : f32
    %broadcast_in_dim3A_1 = vector.broadcast %broadcast_in_dim3A : f32 to vector<16xf32>
    %scan3A = arith.constant 0 : i32
    %scan3A_2 = arith.constant 0 : i32
    %scan3A_3 = arith.constant 64 : i32
    %scan3A_4 = arith.addi %scan3A_2, %scan3A_3 : i32
    %scan3A_5 = arith.constant 1 : i32
    %scan3A_6 = scf.for %scan3A_579 = %scan3A_2 to %scan3A_4 step %scan3A_5 iter_args(%scan3A_580 = %scan3A) -> (i32)  : i32 {
      %mul3A_581 = arith.constant 16 : i32
      %mul3A_582 = arith.muli %scan3A_579, %mul3A_581 : i32
      %swap3A = arith.constant 0 : i32
      %swap3A_583 = arith.index_cast %swap3A : i32 to index
      %swap3A_584 = arith.index_cast %mul3A_582 : i32 to index
      %swap3A_585 = tpu.vector_load %arg8[%swap3A_583, %swap3A_584] {strides = array<i32>} : memref<16x1024xf32, #tpu.memory_space<vmem>>, vector<16xf32>,
      tpu.vector_store %arg8[%swap3A_583, %swap3A_584], %broadcast_in_dim3A_1 {strides = array<i32>} : memref<16x1024xf32, #tpu.memory_space<vmem>>, vector<16xf32>,
      %mul3A_586 = arith.constant 16 : i32
      %mul3A_587 = arith.muli %scan3A_579, %mul3A_586 : i32
      %swap3A_588 = arith.constant 1 : i32
      %swap3A_589 = arith.index_cast %swap3A_588 : i32 to index
      %swap3A_590 = arith.index_cast %mul3A_587 : i32 to index
      %swap3A_591 = tpu.vector_load %arg8[%swap3A_589, %swap3A_590] {strides = array<i32>} : memref<16x1024xf32, #tpu.memory_space<vmem>>, vector<16xf32>,
      tpu.vector_store %arg8[%swap3A_589, %swap3A_590], %broadcast_in_dim3A_1 {strides = array<i32>} : memref<16x1024xf32, #tpu.memory_space<vmem>>, vector<16xf32>,
      %mul3A_592 = arith.constant 16 : i32
      %mul3A_593 = arith.muli %scan3A_579, %mul3A_592 : i32
      %swap3A_594 = arith.constant 2 : i32
      %swap3A_595 = arith.index_cast %swap3A_594 : i32 to index
      %swap3A_596 = arith.index_cast %mul3A_593 : i32 to index
      %swap3A_597 = tpu.vector_load %arg8[%swap3A_595, %swap3A_596] {strides = array<i32>} : memref<16x1024xf32, #tpu.memory_space<vmem>>, vector<16xf32>,
      tpu.vector_store %arg8[%swap3A_595, %swap3A_596], %broadcast_in_dim3A_1 {strides = array<i32>} : memref<16x1024xf32, #tpu.memory_space<vmem>>, vector<16xf32>,
      %mul3A_598 = arith.constant 16 : i32
      %mul3A_599 = arith.muli %scan3A_579, %mul3A_598 : i32
      %swap3A_600 = arith.constant 3 : i32
      %swap3A_601 = arith.index_cast %swap3A_600 : i32 to index
      %swap3A_602 = arith.index_cast %mul3A_599 : i32 to index
      %swap3A_603 = tpu.vector_load %arg8[%swap3A_601, %swap3A_602] {strides = array<i32>} : memref<16x1024xf32, #tpu.memory_space<vmem>>, vector<16xf32>,
      tpu.vector_store %arg8[%swap3A_601, %swap3A_602], %broadcast_in_dim3A_1 {strides = array<i32>} : memref<16x1024xf32, #tpu.memory_space<vmem>>, vector<16xf32>,
      %mul3A_604 = arith.constant 16 : i32
      %mul3A_605 = arith.muli %scan3A_579, %mul3A_604 : i32
      %swap3A_606 = arith.constant 4 : i32
      %swap3A_607 = arith.index_cast %swap3A_606 : i32 to index
      %swap3A_608 = arith.index_cast %mul3A_605 : i32 to index
      %swap3A_609 = tpu.vector_load %arg8[%swap3A_607, %swap3A_608] {strides = array<i32>} : memref<16x1024xf32, #tpu.memory_space<vmem>>, vector<16xf32>,
      tpu.vector_store %arg8[%swap3A_607, %swap3A_608], %broadcast_in_dim3A_1 {strides = array<i32>} : memref<16x1024xf32, #tpu.memory_space<vmem>>, vector<16xf32>,
      %mul3A_610 = arith.constant 16 : i32
      %mul3A_611 = arith.muli %scan3A_579, %mul3A_610 : i32
      %swap3A_612 = arith.constant 5 : i32
      %swap3A_613 = arith.index_cast %swap3A_612 : i32 to index
      %swap3A_614 = arith.index_cast %mul3A_611 : i32 to index
      %swap3A_615 = tpu.vector_load %arg8[%swap3A_613, %swap3A_614] {strides = array<i32>} : memref<16x1024xf32, #tpu.memory_space<vmem>>, vector<16xf32>,
      tpu.vector_store %arg8[%swap3A_613, %swap3A_614], %broadcast_in_dim3A_1 {strides = array<i32>} : memref<16x1024xf32, #tpu.memory_space<vmem>>, vector<16xf32>,
      %mul3A_616 = arith.constant 16 : i32
      %mul3A_617 = arith.muli %scan3A_579, %mul3A_616 : i32
      %swap3A_618 = arith.constant 6 : i32
      %swap3A_619 = arith.index_cast %swap3A_618 : i32 to index
      %swap3A_620 = arith.index_cast %mul3A_617 : i32 to index
      %swap3A_621 = tpu.vector_load %arg8[%swap3A_619, %swap3A_620] {strides = array<i32>} : memref<16x1024xf32, #tpu.memory_space<vmem>>, vector<16xf32>,
      tpu.vector_store %arg8[%swap3A_619, %swap3A_620], %broadcast_in_dim3A_1 {strides = array<i32>} : memref<16x1024xf32, #tpu.memory_space<vmem>>, vector<16xf32>,
      %mul3A_622 = arith.constant 16 : i32
      %mul3A_623 = arith.muli %scan3A_579, %mul3A_622 : i32
      %swap3A_624 = arith.constant 7 : i32
      %swap3A_625 = arith.index_cast %swap3A_624 : i32 to index
      %swap3A_626 = arith.index_cast %mul3A_623 : i32 to index
      %swap3A_627 = tpu.vector_load %arg8[%swap3A_625, %swap3A_626] {strides = array<i32>} : memref<16x1024xf32, #tpu.memory_space<vmem>>, vector<16xf32>,
      tpu.vector_store %arg8[%swap3A_625, %swap3A_626], %broadcast_in_dim3A_1 {strides = array<i32>} : memref<16x1024xf32, #tpu.memory_space<vmem>>, vector<16xf32>,
      %mul3A_628 = arith.constant 16 : i32
      %mul3A_629 = arith.muli %scan3A_579, %mul3A_628 : i32
      %swap3A_630 = arith.constant 8 : i32
      %swap3A_631 = arith.index_cast %swap3A_630 : i32 to index
      %swap3A_632 = arith.index_cast %mul3A_629 : i32 to index
      %swap3A_633 = tpu.vector_load %arg8[%swap3A_631, %swap3A_632] {strides = array<i32>} : memref<16x1024xf32, #tpu.memory_space<vmem>>, vector<16xf32>,
      tpu.vector_store %arg8[%swap3A_631, %swap3A_632], %broadcast_in_dim3A_1 {strides = array<i32>} : memref<16x1024xf32, #tpu.memory_space<vmem>>, vector<16xf32>,
      %mul3A_634 = arith.constant 16 : i32
      %mul3A_635 = arith.muli %scan3A_579, %mul3A_634 : i32
      %swap3A_636 = arith.constant 9 : i32
      %swap3A_637 = arith.index_cast %swap3A_636 : i32 to index
      %swap3A_638 = arith.index_cast %mul3A_635 : i32 to index
      %swap3A_639 = tpu.vector_load %arg8[%swap3A_637, %swap3A_638] {strides = array<i32>} : memref<16x1024xf32, #tpu.memory_space<vmem>>, vector<16xf32>,
      tpu.vector_store %arg8[%swap3A_637, %swap3A_638], %broadcast_in_dim3A_1 {strides = array<i32>} : memref<16x1024xf32, #tpu.memory_space<vmem>>, vector<16xf32>,
      %mul3A_640 = arith.constant 16 : i32
      %mul3A_641 = arith.muli %scan3A_579, %mul3A_640 : i32
      %swap3A_642 = arith.constant 10 : i32
      %swap3A_643 = arith.index_cast %swap3A_642 : i32 to index
      %swap3A_644 = arith.index_cast %mul3A_641 : i32 to index
      %swap3A_645 = tpu.vector_load %arg8[%swap3A_643, %swap3A_644] {strides = array<i32>} : memref<16x1024xf32, #tpu.memory_space<vmem>>, vector<16xf32>,
      tpu.vector_store %arg8[%swap3A_643, %swap3A_644], %broadcast_in_dim3A_1 {strides = array<i32>} : memref<16x1024xf32, #tpu.memory_space<vmem>>, vector<16xf32>,
      %mul3A_646 = arith.constant 16 : i32
      %mul3A_647 = arith.muli %scan3A_579, %mul3A_646 : i32
      %swap3A_648 = arith.constant 11 : i32
      %swap3A_649 = arith.index_cast %swap3A_648 : i32 to index
      %swap3A_650 = arith.index_cast %mul3A_647 : i32 to index
      %swap3A_651 = tpu.vector_load %arg8[%swap3A_649, %swap3A_650] {strides = array<i32>} : memref<16x1024xf32, #tpu.memory_space<vmem>>, vector<16xf32>,
      tpu.vector_store %arg8[%swap3A_649, %swap3A_650], %broadcast_in_dim3A_1 {strides = array<i32>} : memref<16x1024xf32, #tpu.memory_space<vmem>>, vector<16xf32>,
      %mul3A_652 = arith.constant 16 : i32
      %mul3A_653 = arith.muli %scan3A_579, %mul3A_652 : i32
      %swap3A_654 = arith.constant 12 : i32
      %swap3A_655 = arith.index_cast %swap3A_654 : i32 to index
      %swap3A_656 = arith.index_cast %mul3A_653 : i32 to index
      %swap3A_657 = tpu.vector_load %arg8[%swap3A_655, %swap3A_656] {strides = array<i32>} : memref<16x1024xf32, #tpu.memory_space<vmem>>, vector<16xf32>,
      tpu.vector_store %arg8[%swap3A_655, %swap3A_656], %broadcast_in_dim3A_1 {strides = array<i32>} : memref<16x1024xf32, #tpu.memory_space<vmem>>, vector<16xf32>,
      %mul3A_658 = arith.constant 16 : i32
      %mul3A_659 = arith.muli %scan3A_579, %mul3A_658 : i32
      %swap3A_660 = arith.constant 13 : i32
      %swap3A_661 = arith.index_cast %swap3A_660 : i32 to index
      %swap3A_662 = arith.index_cast %mul3A_659 : i32 to index
      %swap3A_663 = tpu.vector_load %arg8[%swap3A_661, %swap3A_662] {strides = array<i32>} : memref<16x1024xf32, #tpu.memory_space<vmem>>, vector<16xf32>,
      tpu.vector_store %arg8[%swap3A_661, %swap3A_662], %broadcast_in_dim3A_1 {strides = array<i32>} : memref<16x1024xf32, #tpu.memory_space<vmem>>, vector<16xf32>,
      %mul3A_664 = arith.constant 16 : i32
      %mul3A_665 = arith.muli %scan3A_579, %mul3A_664 : i32
      %swap3A_666 = arith.constant 14 : i32
      %swap3A_667 = arith.index_cast %swap3A_666 : i32 to index
      %swap3A_668 = arith.index_cast %mul3A_665 : i32 to index
      %swap3A_669 = tpu.vector_load %arg8[%swap3A_667, %swap3A_668] {strides = array<i32>} : memref<16x1024xf32, #tpu.memory_space<vmem>>, vector<16xf32>,
      tpu.vector_store %arg8[%swap3A_667, %swap3A_668], %broadcast_in_dim3A_1 {strides = array<i32>} : memref<16x1024xf32, #tpu.memory_space<vmem>>, vector<16xf32>,
      %mul3A_670 = arith.constant 16 : i32
      %mul3A_671 = arith.muli %scan3A_579, %mul3A_670 : i32
      %swap3A_672 = arith.constant 15 : i32
      %swap3A_673 = arith.index_cast %swap3A_672 : i32 to index
      %swap3A_674 = arith.index_cast %mul3A_671 : i32 to index
      %swap3A_675 = tpu.vector_load %arg8[%swap3A_673, %swap3A_674] {strides = array<i32>} : memref<16x1024xf32, #tpu.memory_space<vmem>>, vector<16xf32>,
      tpu.vector_store %arg8[%swap3A_673, %swap3A_674], %broadcast_in_dim3A_1 {strides = array<i32>} : memref<16x1024xf32, #tpu.memory_space<vmem>>, vector<16xf32>,
      %scan3A_676 = arith.constant 0 : i32
      scf.yield %scan3A_676 : i32
    }
    %scan3A_7 = arith.constant 64 : i32
    %iota3A = tpu.iota {dimensions = array<i32: 0>} : vector<16xi32>
    %broadcast_in_dim3A_8 = arith.constant 1.000000e+00 : f32
    %broadcast_in_dim3A_9 = vector.broadcast %broadcast_in_dim3A_8 : f32 to vector<16xf32>
    %dma_start3A = arith.constant 0 : i32
    %dma_start3A_10 = arith.constant 0 : i32
    %dma_start3A_11 = arith.constant 0 : i32
    %dma_start3A_12 = arith.constant 0 : i32
    %dma_start3A_13 = tpu.memref_slice %arg7[%dma_start3A, %dma_start3A_11, %dma_start3A_12] : memref<6x128x128xf32, #tpu.memory_space<vmem>> -> memref<1x128x128xf32, #tpu.memory_space<vmem>>
    %dma_start3A_14 = tpu.memref_squeeze %dma_start3A_13 : memref<1x128x128xf32, #tpu.memory_space<vmem>> -> memref<128x128xf32, #tpu.memory_space<vmem>>
    %dma_start3A_15 = arith.constant 0 : i32
    %dma_start3A_16 = tpu.memref_slice %arg6[%dma_start3A_15] : memref<2304xi32, #tpu.memory_space<vmem>> -> memref<128xi32, #tpu.memory_space<vmem>>
    %dma_start3A_17 = arith.constant 0 : i32
    %dma_start3A_18 = arith.constant 0 : i32
    %dma_start3A_19 = tpu.memref_slice %arg2[%dma_start3A_17, %dma_start3A_18] : memref<1024x128xf32, #tpu.memory_space<hbm>> -> memref<1024x128xf32, #tpu.memory_space<hbm>>
    %dma_start3A_20 = tpu.memref_slice %arg10[%dma_start3A_10] : memref<6x!tpu.dma_semaphore, #tpu.memory_space<semaphore_mem>> -> memref<1x!tpu.dma_semaphore, #tpu.memory_space<semaphore_mem>>
    %dma_start3A_21 = tpu.memref_squeeze %dma_start3A_20 : memref<1x!tpu.dma_semaphore, #tpu.memory_space<semaphore_mem>> -> memref<!tpu.dma_semaphore, #tpu.memory_space<semaphore_mem>>
    tpu.enqueue_indirect_dma source(%dma_start3A_19 : memref<1024x128xf32, #tpu.memory_space<hbm>>) target(%dma_start3A_14 : memref<128x128xf32, #tpu.memory_space<vmem>>) offsets(%dma_start3A_16 : memref<128xi32, #tpu.memory_space<vmem>>) semaphore(%dma_start3A_21 : memref<!tpu.dma_semaphore, #tpu.memory_space<semaphore_mem>>)
    %dma_start3A_22 = arith.constant 1 : i32
    %dma_start3A_23 = arith.constant 1 : i32
    %dma_start3A_24 = arith.constant 0 : i32
    %dma_start3A_25 = arith.constant 0 : i32
    %dma_start3A_26 = tpu.memref_slice %arg7[%dma_start3A_22, %dma_start3A_24, %dma_start3A_25] : memref<6x128x128xf32, #tpu.memory_space<vmem>> -> memref<1x128x128xf32, #tpu.memory_space<vmem>>
    %dma_start3A_27 = tpu.memref_squeeze %dma_start3A_26 : memref<1x128x128xf32, #tpu.memory_space<vmem>> -> memref<128x128xf32, #tpu.memory_space<vmem>>
    %dma_start3A_28 = arith.constant 128 : i32
    %dma_start3A_29 = tpu.memref_slice %arg6[%dma_start3A_28] : memref<2304xi32, #tpu.memory_space<vmem>> -> memref<128xi32, #tpu.memory_space<vmem>>
    %dma_start3A_30 = arith.constant 0 : i32
    %dma_start3A_31 = arith.constant 0 : i32
    %dma_start3A_32 = tpu.memref_slice %arg2[%dma_start3A_30, %dma_start3A_31] : memref<1024x128xf32, #tpu.memory_space<hbm>> -> memref<1024x128xf32, #tpu.memory_space<hbm>>
    %dma_start3A_33 = tpu.memref_slice %arg10[%dma_start3A_23] : memref<6x!tpu.dma_semaphore, #tpu.memory_space<semaphore_mem>> -> memref<1x!tpu.dma_semaphore, #tpu.memory_space<semaphore_mem>>
    %dma_start3A_34 = tpu.memref_squeeze %dma_start3A_33 : memref<1x!tpu.dma_semaphore, #tpu.memory_space<semaphore_mem>> -> memref<!tpu.dma_semaphore, #tpu.memory_space<semaphore_mem>>
    tpu.enqueue_indirect_dma source(%dma_start3A_32 : memref<1024x128xf32, #tpu.memory_space<hbm>>) target(%dma_start3A_27 : memref<128x128xf32, #tpu.memory_space<vmem>>) offsets(%dma_start3A_29 : memref<128xi32, #tpu.memory_space<vmem>>) semaphore(%dma_start3A_34 : memref<!tpu.dma_semaphore, #tpu.memory_space<semaphore_mem>>)
    %dma_start3A_35 = arith.constant 2 : i32
    %dma_start3A_36 = arith.constant 2 : i32
    %dma_start3A_37 = arith.constant 0 : i32
    %dma_start3A_38 = arith.constant 0 : i32
    %dma_start3A_39 = tpu.memref_slice %arg7[%dma_start3A_35, %dma_start3A_37, %dma_start3A_38] : memref<6x128x128xf32, #tpu.memory_space<vmem>> -> memref<1x128x128xf32, #tpu.memory_space<vmem>>
    %dma_start3A_40 = tpu.memref_squeeze %dma_start3A_39 : memref<1x128x128xf32, #tpu.memory_space<vmem>> -> memref<128x128xf32, #tpu.memory_space<vmem>>
    %dma_start3A_41 = arith.constant 256 : i32
    %dma_start3A_42 = tpu.memref_slice %arg6[%dma_start3A_41] : memref<2304xi32, #tpu.memory_space<vmem>> -> memref<128xi32, #tpu.memory_space<vmem>>
    %dma_start3A_43 = arith.constant 0 : i32
    %dma_start3A_44 = arith.constant 0 : i32
    %dma_start3A_45 = tpu.memref_slice %arg2[%dma_start3A_43, %dma_start3A_44] : memref<1024x128xf32, #tpu.memory_space<hbm>> -> memref<1024x128xf32, #tpu.memory_space<hbm>>
    %dma_start3A_46 = tpu.memref_slice %arg10[%dma_start3A_36] : memref<6x!tpu.dma_semaphore, #tpu.memory_space<semaphore_mem>> -> memref<1x!tpu.dma_semaphore, #tpu.memory_space<semaphore_mem>>
    %dma_start3A_47 = tpu.memref_squeeze %dma_start3A_46 : memref<1x!tpu.dma_semaphore, #tpu.memory_space<semaphore_mem>> -> memref<!tpu.dma_semaphore, #tpu.memory_space<semaphore_mem>>
    tpu.enqueue_indirect_dma source(%dma_start3A_45 : memref<1024x128xf32, #tpu.memory_space<hbm>>) target(%dma_start3A_40 : memref<128x128xf32, #tpu.memory_space<vmem>>) offsets(%dma_start3A_42 : memref<128xi32, #tpu.memory_space<vmem>>) semaphore(%dma_start3A_47 : memref<!tpu.dma_semaphore, #tpu.memory_space<semaphore_mem>>)
    %dma_start3A_48 = arith.constant 3 : i32
    %dma_start3A_49 = arith.constant 3 : i32
    %dma_start3A_50 = arith.constant 0 : i32
    %dma_start3A_51 = arith.constant 0 : i32
    %dma_start3A_52 = tpu.memref_slice %arg7[%dma_start3A_48, %dma_start3A_50, %dma_start3A_51] : memref<6x128x128xf32, #tpu.memory_space<vmem>> -> memref<1x128x128xf32, #tpu.memory_space<vmem>>
    %dma_start3A_53 = tpu.memref_squeeze %dma_start3A_52 : memref<1x128x128xf32, #tpu.memory_space<vmem>> -> memref<128x128xf32, #tpu.memory_space<vmem>>
    %dma_start3A_54 = arith.constant 384 : i32
    %dma_start3A_55 = tpu.memref_slice %arg6[%dma_start3A_54] : memref<2304xi32, #tpu.memory_space<vmem>> -> memref<128xi32, #tpu.memory_space<vmem>>
    %dma_start3A_56 = arith.constant 0 : i32
    %dma_start3A_57 = arith.constant 0 : i32
    %dma_start3A_58 = tpu.memref_slice %arg2[%dma_start3A_56, %dma_start3A_57] : memref<1024x128xf32, #tpu.memory_space<hbm>> -> memref<1024x128xf32, #tpu.memory_space<hbm>>
    %dma_start3A_59 = tpu.memref_slice %arg10[%dma_start3A_49] : memref<6x!tpu.dma_semaphore, #tpu.memory_space<semaphore_mem>> -> memref<1x!tpu.dma_semaphore, #tpu.memory_space<semaphore_mem>>
    %dma_start3A_60 = tpu.memref_squeeze %dma_start3A_59 : memref<1x!tpu.dma_semaphore, #tpu.memory_space<semaphore_mem>> -> memref<!tpu.dma_semaphore, #tpu.memory_space<semaphore_mem>>
    tpu.enqueue_indirect_dma source(%dma_start3A_58 : memref<1024x128xf32, #tpu.memory_space<hbm>>) target(%dma_start3A_53 : memref<128x128xf32, #tpu.memory_space<vmem>>) offsets(%dma_start3A_55 : memref<128xi32, #tpu.memory_space<vmem>>) semaphore(%dma_start3A_60 : memref<!tpu.dma_semaphore, #tpu.memory_space<semaphore_mem>>)
    %dma_start3A_61 = arith.constant 4 : i32
    %dma_start3A_62 = arith.constant 4 : i32
    %dma_start3A_63 = arith.constant 0 : i32
    %dma_start3A_64 = arith.constant 0 : i32
    %dma_start3A_65 = tpu.memref_slice %arg7[%dma_start3A_61, %dma_start3A_63, %dma_start3A_64] : memref<6x128x128xf32, #tpu.memory_space<vmem>> -> memref<1x128x128xf32, #tpu.memory_space<vmem>>
    %dma_start3A_66 = tpu.memref_squeeze %dma_start3A_65 : memref<1x128x128xf32, #tpu.memory_space<vmem>> -> memref<128x128xf32, #tpu.memory_space<vmem>>
    %dma_start3A_67 = arith.constant 512 : i32
    %dma_start3A_68 = tpu.memref_slice %arg6[%dma_start3A_67] : memref<2304xi32, #tpu.memory_space<vmem>> -> memref<128xi32, #tpu.memory_space<vmem>>
    %dma_start3A_69 = arith.constant 0 : i32
    %dma_start3A_70 = arith.constant 0 : i32
    %dma_start3A_71 = tpu.memref_slice %arg2[%dma_start3A_69, %dma_start3A_70] : memref<1024x128xf32, #tpu.memory_space<hbm>> -> memref<1024x128xf32, #tpu.memory_space<hbm>>
    %dma_start3A_72 = tpu.memref_slice %arg10[%dma_start3A_62] : memref<6x!tpu.dma_semaphore, #tpu.memory_space<semaphore_mem>> -> memref<1x!tpu.dma_semaphore, #tpu.memory_space<semaphore_mem>>
    %dma_start3A_73 = tpu.memref_squeeze %dma_start3A_72 : memref<1x!tpu.dma_semaphore, #tpu.memory_space<semaphore_mem>> -> memref<!tpu.dma_semaphore, #tpu.memory_space<semaphore_mem>>
    tpu.enqueue_indirect_dma source(%dma_start3A_71 : memref<1024x128xf32, #tpu.memory_space<hbm>>) target(%dma_start3A_66 : memref<128x128xf32, #tpu.memory_space<vmem>>) offsets(%dma_start3A_68 : memref<128xi32, #tpu.memory_space<vmem>>) semaphore(%dma_start3A_73 : memref<!tpu.dma_semaphore, #tpu.memory_space<semaphore_mem>>)
    %dma_start3A_74 = arith.constant 5 : i32
    %dma_start3A_75 = arith.constant 5 : i32
    %dma_start3A_76 = arith.constant 0 : i32
    %dma_start3A_77 = arith.constant 0 : i32
    %dma_start3A_78 = tpu.memref_slice %arg7[%dma_start3A_74, %dma_start3A_76, %dma_start3A_77] : memref<6x128x128xf32, #tpu.memory_space<vmem>> -> memref<1x128x128xf32, #tpu.memory_space<vmem>>
    %dma_start3A_79 = tpu.memref_squeeze %dma_start3A_78 : memref<1x128x128xf32, #tpu.memory_space<vmem>> -> memref<128x128xf32, #tpu.memory_space<vmem>>
    %dma_start3A_80 = arith.constant 640 : i32
    %dma_start3A_81 = tpu.memref_slice %arg6[%dma_start3A_80] : memref<2304xi32, #tpu.memory_space<vmem>> -> memref<128xi32, #tpu.memory_space<vmem>>
    %dma_start3A_82 = arith.constant 0 : i32
    %dma_start3A_83 = arith.constant 0 : i32
    %dma_start3A_84 = tpu.memref_slice %arg2[%dma_start3A_82, %dma_start3A_83] : memref<1024x128xf32, #tpu.memory_space<hbm>> -> memref<1024x128xf32, #tpu.memory_space<hbm>>
    %dma_start3A_85 = tpu.memref_slice %arg10[%dma_start3A_75] : memref<6x!tpu.dma_semaphore, #tpu.memory_space<semaphore_mem>> -> memref<1x!tpu.dma_semaphore, #tpu.memory_space<semaphore_mem>>
    %dma_start3A_86 = tpu.memref_squeeze %dma_start3A_85 : memref<1x!tpu.dma_semaphore, #tpu.memory_space<semaphore_mem>> -> memref<!tpu.dma_semaphore, #tpu.memory_space<semaphore_mem>>
    tpu.enqueue_indirect_dma source(%dma_start3A_84 : memref<1024x128xf32, #tpu.memory_space<hbm>>) target(%dma_start3A_79 : memref<128x128xf32, #tpu.memory_space<vmem>>) offsets(%dma_start3A_81 : memref<128xi32, #tpu.memory_space<vmem>>) semaphore(%dma_start3A_86 : memref<!tpu.dma_semaphore, #tpu.memory_space<semaphore_mem>>)
    %scan3A_87 = arith.constant 0 : i32
    %scan3A_88 = arith.constant 0 : i32
    %scan3A_89 = arith.constant 144 : i32
    %scan3A_90 = arith.addi %scan3A_88, %scan3A_89 : i32
    %scan3A_91 = arith.constant 1 : i32
    %scan3A_92 = scf.for %scan3A_579 = %scan3A_88 to %scan3A_90 step %scan3A_91 iter_args(%scan3A_580 = %scan3A_87) -> (i32)  : i32 {
      %mul3A_581 = arith.constant 16 : i32
      %mul3A_582 = arith.muli %scan3A_579, %mul3A_581 : i32
      %get3A = arith.index_cast %mul3A_582 : i32 to index
      %get3A_583 = tpu.vector_load %arg6[%get3A] {strides = array<i32>} : memref<2304xi32, #tpu.memory_space<vmem>>, vector<16xi32>,
      tpu.vector_store_idx %arg8[%iota3A, %get3A_583], %broadcast_in_dim3A_9 {add = true} : memref<16x1024xf32, #tpu.memory_space<vmem>>[vector<16xi32>, vector<16xi32>], vector<16xf32>,
      %scan3A_584 = arith.constant 0 : i32
      scf.yield %scan3A_584 : i32
    }
    %scan3A_93 = arith.constant 144 : i32
    %dma_wait3A = arith.constant 0 : i32
    %dma_wait3A_94 = arith.constant 0 : i32
    %dma_wait3A_95 = arith.constant 0 : i32
    %dma_wait3A_96 = arith.constant 0 : i32
    %dma_wait3A_97 = tpu.memref_slice %arg7[%dma_wait3A, %dma_wait3A_95, %dma_wait3A_96] : memref<6x128x128xf32, #tpu.memory_space<vmem>> -> memref<1x128x128xf32, #tpu.memory_space<vmem>>
    %dma_wait3A_98 = tpu.memref_squeeze %dma_wait3A_97 : memref<1x128x128xf32, #tpu.memory_space<vmem>> -> memref<128x128xf32, #tpu.memory_space<vmem>>
    %dma_wait3A_99 = arith.constant 0 : i32
    %dma_wait3A_100 = tpu.memref_slice %arg6[%dma_wait3A_99] : memref<2304xi32, #tpu.memory_space<vmem>> -> memref<128xi32, #tpu.memory_space<vmem>>
    %dma_wait3A_101 = arith.constant 0 : i32
    %dma_wait3A_102 = arith.constant 0 : i32
    %dma_wait3A_103 = tpu.memref_slice %arg2[%dma_wait3A_101, %dma_wait3A_102] : memref<1024x128xf32, #tpu.memory_space<hbm>> -> memref<1024x128xf32, #tpu.memory_space<hbm>>
    %dma_wait3A_104 = tpu.memref_slice %arg10[%dma_wait3A_94] : memref<6x!tpu.dma_semaphore, #tpu.memory_space<semaphore_mem>> -> memref<1x!tpu.dma_semaphore, #tpu.memory_space<semaphore_mem>>
    %dma_wait3A_105 = tpu.memref_squeeze %dma_wait3A_104 : memref<1x!tpu.dma_semaphore, #tpu.memory_space<semaphore_mem>> -> memref<!tpu.dma_semaphore, #tpu.memory_space<semaphore_mem>>
    tpu.wait_indirect_dma semaphore(%dma_wait3A_105 : memref<!tpu.dma_semaphore, #tpu.memory_space<semaphore_mem>>) src(%dma_wait3A_103 : memref<1024x128xf32, #tpu.memory_space<hbm>>) dst(%dma_wait3A_98 : memref<128x128xf32, #tpu.memory_space<vmem>>)
    %mul3A_106 = arith.constant 2304 : i32
    %mul3A_107 = arith.muli %add3A, %mul3A_106 : i32
    %add3A_108 = arith.constant 0 : i32
    %add3A_109 = arith.addi %mul3A_107, %add3A_108 : i32
    %run_scoped3A = arith.constant 0 : i32
    "tpu.region"() ({
      %run_scoped3A_579 = tpu.sem_alloc : memref<!tpu.dma_semaphore, #tpu.memory_space<semaphore_mem>>
      %dma_start3A_580 = arith.constant 0 : i32
      %dma_start3A_581 = arith.constant 0 : i32
      %dma_start3A_582 = tpu.memref_slice %arg7[%run_scoped3A, %dma_start3A_580, %dma_start3A_581] : memref<6x128x128xf32, #tpu.memory_space<vmem>> -> memref<1x128x128xf32, #tpu.memory_space<vmem>>
      %dma_start3A_583 = tpu.memref_squeeze %dma_start3A_582 : memref<1x128x128xf32, #tpu.memory_space<vmem>> -> memref<128x128xf32, #tpu.memory_space<vmem>>
      %dma_start3A_584 = arith.constant 0 : i32
      %dma_start3A_585 = tpu.memref_slice %arg4[%add3A_109, %dma_start3A_584] : memref<73728x128xf32, #tpu.memory_space<hbm>> -> memref<128x128xf32, #tpu.memory_space<hbm>>
      %dma_start3A_586 = arith.constant 0 : i32
      %dma_start3A_587 = tpu.memref_slice %arg4[%add3A_109, %dma_start3A_586] : memref<73728x128xf32, #tpu.memory_space<hbm>> -> memref<128x128xf32, #tpu.memory_space<hbm>>
      %dma_start3A_588 = arith.constant 0 : i32
      %dma_start3A_589 = arith.constant 0 : i32
      %dma_start3A_590 = tpu.memref_slice %arg7[%run_scoped3A, %dma_start3A_588, %dma_start3A_589] : memref<6x128x128xf32, #tpu.memory_space<vmem>> -> memref<1x128x128xf32, #tpu.memory_space<vmem>>
      %dma_start3A_591 = tpu.memref_squeeze %dma_start3A_590 : memref<1x128x128xf32, #tpu.memory_space<vmem>> -> memref<128x128xf32, #tpu.memory_space<vmem>>
      tpu.enqueue_dma source(%dma_start3A_591 : memref<128x128xf32, #tpu.memory_space<vmem>>) target(%dma_start3A_587 : memref<128x128xf32, #tpu.memory_space<hbm>>) target_semaphore(%run_scoped3A_579 : memref<!tpu.dma_semaphore, #tpu.memory_space<semaphore_mem>>)
      %dma_wait3A_592 = arith.constant 0 : i32
      %dma_wait3A_593 = arith.constant 0 : i32
      %dma_wait3A_594 = tpu.memref_slice %arg7[%run_scoped3A, %dma_wait3A_592, %dma_wait3A_593] : memref<6x128x128xf32, #tpu.memory_space<vmem>> -> memref<1x128x128xf32, #tpu.memory_space<vmem>>
      %dma_wait3A_595 = tpu.memref_squeeze %dma_wait3A_594 : memref<1x128x128xf32, #tpu.memory_space<vmem>> -> memref<128x128xf32, #tpu.memory_space<vmem>>
      %dma_wait3A_596 = arith.constant 0 : i32
      %dma_wait3A_597 = tpu.memref_slice %arg4[%add3A_109, %dma_wait3A_596] : memref<73728x128xf32, #tpu.memory_space<hbm>> -> memref<128x128xf32, #tpu.memory_space<hbm>>
      %dma_wait3A_598 = arith.constant 0 : i32
      %dma_wait3A_599 = tpu.memref_slice %arg4[%add3A_109, %dma_wait3A_598] : memref<73728x128xf32, #tpu.memory_space<hbm>> -> memref<128x128xf32, #tpu.memory_space<hbm>>
      %dma_wait3A_600 = arith.constant 0 : i32
      %dma_wait3A_601 = arith.constant 0 : i32
      %dma_wait3A_602 = tpu.memref_slice %arg7[%run_scoped3A, %dma_wait3A_600, %dma_wait3A_601] : memref<6x128x128xf32, #tpu.memory_space<vmem>> -> memref<1x128x128xf32, #tpu.memory_space<vmem>>
      %dma_wait3A_603 = tpu.memref_squeeze %dma_wait3A_602 : memref<1x128x128xf32, #tpu.memory_space<vmem>> -> memref<128x128xf32, #tpu.memory_space<vmem>>
      tpu.wait_dma2 semaphore(%run_scoped3A_579 : memref<!tpu.dma_semaphore, #tpu.memory_space<semaphore_mem>>) src(%dma_wait3A_603 : memref<128x128xf32, #tpu.memory_space<vmem>>) dst(%dma_wait3A_599 : memref<128x128xf32, #tpu.memory_space<hbm>>)
      tpu.yield
    }) : () -> ()
    %dma_start3A_110 = arith.constant 0 : i32
    %dma_start3A_111 = arith.constant 0 : i32
    %dma_start3A_112 = arith.constant 0 : i32
    %dma_start3A_113 = arith.constant 0 : i32
    %dma_start3A_114 = tpu.memref_slice %arg7[%dma_start3A_110, %dma_start3A_112, %dma_start3A_113] : memref<6x128x128xf32, #tpu.memory_space<vmem>> -> memref<1x128x128xf32, #tpu.memory_space<vmem>>
    %dma_start3A_115 = tpu.memref_squeeze %dma_start3A_114 : memref<1x128x128xf32, #tpu.memory_space<vmem>> -> memref<128x128xf32, #tpu.memory_space<vmem>>
    %dma_start3A_116 = arith.constant 768 : i32
    %dma_start3A_117 = tpu.memref_slice %arg6[%dma_start3A_116] : memref<2304xi32, #tpu.memory_space<vmem>> -> memref<128xi32, #tpu.memory_space<vmem>>
    %dma_start3A_118 = arith.constant 0 : i32
    %dma_start3A_119 = arith.constant 0 : i32
    %dma_start3A_120 = tpu.memref_slice %arg2[%dma_start3A_118, %dma_start3A_119] : memref<1024x128xf32, #tpu.memory_space<hbm>> -> memref<1024x128xf32, #tpu.memory_space<hbm>>
    %dma_start3A_121 = tpu.memref_slice %arg10[%dma_start3A_111] : memref<6x!tpu.dma_semaphore, #tpu.memory_space<semaphore_mem>> -> memref<1x!tpu.dma_semaphore, #tpu.memory_space<semaphore_mem>>
    %dma_start3A_122 = tpu.memref_squeeze %dma_start3A_121 : memref<1x!tpu.dma_semaphore, #tpu.memory_space<semaphore_mem>> -> memref<!tpu.dma_semaphore, #tpu.memory_space<semaphore_mem>>
    tpu.enqueue_indirect_dma source(%dma_start3A_120 : memref<1024x128xf32, #tpu.memory_space<hbm>>) target(%dma_start3A_115 : memref<128x128xf32, #tpu.memory_space<vmem>>) offsets(%dma_start3A_117 : memref<128xi32, #tpu.memory_space<vmem>>) semaphore(%dma_start3A_122 : memref<!tpu.dma_semaphore, #tpu.memory_space<semaphore_mem>>)
    %dma_wait3A_123 = arith.constant 1 : i32
    %dma_wait3A_124 = arith.constant 1 : i32
    %dma_wait3A_125 = arith.constant 0 : i32
    %dma_wait3A_126 = arith.constant 0 : i32
    %dma_wait3A_127 = tpu.memref_slice %arg7[%dma_wait3A_123, %dma_wait3A_125, %dma_wait3A_126] : memref<6x128x128xf32, #tpu.memory_space<vmem>> -> memref<1x128x128xf32, #tpu.memory_space<vmem>>
    %dma_wait3A_128 = tpu.memref_squeeze %dma_wait3A_127 : memref<1x128x128xf32, #tpu.memory_space<vmem>> -> memref<128x128xf32, #tpu.memory_space<vmem>>
    %dma_wait3A_129 = arith.constant 128 : i32
    %dma_wait3A_130 = tpu.memref_slice %arg6[%dma_wait3A_129] : memref<2304xi32, #tpu.memory_space<vmem>> -> memref<128xi32, #tpu.memory_space<vmem>>
    %dma_wait3A_131 = arith.constant 0 : i32
    %dma_wait3A_132 = arith.constant 0 : i32
    %dma_wait3A_133 = tpu.memref_slice %arg2[%dma_wait3A_131, %dma_wait3A_132] : memref<1024x128xf32, #tpu.memory_space<hbm>> -> memref<1024x128xf32, #tpu.memory_space<hbm>>
    %dma_wait3A_134 = tpu.memref_slice %arg10[%dma_wait3A_124] : memref<6x!tpu.dma_semaphore, #tpu.memory_space<semaphore_mem>> -> memref<1x!tpu.dma_semaphore, #tpu.memory_space<semaphore_mem>>
    %dma_wait3A_135 = tpu.memref_squeeze %dma_wait3A_134 : memref<1x!tpu.dma_semaphore, #tpu.memory_space<semaphore_mem>> -> memref<!tpu.dma_semaphore, #tpu.memory_space<semaphore_mem>>
    tpu.wait_indirect_dma semaphore(%dma_wait3A_135 : memref<!tpu.dma_semaphore, #tpu.memory_space<semaphore_mem>>) src(%dma_wait3A_133 : memref<1024x128xf32, #tpu.memory_space<hbm>>) dst(%dma_wait3A_128 : memref<128x128xf32, #tpu.memory_space<vmem>>)
    %mul3A_136 = arith.constant 2304 : i32
    %mul3A_137 = arith.muli %add3A, %mul3A_136 : i32
    %add3A_138 = arith.constant 128 : i32
    %add3A_139 = arith.addi %mul3A_137, %add3A_138 : i32
    %run_scoped3A_140 = arith.constant 1 : i32
    "tpu.region"() ({
      %run_scoped3A_579 = tpu.sem_alloc : memref<!tpu.dma_semaphore, #tpu.memory_space<semaphore_mem>>
      %dma_start3A_580 = arith.constant 0 : i32
      %dma_start3A_581 = arith.constant 0 : i32
      %dma_start3A_582 = tpu.memref_slice %arg7[%run_scoped3A_140, %dma_start3A_580, %dma_start3A_581] : memref<6x128x128xf32, #tpu.memory_space<vmem>> -> memref<1x128x128xf32, #tpu.memory_space<vmem>>
      %dma_start3A_583 = tpu.memref_squeeze %dma_start3A_582 : memref<1x128x128xf32, #tpu.memory_space<vmem>> -> memref<128x128xf32, #tpu.memory_space<vmem>>
      %dma_start3A_584 = arith.constant 0 : i32
      %dma_start3A_585 = tpu.memref_slice %arg4[%add3A_139, %dma_start3A_584] : memref<73728x128xf32, #tpu.memory_space<hbm>> -> memref<128x128xf32, #tpu.memory_space<hbm>>
      %dma_start3A_586 = arith.constant 0 : i32
      %dma_start3A_587 = tpu.memref_slice %arg4[%add3A_139, %dma_start3A_586] : memref<73728x128xf32, #tpu.memory_space<hbm>> -> memref<128x128xf32, #tpu.memory_space<hbm>>
      %dma_start3A_588 = arith.constant 0 : i32
      %dma_start3A_589 = arith.constant 0 : i32
      %dma_start3A_590 = tpu.memref_slice %arg7[%run_scoped3A_140, %dma_start3A_588, %dma_start3A_589] : memref<6x128x128xf32, #tpu.memory_space<vmem>> -> memref<1x128x128xf32, #tpu.memory_space<vmem>>
      %dma_start3A_591 = tpu.memref_squeeze %dma_start3A_590 : memref<1x128x128xf32, #tpu.memory_space<vmem>> -> memref<128x128xf32, #tpu.memory_space<vmem>>
      tpu.enqueue_dma source(%dma_start3A_591 : memref<128x128xf32, #tpu.memory_space<vmem>>) target(%dma_start3A_587 : memref<128x128xf32, #tpu.memory_space<hbm>>) target_semaphore(%run_scoped3A_579 : memref<!tpu.dma_semaphore, #tpu.memory_space<semaphore_mem>>)
      %dma_wait3A_592 = arith.constant 0 : i32
      %dma_wait3A_593 = arith.constant 0 : i32
      %dma_wait3A_594 = tpu.memref_slice %arg7[%run_scoped3A_140, %dma_wait3A_592, %dma_wait3A_593] : memref<6x128x128xf32, #tpu.memory_space<vmem>> -> memref<1x128x128xf32, #tpu.memory_space<vmem>>
      %dma_wait3A_595 = tpu.memref_squeeze %dma_wait3A_594 : memref<1x128x128xf32, #tpu.memory_space<vmem>> -> memref<128x128xf32, #tpu.memory_space<vmem>>
      %dma_wait3A_596 = arith.constant 0 : i32
      %dma_wait3A_597 = tpu.memref_slice %arg4[%add3A_139, %dma_wait3A_596] : memref<73728x128xf32, #tpu.memory_space<hbm>> -> memref<128x128xf32, #tpu.memory_space<hbm>>
      %dma_wait3A_598 = arith.constant 0 : i32
      %dma_wait3A_599 = tpu.memref_slice %arg4[%add3A_139, %dma_wait3A_598] : memref<73728x128xf32, #tpu.memory_space<hbm>> -> memref<128x128xf32, #tpu.memory_space<hbm>>
      %dma_wait3A_600 = arith.constant 0 : i32
      %dma_wait3A_601 = arith.constant 0 : i32
      %dma_wait3A_602 = tpu.memref_slice %arg7[%run_scoped3A_140, %dma_wait3A_600, %dma_wait3A_601] : memref<6x128x128xf32, #tpu.memory_space<vmem>> -> memref<1x128x128xf32, #tpu.memory_space<vmem>>
      %dma_wait3A_603 = tpu.memref_squeeze %dma_wait3A_602 : memref<1x128x128xf32, #tpu.memory_space<vmem>> -> memref<128x128xf32, #tpu.memory_space<vmem>>
      tpu.wait_dma2 semaphore(%run_scoped3A_579 : memref<!tpu.dma_semaphore, #tpu.memory_space<semaphore_mem>>) src(%dma_wait3A_603 : memref<128x128xf32, #tpu.memory_space<vmem>>) dst(%dma_wait3A_599 : memref<128x128xf32, #tpu.memory_space<hbm>>)
      tpu.yield
    }) : () -> ()
    %dma_start3A_141 = arith.constant 1 : i32
    %dma_start3A_142 = arith.constant 1 : i32
    %dma_start3A_143 = arith.constant 0 : i32
    %dma_start3A_144 = arith.constant 0 : i32
    %dma_start3A_145 = tpu.memref_slice %arg7[%dma_start3A_141, %dma_start3A_143, %dma_start3A_144] : memref<6x128x128xf32, #tpu.memory_space<vmem>> -> memref<1x128x128xf32, #tpu.memory_space<vmem>>
    %dma_start3A_146 = tpu.memref_squeeze %dma_start3A_145 : memref<1x128x128xf32, #tpu.memory_space<vmem>> -> memref<128x128xf32, #tpu.memory_space<vmem>>
    %dma_start3A_147 = arith.constant 896 : i32
    %dma_start3A_148 = tpu.memref_slice %arg6[%dma_start3A_147] : memref<2304xi32, #tpu.memory_space<vmem>> -> memref<128xi32, #tpu.memory_space<vmem>>
    %dma_start3A_149 = arith.constant 0 : i32
    %dma_start3A_150 = arith.constant 0 : i32
    %dma_start3A_151 = tpu.memref_slice %arg2[%dma_start3A_149, %dma_start3A_150] : memref<1024x128xf32, #tpu.memory_space<hbm>> -> memref<1024x128xf32, #tpu.memory_space<hbm>>
    %dma_start3A_152 = tpu.memref_slice %arg10[%dma_start3A_142] : memref<6x!tpu.dma_semaphore, #tpu.memory_space<semaphore_mem>> -> memref<1x!tpu.dma_semaphore, #tpu.memory_space<semaphore_mem>>
    %dma_start3A_153 = tpu.memref_squeeze %dma_start3A_152 : memref<1x!tpu.dma_semaphore, #tpu.memory_space<semaphore_mem>> -> memref<!tpu.dma_semaphore, #tpu.memory_space<semaphore_mem>>
    tpu.enqueue_indirect_dma source(%dma_start3A_151 : memref<1024x128xf32, #tpu.memory_space<hbm>>) target(%dma_start3A_146 : memref<128x128xf32, #tpu.memory_space<vmem>>) offsets(%dma_start3A_148 : memref<128xi32, #tpu.memory_space<vmem>>) semaphore(%dma_start3A_153 : memref<!tpu.dma_semaphore, #tpu.memory_space<semaphore_mem>>)
    %dma_wait3A_154 = arith.constant 2 : i32
    %dma_wait3A_155 = arith.constant 2 : i32
    %dma_wait3A_156 = arith.constant 0 : i32
    %dma_wait3A_157 = arith.constant 0 : i32
    %dma_wait3A_158 = tpu.memref_slice %arg7[%dma_wait3A_154, %dma_wait3A_156, %dma_wait3A_157] : memref<6x128x128xf32, #tpu.memory_space<vmem>> -> memref<1x128x128xf32, #tpu.memory_space<vmem>>
    %dma_wait3A_159 = tpu.memref_squeeze %dma_wait3A_158 : memref<1x128x128xf32, #tpu.memory_space<vmem>> -> memref<128x128xf32, #tpu.memory_space<vmem>>
    %dma_wait3A_160 = arith.constant 256 : i32
    %dma_wait3A_161 = tpu.memref_slice %arg6[%dma_wait3A_160] : memref<2304xi32, #tpu.memory_space<vmem>> -> memref<128xi32, #tpu.memory_space<vmem>>
    %dma_wait3A_162 = arith.constant 0 : i32
    %dma_wait3A_163 = arith.constant 0 : i32
    %dma_wait3A_164 = tpu.memref_slice %arg2[%dma_wait3A_162, %dma_wait3A_163] : memref<1024x128xf32, #tpu.memory_space<hbm>> -> memref<1024x128xf32, #tpu.memory_space<hbm>>
    %dma_wait3A_165 = tpu.memref_slice %arg10[%dma_wait3A_155] : memref<6x!tpu.dma_semaphore, #tpu.memory_space<semaphore_mem>> -> memref<1x!tpu.dma_semaphore, #tpu.memory_space<semaphore_mem>>
    %dma_wait3A_166 = tpu.memref_squeeze %dma_wait3A_165 : memref<1x!tpu.dma_semaphore, #tpu.memory_space<semaphore_mem>> -> memref<!tpu.dma_semaphore, #tpu.memory_space<semaphore_mem>>
    tpu.wait_indirect_dma semaphore(%dma_wait3A_166 : memref<!tpu.dma_semaphore, #tpu.memory_space<semaphore_mem>>) src(%dma_wait3A_164 : memref<1024x128xf32, #tpu.memory_space<hbm>>) dst(%dma_wait3A_159 : memref<128x128xf32, #tpu.memory_space<vmem>>)
    %mul3A_167 = arith.constant 2304 : i32
    %mul3A_168 = arith.muli %add3A, %mul3A_167 : i32
    %add3A_169 = arith.constant 256 : i32
    %add3A_170 = arith.addi %mul3A_168, %add3A_169 : i32
    %run_scoped3A_171 = arith.constant 2 : i32
    "tpu.region"() ({
      %run_scoped3A_579 = tpu.sem_alloc : memref<!tpu.dma_semaphore, #tpu.memory_space<semaphore_mem>>
      %dma_start3A_580 = arith.constant 0 : i32
      %dma_start3A_581 = arith.constant 0 : i32
      %dma_start3A_582 = tpu.memref_slice %arg7[%run_scoped3A_171, %dma_start3A_580, %dma_start3A_581] : memref<6x128x128xf32, #tpu.memory_space<vmem>> -> memref<1x128x128xf32, #tpu.memory_space<vmem>>
      %dma_start3A_583 = tpu.memref_squeeze %dma_start3A_582 : memref<1x128x128xf32, #tpu.memory_space<vmem>> -> memref<128x128xf32, #tpu.memory_space<vmem>>
      %dma_start3A_584 = arith.constant 0 : i32
      %dma_start3A_585 = tpu.memref_slice %arg4[%add3A_170, %dma_start3A_584] : memref<73728x128xf32, #tpu.memory_space<hbm>> -> memref<128x128xf32, #tpu.memory_space<hbm>>
      %dma_start3A_586 = arith.constant 0 : i32
      %dma_start3A_587 = tpu.memref_slice %arg4[%add3A_170, %dma_start3A_586] : memref<73728x128xf32, #tpu.memory_space<hbm>> -> memref<128x128xf32, #tpu.memory_space<hbm>>
      %dma_start3A_588 = arith.constant 0 : i32
      %dma_start3A_589 = arith.constant 0 : i32
      %dma_start3A_590 = tpu.memref_slice %arg7[%run_scoped3A_171, %dma_start3A_588, %dma_start3A_589] : memref<6x128x128xf32, #tpu.memory_space<vmem>> -> memref<1x128x128xf32, #tpu.memory_space<vmem>>
      %dma_start3A_591 = tpu.memref_squeeze %dma_start3A_590 : memref<1x128x128xf32, #tpu.memory_space<vmem>> -> memref<128x128xf32, #tpu.memory_space<vmem>>
      tpu.enqueue_dma source(%dma_start3A_591 : memref<128x128xf32, #tpu.memory_space<vmem>>) target(%dma_start3A_587 : memref<128x128xf32, #tpu.memory_space<hbm>>) target_semaphore(%run_scoped3A_579 : memref<!tpu.dma_semaphore, #tpu.memory_space<semaphore_mem>>)
      %dma_wait3A_592 = arith.constant 0 : i32
      %dma_wait3A_593 = arith.constant 0 : i32
      %dma_wait3A_594 = tpu.memref_slice %arg7[%run_scoped3A_171, %dma_wait3A_592, %dma_wait3A_593] : memref<6x128x128xf32, #tpu.memory_space<vmem>> -> memref<1x128x128xf32, #tpu.memory_space<vmem>>
      %dma_wait3A_595 = tpu.memref_squeeze %dma_wait3A_594 : memref<1x128x128xf32, #tpu.memory_space<vmem>> -> memref<128x128xf32, #tpu.memory_space<vmem>>
      %dma_wait3A_596 = arith.constant 0 : i32
      %dma_wait3A_597 = tpu.memref_slice %arg4[%add3A_170, %dma_wait3A_596] : memref<73728x128xf32, #tpu.memory_space<hbm>> -> memref<128x128xf32, #tpu.memory_space<hbm>>
      %dma_wait3A_598 = arith.constant 0 : i32
      %dma_wait3A_599 = tpu.memref_slice %arg4[%add3A_170, %dma_wait3A_598] : memref<73728x128xf32, #tpu.memory_space<hbm>> -> memref<128x128xf32, #tpu.memory_space<hbm>>
      %dma_wait3A_600 = arith.constant 0 : i32
      %dma_wait3A_601 = arith.constant 0 : i32
      %dma_wait3A_602 = tpu.memref_slice %arg7[%run_scoped3A_171, %dma_wait3A_600, %dma_wait3A_601] : memref<6x128x128xf32, #tpu.memory_space<vmem>> -> memref<1x128x128xf32, #tpu.memory_space<vmem>>
      %dma_wait3A_603 = tpu.memref_squeeze %dma_wait3A_602 : memref<1x128x128xf32, #tpu.memory_space<vmem>> -> memref<128x128xf32, #tpu.memory_space<vmem>>
      tpu.wait_dma2 semaphore(%run_scoped3A_579 : memref<!tpu.dma_semaphore, #tpu.memory_space<semaphore_mem>>) src(%dma_wait3A_603 : memref<128x128xf32, #tpu.memory_space<vmem>>) dst(%dma_wait3A_599 : memref<128x128xf32, #tpu.memory_space<hbm>>)
      tpu.yield
    }) : () -> ()
    %dma_start3A_172 = arith.constant 2 : i32
    %dma_start3A_173 = arith.constant 2 : i32
    %dma_start3A_174 = arith.constant 0 : i32
    %dma_start3A_175 = arith.constant 0 : i32
    %dma_start3A_176 = tpu.memref_slice %arg7[%dma_start3A_172, %dma_start3A_174, %dma_start3A_175] : memref<6x128x128xf32, #tpu.memory_space<vmem>> -> memref<1x128x128xf32, #tpu.memory_space<vmem>>
    %dma_start3A_177 = tpu.memref_squeeze %dma_start3A_176 : memref<1x128x128xf32, #tpu.memory_space<vmem>> -> memref<128x128xf32, #tpu.memory_space<vmem>>
    %dma_start3A_178 = arith.constant 1024 : i32
    %dma_start3A_179 = tpu.memref_slice %arg6[%dma_start3A_178] : memref<2304xi32, #tpu.memory_space<vmem>> -> memref<128xi32, #tpu.memory_space<vmem>>
    %dma_start3A_180 = arith.constant 0 : i32
    %dma_start3A_181 = arith.constant 0 : i32
    %dma_start3A_182 = tpu.memref_slice %arg2[%dma_start3A_180, %dma_start3A_181] : memref<1024x128xf32, #tpu.memory_space<hbm>> -> memref<1024x128xf32, #tpu.memory_space<hbm>>
    %dma_start3A_183 = tpu.memref_slice %arg10[%dma_start3A_173] : memref<6x!tpu.dma_semaphore, #tpu.memory_space<semaphore_mem>> -> memref<1x!tpu.dma_semaphore, #tpu.memory_space<semaphore_mem>>
    %dma_start3A_184 = tpu.memref_squeeze %dma_start3A_183 : memref<1x!tpu.dma_semaphore, #tpu.memory_space<semaphore_mem>> -> memref<!tpu.dma_semaphore, #tpu.memory_space<semaphore_mem>>
    tpu.enqueue_indirect_dma source(%dma_start3A_182 : memref<1024x128xf32, #tpu.memory_space<hbm>>) target(%dma_start3A_177 : memref<128x128xf32, #tpu.memory_space<vmem>>) offsets(%dma_start3A_179 : memref<128xi32, #tpu.memory_space<vmem>>) semaphore(%dma_start3A_184 : memref<!tpu.dma_semaphore, #tpu.memory_space<semaphore_mem>>)
    %dma_wait3A_185 = arith.constant 3 : i32
    %dma_wait3A_186 = arith.constant 3 : i32
    %dma_wait3A_187 = arith.constant 0 : i32
    %dma_wait3A_188 = arith.constant 0 : i32
    %dma_wait3A_189 = tpu.memref_slice %arg7[%dma_wait3A_185, %dma_wait3A_187, %dma_wait3A_188] : memref<6x128x128xf32, #tpu.memory_space<vmem>> -> memref<1x128x128xf32, #tpu.memory_space<vmem>>
    %dma_wait3A_190 = tpu.memref_squeeze %dma_wait3A_189 : memref<1x128x128xf32, #tpu.memory_space<vmem>> -> memref<128x128xf32, #tpu.memory_space<vmem>>
    %dma_wait3A_191 = arith.constant 384 : i32
    %dma_wait3A_192 = tpu.memref_slice %arg6[%dma_wait3A_191] : memref<2304xi32, #tpu.memory_space<vmem>> -> memref<128xi32, #tpu.memory_space<vmem>>
    %dma_wait3A_193 = arith.constant 0 : i32
    %dma_wait3A_194 = arith.constant 0 : i32
    %dma_wait3A_195 = tpu.memref_slice %arg2[%dma_wait3A_193, %dma_wait3A_194] : memref<1024x128xf32, #tpu.memory_space<hbm>> -> memref<1024x128xf32, #tpu.memory_space<hbm>>
    %dma_wait3A_196 = tpu.memref_slice %arg10[%dma_wait3A_186] : memref<6x!tpu.dma_semaphore, #tpu.memory_space<semaphore_mem>> -> memref<1x!tpu.dma_semaphore, #tpu.memory_space<semaphore_mem>>
    %dma_wait3A_197 = tpu.memref_squeeze %dma_wait3A_196 : memref<1x!tpu.dma_semaphore, #tpu.memory_space<semaphore_mem>> -> memref<!tpu.dma_semaphore, #tpu.memory_space<semaphore_mem>>
    tpu.wait_indirect_dma semaphore(%dma_wait3A_197 : memref<!tpu.dma_semaphore, #tpu.memory_space<semaphore_mem>>) src(%dma_wait3A_195 : memref<1024x128xf32, #tpu.memory_space<hbm>>) dst(%dma_wait3A_190 : memref<128x128xf32, #tpu.memory_space<vmem>>)
    %mul3A_198 = arith.constant 2304 : i32
    %mul3A_199 = arith.muli %add3A, %mul3A_198 : i32
    %add3A_200 = arith.constant 384 : i32
    %add3A_201 = arith.addi %mul3A_199, %add3A_200 : i32
    %run_scoped3A_202 = arith.constant 3 : i32
    "tpu.region"() ({
      %run_scoped3A_579 = tpu.sem_alloc : memref<!tpu.dma_semaphore, #tpu.memory_space<semaphore_mem>>
      %dma_start3A_580 = arith.constant 0 : i32
      %dma_start3A_581 = arith.constant 0 : i32
      %dma_start3A_582 = tpu.memref_slice %arg7[%run_scoped3A_202, %dma_start3A_580, %dma_start3A_581] : memref<6x128x128xf32, #tpu.memory_space<vmem>> -> memref<1x128x128xf32, #tpu.memory_space<vmem>>
      %dma_start3A_583 = tpu.memref_squeeze %dma_start3A_582 : memref<1x128x128xf32, #tpu.memory_space<vmem>> -> memref<128x128xf32, #tpu.memory_space<vmem>>
      %dma_start3A_584 = arith.constant 0 : i32
      %dma_start3A_585 = tpu.memref_slice %arg4[%add3A_201, %dma_start3A_584] : memref<73728x128xf32, #tpu.memory_space<hbm>> -> memref<128x128xf32, #tpu.memory_space<hbm>>
      %dma_start3A_586 = arith.constant 0 : i32
      %dma_start3A_587 = tpu.memref_slice %arg4[%add3A_201, %dma_start3A_586] : memref<73728x128xf32, #tpu.memory_space<hbm>> -> memref<128x128xf32, #tpu.memory_space<hbm>>
      %dma_start3A_588 = arith.constant 0 : i32
      %dma_start3A_589 = arith.constant 0 : i32
      %dma_start3A_590 = tpu.memref_slice %arg7[%run_scoped3A_202, %dma_start3A_588, %dma_start3A_589] : memref<6x128x128xf32, #tpu.memory_space<vmem>> -> memref<1x128x128xf32, #tpu.memory_space<vmem>>
      %dma_start3A_591 = tpu.memref_squeeze %dma_start3A_590 : memref<1x128x128xf32, #tpu.memory_space<vmem>> -> memref<128x128xf32, #tpu.memory_space<vmem>>
      tpu.enqueue_dma source(%dma_start3A_591 : memref<128x128xf32, #tpu.memory_space<vmem>>) target(%dma_start3A_587 : memref<128x128xf32, #tpu.memory_space<hbm>>) target_semaphore(%run_scoped3A_579 : memref<!tpu.dma_semaphore, #tpu.memory_space<semaphore_mem>>)
      %dma_wait3A_592 = arith.constant 0 : i32
      %dma_wait3A_593 = arith.constant 0 : i32
      %dma_wait3A_594 = tpu.memref_slice %arg7[%run_scoped3A_202, %dma_wait3A_592, %dma_wait3A_593] : memref<6x128x128xf32, #tpu.memory_space<vmem>> -> memref<1x128x128xf32, #tpu.memory_space<vmem>>
      %dma_wait3A_595 = tpu.memref_squeeze %dma_wait3A_594 : memref<1x128x128xf32, #tpu.memory_space<vmem>> -> memref<128x128xf32, #tpu.memory_space<vmem>>
      %dma_wait3A_596 = arith.constant 0 : i32
      %dma_wait3A_597 = tpu.memref_slice %arg4[%add3A_201, %dma_wait3A_596] : memref<73728x128xf32, #tpu.memory_space<hbm>> -> memref<128x128xf32, #tpu.memory_space<hbm>>
      %dma_wait3A_598 = arith.constant 0 : i32
      %dma_wait3A_599 = tpu.memref_slice %arg4[%add3A_201, %dma_wait3A_598] : memref<73728x128xf32, #tpu.memory_space<hbm>> -> memref<128x128xf32, #tpu.memory_space<hbm>>
      %dma_wait3A_600 = arith.constant 0 : i32
      %dma_wait3A_601 = arith.constant 0 : i32
      %dma_wait3A_602 = tpu.memref_slice %arg7[%run_scoped3A_202, %dma_wait3A_600, %dma_wait3A_601] : memref<6x128x128xf32, #tpu.memory_space<vmem>> -> memref<1x128x128xf32, #tpu.memory_space<vmem>>
      %dma_wait3A_603 = tpu.memref_squeeze %dma_wait3A_602 : memref<1x128x128xf32, #tpu.memory_space<vmem>> -> memref<128x128xf32, #tpu.memory_space<vmem>>
      tpu.wait_dma2 semaphore(%run_scoped3A_579 : memref<!tpu.dma_semaphore, #tpu.memory_space<semaphore_mem>>) src(%dma_wait3A_603 : memref<128x128xf32, #tpu.memory_space<vmem>>) dst(%dma_wait3A_599 : memref<128x128xf32, #tpu.memory_space<hbm>>)
      tpu.yield
    }) : () -> ()
    %dma_start3A_203 = arith.constant 3 : i32
    %dma_start3A_204 = arith.constant 3 : i32
    %dma_start3A_205 = arith.constant 0 : i32
    %dma_start3A_206 = arith.constant 0 : i32
    %dma_start3A_207 = tpu.memref_slice %arg7[%dma_start3A_203, %dma_start3A_205, %dma_start3A_206] : memref<6x128x128xf32, #tpu.memory_space<vmem>> -> memref<1x128x128xf32, #tpu.memory_space<vmem>>
    %dma_start3A_208 = tpu.memref_squeeze %dma_start3A_207 : memref<1x128x128xf32, #tpu.memory_space<vmem>> -> memref<128x128xf32, #tpu.memory_space<vmem>>
    %dma_start3A_209 = arith.constant 1152 : i32
    %dma_start3A_210 = tpu.memref_slice %arg6[%dma_start3A_209] : memref<2304xi32, #tpu.memory_space<vmem>> -> memref<128xi32, #tpu.memory_space<vmem>>
    %dma_start3A_211 = arith.constant 0 : i32
    %dma_start3A_212 = arith.constant 0 : i32
    %dma_start3A_213 = tpu.memref_slice %arg2[%dma_start3A_211, %dma_start3A_212] : memref<1024x128xf32, #tpu.memory_space<hbm>> -> memref<1024x128xf32, #tpu.memory_space<hbm>>
    %dma_start3A_214 = tpu.memref_slice %arg10[%dma_start3A_204] : memref<6x!tpu.dma_semaphore, #tpu.memory_space<semaphore_mem>> -> memref<1x!tpu.dma_semaphore, #tpu.memory_space<semaphore_mem>>
    %dma_start3A_215 = tpu.memref_squeeze %dma_start3A_214 : memref<1x!tpu.dma_semaphore, #tpu.memory_space<semaphore_mem>> -> memref<!tpu.dma_semaphore, #tpu.memory_space<semaphore_mem>>
    tpu.enqueue_indirect_dma source(%dma_start3A_213 : memref<1024x128xf32, #tpu.memory_space<hbm>>) target(%dma_start3A_208 : memref<128x128xf32, #tpu.memory_space<vmem>>) offsets(%dma_start3A_210 : memref<128xi32, #tpu.memory_space<vmem>>) semaphore(%dma_start3A_215 : memref<!tpu.dma_semaphore, #tpu.memory_space<semaphore_mem>>)
    %dma_wait3A_216 = arith.constant 4 : i32
    %dma_wait3A_217 = arith.constant 4 : i32
    %dma_wait3A_218 = arith.constant 0 : i32
    %dma_wait3A_219 = arith.constant 0 : i32
    %dma_wait3A_220 = tpu.memref_slice %arg7[%dma_wait3A_216, %dma_wait3A_218, %dma_wait3A_219] : memref<6x128x128xf32, #tpu.memory_space<vmem>> -> memref<1x128x128xf32, #tpu.memory_space<vmem>>
    %dma_wait3A_221 = tpu.memref_squeeze %dma_wait3A_220 : memref<1x128x128xf32, #tpu.memory_space<vmem>> -> memref<128x128xf32, #tpu.memory_space<vmem>>
    %dma_wait3A_222 = arith.constant 512 : i32
    %dma_wait3A_223 = tpu.memref_slice %arg6[%dma_wait3A_222] : memref<2304xi32, #tpu.memory_space<vmem>> -> memref<128xi32, #tpu.memory_space<vmem>>
    %dma_wait3A_224 = arith.constant 0 : i32
    %dma_wait3A_225 = arith.constant 0 : i32
    %dma_wait3A_226 = tpu.memref_slice %arg2[%dma_wait3A_224, %dma_wait3A_225] : memref<1024x128xf32, #tpu.memory_space<hbm>> -> memref<1024x128xf32, #tpu.memory_space<hbm>>
    %dma_wait3A_227 = tpu.memref_slice %arg10[%dma_wait3A_217] : memref<6x!tpu.dma_semaphore, #tpu.memory_space<semaphore_mem>> -> memref<1x!tpu.dma_semaphore, #tpu.memory_space<semaphore_mem>>
    %dma_wait3A_228 = tpu.memref_squeeze %dma_wait3A_227 : memref<1x!tpu.dma_semaphore, #tpu.memory_space<semaphore_mem>> -> memref<!tpu.dma_semaphore, #tpu.memory_space<semaphore_mem>>
    tpu.wait_indirect_dma semaphore(%dma_wait3A_228 : memref<!tpu.dma_semaphore, #tpu.memory_space<semaphore_mem>>) src(%dma_wait3A_226 : memref<1024x128xf32, #tpu.memory_space<hbm>>) dst(%dma_wait3A_221 : memref<128x128xf32, #tpu.memory_space<vmem>>)
    %mul3A_229 = arith.constant 2304 : i32
    %mul3A_230 = arith.muli %add3A, %mul3A_229 : i32
    %add3A_231 = arith.constant 512 : i32
    %add3A_232 = arith.addi %mul3A_230, %add3A_231 : i32
    %run_scoped3A_233 = arith.constant 4 : i32
    "tpu.region"() ({
      %run_scoped3A_579 = tpu.sem_alloc : memref<!tpu.dma_semaphore, #tpu.memory_space<semaphore_mem>>
      %dma_start3A_580 = arith.constant 0 : i32
      %dma_start3A_581 = arith.constant 0 : i32
      %dma_start3A_582 = tpu.memref_slice %arg7[%run_scoped3A_233, %dma_start3A_580, %dma_start3A_581] : memref<6x128x128xf32, #tpu.memory_space<vmem>> -> memref<1x128x128xf32, #tpu.memory_space<vmem>>
      %dma_start3A_583 = tpu.memref_squeeze %dma_start3A_582 : memref<1x128x128xf32, #tpu.memory_space<vmem>> -> memref<128x128xf32, #tpu.memory_space<vmem>>
      %dma_start3A_584 = arith.constant 0 : i32
      %dma_start3A_585 = tpu.memref_slice %arg4[%add3A_232, %dma_start3A_584] : memref<73728x128xf32, #tpu.memory_space<hbm>> -> memref<128x128xf32, #tpu.memory_space<hbm>>
      %dma_start3A_586 = arith.constant 0 : i32
      %dma_start3A_587 = tpu.memref_slice %arg4[%add3A_232, %dma_start3A_586] : memref<73728x128xf32, #tpu.memory_space<hbm>> -> memref<128x128xf32, #tpu.memory_space<hbm>>
      %dma_start3A_588 = arith.constant 0 : i32
      %dma_start3A_589 = arith.constant 0 : i32
      %dma_start3A_590 = tpu.memref_slice %arg7[%run_scoped3A_233, %dma_start3A_588, %dma_start3A_589] : memref<6x128x128xf32, #tpu.memory_space<vmem>> -> memref<1x128x128xf32, #tpu.memory_space<vmem>>
      %dma_start3A_591 = tpu.memref_squeeze %dma_start3A_590 : memref<1x128x128xf32, #tpu.memory_space<vmem>> -> memref<128x128xf32, #tpu.memory_space<vmem>>
      tpu.enqueue_dma source(%dma_start3A_591 : memref<128x128xf32, #tpu.memory_space<vmem>>) target(%dma_start3A_587 : memref<128x128xf32, #tpu.memory_space<hbm>>) target_semaphore(%run_scoped3A_579 : memref<!tpu.dma_semaphore, #tpu.memory_space<semaphore_mem>>)
      %dma_wait3A_592 = arith.constant 0 : i32
      %dma_wait3A_593 = arith.constant 0 : i32
      %dma_wait3A_594 = tpu.memref_slice %arg7[%run_scoped3A_233, %dma_wait3A_592, %dma_wait3A_593] : memref<6x128x128xf32, #tpu.memory_space<vmem>> -> memref<1x128x128xf32, #tpu.memory_space<vmem>>
      %dma_wait3A_595 = tpu.memref_squeeze %dma_wait3A_594 : memref<1x128x128xf32, #tpu.memory_space<vmem>> -> memref<128x128xf32, #tpu.memory_space<vmem>>
      %dma_wait3A_596 = arith.constant 0 : i32
      %dma_wait3A_597 = tpu.memref_slice %arg4[%add3A_232, %dma_wait3A_596] : memref<73728x128xf32, #tpu.memory_space<hbm>> -> memref<128x128xf32, #tpu.memory_space<hbm>>
      %dma_wait3A_598 = arith.constant 0 : i32
      %dma_wait3A_599 = tpu.memref_slice %arg4[%add3A_232, %dma_wait3A_598] : memref<73728x128xf32, #tpu.memory_space<hbm>> -> memref<128x128xf32, #tpu.memory_space<hbm>>
      %dma_wait3A_600 = arith.constant 0 : i32
      %dma_wait3A_601 = arith.constant 0 : i32
      %dma_wait3A_602 = tpu.memref_slice %arg7[%run_scoped3A_233, %dma_wait3A_600, %dma_wait3A_601] : memref<6x128x128xf32, #tpu.memory_space<vmem>> -> memref<1x128x128xf32, #tpu.memory_space<vmem>>
      %dma_wait3A_603 = tpu.memref_squeeze %dma_wait3A_602 : memref<1x128x128xf32, #tpu.memory_space<vmem>> -> memref<128x128xf32, #tpu.memory_space<vmem>>
      tpu.wait_dma2 semaphore(%run_scoped3A_579 : memref<!tpu.dma_semaphore, #tpu.memory_space<semaphore_mem>>) src(%dma_wait3A_603 : memref<128x128xf32, #tpu.memory_space<vmem>>) dst(%dma_wait3A_599 : memref<128x128xf32, #tpu.memory_space<hbm>>)
      tpu.yield
    }) : () -> ()
    %dma_start3A_234 = arith.constant 4 : i32
    %dma_start3A_235 = arith.constant 4 : i32
    %dma_start3A_236 = arith.constant 0 : i32
    %dma_start3A_237 = arith.constant 0 : i32
    %dma_start3A_238 = tpu.memref_slice %arg7[%dma_start3A_234, %dma_start3A_236, %dma_start3A_237] : memref<6x128x128xf32, #tpu.memory_space<vmem>> -> memref<1x128x128xf32, #tpu.memory_space<vmem>>
    %dma_start3A_239 = tpu.memref_squeeze %dma_start3A_238 : memref<1x128x128xf32, #tpu.memory_space<vmem>> -> memref<128x128xf32, #tpu.memory_space<vmem>>
    %dma_start3A_240 = arith.constant 1280 : i32
    %dma_start3A_241 = tpu.memref_slice %arg6[%dma_start3A_240] : memref<2304xi32, #tpu.memory_space<vmem>> -> memref<128xi32, #tpu.memory_space<vmem>>
    %dma_start3A_242 = arith.constant 0 : i32
    %dma_start3A_243 = arith.constant 0 : i32
    %dma_start3A_244 = tpu.memref_slice %arg2[%dma_start3A_242, %dma_start3A_243] : memref<1024x128xf32, #tpu.memory_space<hbm>> -> memref<1024x128xf32, #tpu.memory_space<hbm>>
    %dma_start3A_245 = tpu.memref_slice %arg10[%dma_start3A_235] : memref<6x!tpu.dma_semaphore, #tpu.memory_space<semaphore_mem>> -> memref<1x!tpu.dma_semaphore, #tpu.memory_space<semaphore_mem>>
    %dma_start3A_246 = tpu.memref_squeeze %dma_start3A_245 : memref<1x!tpu.dma_semaphore, #tpu.memory_space<semaphore_mem>> -> memref<!tpu.dma_semaphore, #tpu.memory_space<semaphore_mem>>
    tpu.enqueue_indirect_dma source(%dma_start3A_244 : memref<1024x128xf32, #tpu.memory_space<hbm>>) target(%dma_start3A_239 : memref<128x128xf32, #tpu.memory_space<vmem>>) offsets(%dma_start3A_241 : memref<128xi32, #tpu.memory_space<vmem>>) semaphore(%dma_start3A_246 : memref<!tpu.dma_semaphore, #tpu.memory_space<semaphore_mem>>)
    %dma_wait3A_247 = arith.constant 5 : i32
    %dma_wait3A_248 = arith.constant 5 : i32
    %dma_wait3A_249 = arith.constant 0 : i32
    %dma_wait3A_250 = arith.constant 0 : i32
    %dma_wait3A_251 = tpu.memref_slice %arg7[%dma_wait3A_247, %dma_wait3A_249, %dma_wait3A_250] : memref<6x128x128xf32, #tpu.memory_space<vmem>> -> memref<1x128x128xf32, #tpu.memory_space<vmem>>
    %dma_wait3A_252 = tpu.memref_squeeze %dma_wait3A_251 : memref<1x128x128xf32, #tpu.memory_space<vmem>> -> memref<128x128xf32, #tpu.memory_space<vmem>>
    %dma_wait3A_253 = arith.constant 640 : i32
    %dma_wait3A_254 = tpu.memref_slice %arg6[%dma_wait3A_253] : memref<2304xi32, #tpu.memory_space<vmem>> -> memref<128xi32, #tpu.memory_space<vmem>>
    %dma_wait3A_255 = arith.constant 0 : i32
    %dma_wait3A_256 = arith.constant 0 : i32
    %dma_wait3A_257 = tpu.memref_slice %arg2[%dma_wait3A_255, %dma_wait3A_256] : memref<1024x128xf32, #tpu.memory_space<hbm>> -> memref<1024x128xf32, #tpu.memory_space<hbm>>
    %dma_wait3A_258 = tpu.memref_slice %arg10[%dma_wait3A_248] : memref<6x!tpu.dma_semaphore, #tpu.memory_space<semaphore_mem>> -> memref<1x!tpu.dma_semaphore, #tpu.memory_space<semaphore_mem>>
    %dma_wait3A_259 = tpu.memref_squeeze %dma_wait3A_258 : memref<1x!tpu.dma_semaphore, #tpu.memory_space<semaphore_mem>> -> memref<!tpu.dma_semaphore, #tpu.memory_space<semaphore_mem>>
    tpu.wait_indirect_dma semaphore(%dma_wait3A_259 : memref<!tpu.dma_semaphore, #tpu.memory_space<semaphore_mem>>) src(%dma_wait3A_257 : memref<1024x128xf32, #tpu.memory_space<hbm>>) dst(%dma_wait3A_252 : memref<128x128xf32, #tpu.memory_space<vmem>>)
    %mul3A_260 = arith.constant 2304 : i32
    %mul3A_261 = arith.muli %add3A, %mul3A_260 : i32
    %add3A_262 = arith.constant 640 : i32
    %add3A_263 = arith.addi %mul3A_261, %add3A_262 : i32
    %run_scoped3A_264 = arith.constant 5 : i32
    "tpu.region"() ({
      %run_scoped3A_579 = tpu.sem_alloc : memref<!tpu.dma_semaphore, #tpu.memory_space<semaphore_mem>>
      %dma_start3A_580 = arith.constant 0 : i32
      %dma_start3A_581 = arith.constant 0 : i32
      %dma_start3A_582 = tpu.memref_slice %arg7[%run_scoped3A_264, %dma_start3A_580, %dma_start3A_581] : memref<6x128x128xf32, #tpu.memory_space<vmem>> -> memref<1x128x128xf32, #tpu.memory_space<vmem>>
      %dma_start3A_583 = tpu.memref_squeeze %dma_start3A_582 : memref<1x128x128xf32, #tpu.memory_space<vmem>> -> memref<128x128xf32, #tpu.memory_space<vmem>>
      %dma_start3A_584 = arith.constant 0 : i32
      %dma_start3A_585 = tpu.memref_slice %arg4[%add3A_263, %dma_start3A_584] : memref<73728x128xf32, #tpu.memory_space<hbm>> -> memref<128x128xf32, #tpu.memory_space<hbm>>
      %dma_start3A_586 = arith.constant 0 : i32
      %dma_start3A_587 = tpu.memref_slice %arg4[%add3A_263, %dma_start3A_586] : memref<73728x128xf32, #tpu.memory_space<hbm>> -> memref<128x128xf32, #tpu.memory_space<hbm>>
      %dma_start3A_588 = arith.constant 0 : i32
      %dma_start3A_589 = arith.constant 0 : i32
      %dma_start3A_590 = tpu.memref_slice %arg7[%run_scoped3A_264, %dma_start3A_588, %dma_start3A_589] : memref<6x128x128xf32, #tpu.memory_space<vmem>> -> memref<1x128x128xf32, #tpu.memory_space<vmem>>
      %dma_start3A_591 = tpu.memref_squeeze %dma_start3A_590 : memref<1x128x128xf32, #tpu.memory_space<vmem>> -> memref<128x128xf32, #tpu.memory_space<vmem>>
      tpu.enqueue_dma source(%dma_start3A_591 : memref<128x128xf32, #tpu.memory_space<vmem>>) target(%dma_start3A_587 : memref<128x128xf32, #tpu.memory_space<hbm>>) target_semaphore(%run_scoped3A_579 : memref<!tpu.dma_semaphore, #tpu.memory_space<semaphore_mem>>)
      %dma_wait3A_592 = arith.constant 0 : i32
      %dma_wait3A_593 = arith.constant 0 : i32
      %dma_wait3A_594 = tpu.memref_slice %arg7[%run_scoped3A_264, %dma_wait3A_592, %dma_wait3A_593] : memref<6x128x128xf32, #tpu.memory_space<vmem>> -> memref<1x128x128xf32, #tpu.memory_space<vmem>>
      %dma_wait3A_595 = tpu.memref_squeeze %dma_wait3A_594 : memref<1x128x128xf32, #tpu.memory_space<vmem>> -> memref<128x128xf32, #tpu.memory_space<vmem>>
      %dma_wait3A_596 = arith.constant 0 : i32
      %dma_wait3A_597 = tpu.memref_slice %arg4[%add3A_263, %dma_wait3A_596] : memref<73728x128xf32, #tpu.memory_space<hbm>> -> memref<128x128xf32, #tpu.memory_space<hbm>>
      %dma_wait3A_598 = arith.constant 0 : i32
      %dma_wait3A_599 = tpu.memref_slice %arg4[%add3A_263, %dma_wait3A_598] : memref<73728x128xf32, #tpu.memory_space<hbm>> -> memref<128x128xf32, #tpu.memory_space<hbm>>
      %dma_wait3A_600 = arith.constant 0 : i32
      %dma_wait3A_601 = arith.constant 0 : i32
      %dma_wait3A_602 = tpu.memref_slice %arg7[%run_scoped3A_264, %dma_wait3A_600, %dma_wait3A_601] : memref<6x128x128xf32, #tpu.memory_space<vmem>> -> memref<1x128x128xf32, #tpu.memory_space<vmem>>
      %dma_wait3A_603 = tpu.memref_squeeze %dma_wait3A_602 : memref<1x128x128xf32, #tpu.memory_space<vmem>> -> memref<128x128xf32, #tpu.memory_space<vmem>>
      tpu.wait_dma2 semaphore(%run_scoped3A_579 : memref<!tpu.dma_semaphore, #tpu.memory_space<semaphore_mem>>) src(%dma_wait3A_603 : memref<128x128xf32, #tpu.memory_space<vmem>>) dst(%dma_wait3A_599 : memref<128x128xf32, #tpu.memory_space<hbm>>)
      tpu.yield
    }) : () -> ()
    %dma_start3A_265 = arith.constant 5 : i32
    %dma_start3A_266 = arith.constant 5 : i32
    %dma_start3A_267 = arith.constant 0 : i32
    %dma_start3A_268 = arith.constant 0 : i32
    %dma_start3A_269 = tpu.memref_slice %arg7[%dma_start3A_265, %dma_start3A_267, %dma_start3A_268] : memref<6x128x128xf32, #tpu.memory_space<vmem>> -> memref<1x128x128xf32, #tpu.memory_space<vmem>>
    %dma_start3A_270 = tpu.memref_squeeze %dma_start3A_269 : memref<1x128x128xf32, #tpu.memory_space<vmem>> -> memref<128x128xf32, #tpu.memory_space<vmem>>
    %dma_start3A_271 = arith.constant 1408 : i32
    %dma_start3A_272 = tpu.memref_slice %arg6[%dma_start3A_271] : memref<2304xi32, #tpu.memory_space<vmem>> -> memref<128xi32, #tpu.memory_space<vmem>>
    %dma_start3A_273 = arith.constant 0 : i32
    %dma_start3A_274 = arith.constant 0 : i32
    %dma_start3A_275 = tpu.memref_slice %arg2[%dma_start3A_273, %dma_start3A_274] : memref<1024x128xf32, #tpu.memory_space<hbm>> -> memref<1024x128xf32, #tpu.memory_space<hbm>>
    %dma_start3A_276 = tpu.memref_slice %arg10[%dma_start3A_266] : memref<6x!tpu.dma_semaphore, #tpu.memory_space<semaphore_mem>> -> memref<1x!tpu.dma_semaphore, #tpu.memory_space<semaphore_mem>>
    %dma_start3A_277 = tpu.memref_squeeze %dma_start3A_276 : memref<1x!tpu.dma_semaphore, #tpu.memory_space<semaphore_mem>> -> memref<!tpu.dma_semaphore, #tpu.memory_space<semaphore_mem>>
    tpu.enqueue_indirect_dma source(%dma_start3A_275 : memref<1024x128xf32, #tpu.memory_space<hbm>>) target(%dma_start3A_270 : memref<128x128xf32, #tpu.memory_space<vmem>>) offsets(%dma_start3A_272 : memref<128xi32, #tpu.memory_space<vmem>>) semaphore(%dma_start3A_277 : memref<!tpu.dma_semaphore, #tpu.memory_space<semaphore_mem>>)
    %dma_wait3A_278 = arith.constant 0 : i32
    %dma_wait3A_279 = arith.constant 0 : i32
    %dma_wait3A_280 = arith.constant 0 : i32
    %dma_wait3A_281 = arith.constant 0 : i32
    %dma_wait3A_282 = tpu.memref_slice %arg7[%dma_wait3A_278, %dma_wait3A_280, %dma_wait3A_281] : memref<6x128x128xf32, #tpu.memory_space<vmem>> -> memref<1x128x128xf32, #tpu.memory_space<vmem>>
    %dma_wait3A_283 = tpu.memref_squeeze %dma_wait3A_282 : memref<1x128x128xf32, #tpu.memory_space<vmem>> -> memref<128x128xf32, #tpu.memory_space<vmem>>
    %dma_wait3A_284 = arith.constant 768 : i32
    %dma_wait3A_285 = tpu.memref_slice %arg6[%dma_wait3A_284] : memref<2304xi32, #tpu.memory_space<vmem>> -> memref<128xi32, #tpu.memory_space<vmem>>
    %dma_wait3A_286 = arith.constant 0 : i32
    %dma_wait3A_287 = arith.constant 0 : i32
    %dma_wait3A_288 = tpu.memref_slice %arg2[%dma_wait3A_286, %dma_wait3A_287] : memref<1024x128xf32, #tpu.memory_space<hbm>> -> memref<1024x128xf32, #tpu.memory_space<hbm>>
    %dma_wait3A_289 = tpu.memref_slice %arg10[%dma_wait3A_279] : memref<6x!tpu.dma_semaphore, #tpu.memory_space<semaphore_mem>> -> memref<1x!tpu.dma_semaphore, #tpu.memory_space<semaphore_mem>>
    %dma_wait3A_290 = tpu.memref_squeeze %dma_wait3A_289 : memref<1x!tpu.dma_semaphore, #tpu.memory_space<semaphore_mem>> -> memref<!tpu.dma_semaphore, #tpu.memory_space<semaphore_mem>>
    tpu.wait_indirect_dma semaphore(%dma_wait3A_290 : memref<!tpu.dma_semaphore, #tpu.memory_space<semaphore_mem>>) src(%dma_wait3A_288 : memref<1024x128xf32, #tpu.memory_space<hbm>>) dst(%dma_wait3A_283 : memref<128x128xf32, #tpu.memory_space<vmem>>)
    %mul3A_291 = arith.constant 2304 : i32
    %mul3A_292 = arith.muli %add3A, %mul3A_291 : i32
    %add3A_293 = arith.constant 768 : i32
    %add3A_294 = arith.addi %mul3A_292, %add3A_293 : i32
    %run_scoped3A_295 = arith.constant 0 : i32
    "tpu.region"() ({
      %run_scoped3A_579 = tpu.sem_alloc : memref<!tpu.dma_semaphore, #tpu.memory_space<semaphore_mem>>
      %dma_start3A_580 = arith.constant 0 : i32
      %dma_start3A_581 = arith.constant 0 : i32
      %dma_start3A_582 = tpu.memref_slice %arg7[%run_scoped3A_295, %dma_start3A_580, %dma_start3A_581] : memref<6x128x128xf32, #tpu.memory_space<vmem>> -> memref<1x128x128xf32, #tpu.memory_space<vmem>>
      %dma_start3A_583 = tpu.memref_squeeze %dma_start3A_582 : memref<1x128x128xf32, #tpu.memory_space<vmem>> -> memref<128x128xf32, #tpu.memory_space<vmem>>
      %dma_start3A_584 = arith.constant 0 : i32
      %dma_start3A_585 = tpu.memref_slice %arg4[%add3A_294, %dma_start3A_584] : memref<73728x128xf32, #tpu.memory_space<hbm>> -> memref<128x128xf32, #tpu.memory_space<hbm>>
      %dma_start3A_586 = arith.constant 0 : i32
      %dma_start3A_587 = tpu.memref_slice %arg4[%add3A_294, %dma_start3A_586] : memref<73728x128xf32, #tpu.memory_space<hbm>> -> memref<128x128xf32, #tpu.memory_space<hbm>>
      %dma_start3A_588 = arith.constant 0 : i32
      %dma_start3A_589 = arith.constant 0 : i32
      %dma_start3A_590 = tpu.memref_slice %arg7[%run_scoped3A_295, %dma_start3A_588, %dma_start3A_589] : memref<6x128x128xf32, #tpu.memory_space<vmem>> -> memref<1x128x128xf32, #tpu.memory_space<vmem>>
      %dma_start3A_591 = tpu.memref_squeeze %dma_start3A_590 : memref<1x128x128xf32, #tpu.memory_space<vmem>> -> memref<128x128xf32, #tpu.memory_space<vmem>>
      tpu.enqueue_dma source(%dma_start3A_591 : memref<128x128xf32, #tpu.memory_space<vmem>>) target(%dma_start3A_587 : memref<128x128xf32, #tpu.memory_space<hbm>>) target_semaphore(%run_scoped3A_579 : memref<!tpu.dma_semaphore, #tpu.memory_space<semaphore_mem>>)
      %dma_wait3A_592 = arith.constant 0 : i32
      %dma_wait3A_593 = arith.constant 0 : i32
      %dma_wait3A_594 = tpu.memref_slice %arg7[%run_scoped3A_295, %dma_wait3A_592, %dma_wait3A_593] : memref<6x128x128xf32, #tpu.memory_space<vmem>> -> memref<1x128x128xf32, #tpu.memory_space<vmem>>
      %dma_wait3A_595 = tpu.memref_squeeze %dma_wait3A_594 : memref<1x128x128xf32, #tpu.memory_space<vmem>> -> memref<128x128xf32, #tpu.memory_space<vmem>>
      %dma_wait3A_596 = arith.constant 0 : i32
      %dma_wait3A_597 = tpu.memref_slice %arg4[%add3A_294, %dma_wait3A_596] : memref<73728x128xf32, #tpu.memory_space<hbm>> -> memref<128x128xf32, #tpu.memory_space<hbm>>
      %dma_wait3A_598 = arith.constant 0 : i32
      %dma_wait3A_599 = tpu.memref_slice %arg4[%add3A_294, %dma_wait3A_598] : memref<73728x128xf32, #tpu.memory_space<hbm>> -> memref<128x128xf32, #tpu.memory_space<hbm>>
      %dma_wait3A_600 = arith.constant 0 : i32
      %dma_wait3A_601 = arith.constant 0 : i32
      %dma_wait3A_602 = tpu.memref_slice %arg7[%run_scoped3A_295, %dma_wait3A_600, %dma_wait3A_601] : memref<6x128x128xf32, #tpu.memory_space<vmem>> -> memref<1x128x128xf32, #tpu.memory_space<vmem>>
      %dma_wait3A_603 = tpu.memref_squeeze %dma_wait3A_602 : memref<1x128x128xf32, #tpu.memory_space<vmem>> -> memref<128x128xf32, #tpu.memory_space<vmem>>
      tpu.wait_dma2 semaphore(%run_scoped3A_579 : memref<!tpu.dma_semaphore, #tpu.memory_space<semaphore_mem>>) src(%dma_wait3A_603 : memref<128x128xf32, #tpu.memory_space<vmem>>) dst(%dma_wait3A_599 : memref<128x128xf32, #tpu.memory_space<hbm>>)
      tpu.yield
    }) : () -> ()
    %dma_start3A_296 = arith.constant 0 : i32
    %dma_start3A_297 = arith.constant 0 : i32
    %dma_start3A_298 = arith.constant 0 : i32
    %dma_start3A_299 = arith.constant 0 : i32
    %dma_start3A_300 = tpu.memref_slice %arg7[%dma_start3A_296, %dma_start3A_298, %dma_start3A_299] : memref<6x128x128xf32, #tpu.memory_space<vmem>> -> memref<1x128x128xf32, #tpu.memory_space<vmem>>
    %dma_start3A_301 = tpu.memref_squeeze %dma_start3A_300 : memref<1x128x128xf32, #tpu.memory_space<vmem>> -> memref<128x128xf32, #tpu.memory_space<vmem>>
    %dma_start3A_302 = arith.constant 1536 : i32
    %dma_start3A_303 = tpu.memref_slice %arg6[%dma_start3A_302] : memref<2304xi32, #tpu.memory_space<vmem>> -> memref<128xi32, #tpu.memory_space<vmem>>
    %dma_start3A_304 = arith.constant 0 : i32
    %dma_start3A_305 = arith.constant 0 : i32
    %dma_start3A_306 = tpu.memref_slice %arg2[%dma_start3A_304, %dma_start3A_305] : memref<1024x128xf32, #tpu.memory_space<hbm>> -> memref<1024x128xf32, #tpu.memory_space<hbm>>
    %dma_start3A_307 = tpu.memref_slice %arg10[%dma_start3A_297] : memref<6x!tpu.dma_semaphore, #tpu.memory_space<semaphore_mem>> -> memref<1x!tpu.dma_semaphore, #tpu.memory_space<semaphore_mem>>
    %dma_start3A_308 = tpu.memref_squeeze %dma_start3A_307 : memref<1x!tpu.dma_semaphore, #tpu.memory_space<semaphore_mem>> -> memref<!tpu.dma_semaphore, #tpu.memory_space<semaphore_mem>>
    tpu.enqueue_indirect_dma source(%dma_start3A_306 : memref<1024x128xf32, #tpu.memory_space<hbm>>) target(%dma_start3A_301 : memref<128x128xf32, #tpu.memory_space<vmem>>) offsets(%dma_start3A_303 : memref<128xi32, #tpu.memory_space<vmem>>) semaphore(%dma_start3A_308 : memref<!tpu.dma_semaphore, #tpu.memory_space<semaphore_mem>>)
    %dma_wait3A_309 = arith.constant 1 : i32
    %dma_wait3A_310 = arith.constant 1 : i32
    %dma_wait3A_311 = arith.constant 0 : i32
    %dma_wait3A_312 = arith.constant 0 : i32
    %dma_wait3A_313 = tpu.memref_slice %arg7[%dma_wait3A_309, %dma_wait3A_311, %dma_wait3A_312] : memref<6x128x128xf32, #tpu.memory_space<vmem>> -> memref<1x128x128xf32, #tpu.memory_space<vmem>>
    %dma_wait3A_314 = tpu.memref_squeeze %dma_wait3A_313 : memref<1x128x128xf32, #tpu.memory_space<vmem>> -> memref<128x128xf32, #tpu.memory_space<vmem>>
    %dma_wait3A_315 = arith.constant 896 : i32
    %dma_wait3A_316 = tpu.memref_slice %arg6[%dma_wait3A_315] : memref<2304xi32, #tpu.memory_space<vmem>> -> memref<128xi32, #tpu.memory_space<vmem>>
    %dma_wait3A_317 = arith.constant 0 : i32
    %dma_wait3A_318 = arith.constant 0 : i32
    %dma_wait3A_319 = tpu.memref_slice %arg2[%dma_wait3A_317, %dma_wait3A_318] : memref<1024x128xf32, #tpu.memory_space<hbm>> -> memref<1024x128xf32, #tpu.memory_space<hbm>>
    %dma_wait3A_320 = tpu.memref_slice %arg10[%dma_wait3A_310] : memref<6x!tpu.dma_semaphore, #tpu.memory_space<semaphore_mem>> -> memref<1x!tpu.dma_semaphore, #tpu.memory_space<semaphore_mem>>
    %dma_wait3A_321 = tpu.memref_squeeze %dma_wait3A_320 : memref<1x!tpu.dma_semaphore, #tpu.memory_space<semaphore_mem>> -> memref<!tpu.dma_semaphore, #tpu.memory_space<semaphore_mem>>
    tpu.wait_indirect_dma semaphore(%dma_wait3A_321 : memref<!tpu.dma_semaphore, #tpu.memory_space<semaphore_mem>>) src(%dma_wait3A_319 : memref<1024x128xf32, #tpu.memory_space<hbm>>) dst(%dma_wait3A_314 : memref<128x128xf32, #tpu.memory_space<vmem>>)
    %mul3A_322 = arith.constant 2304 : i32
    %mul3A_323 = arith.muli %add3A, %mul3A_322 : i32
    %add3A_324 = arith.constant 896 : i32
    %add3A_325 = arith.addi %mul3A_323, %add3A_324 : i32
    %run_scoped3A_326 = arith.constant 1 : i32
    "tpu.region"() ({
      %run_scoped3A_579 = tpu.sem_alloc : memref<!tpu.dma_semaphore, #tpu.memory_space<semaphore_mem>>
      %dma_start3A_580 = arith.constant 0 : i32
      %dma_start3A_581 = arith.constant 0 : i32
      %dma_start3A_582 = tpu.memref_slice %arg7[%run_scoped3A_326, %dma_start3A_580, %dma_start3A_581] : memref<6x128x128xf32, #tpu.memory_space<vmem>> -> memref<1x128x128xf32, #tpu.memory_space<vmem>>
      %dma_start3A_583 = tpu.memref_squeeze %dma_start3A_582 : memref<1x128x128xf32, #tpu.memory_space<vmem>> -> memref<128x128xf32, #tpu.memory_space<vmem>>
      %dma_start3A_584 = arith.constant 0 : i32
      %dma_start3A_585 = tpu.memref_slice %arg4[%add3A_325, %dma_start3A_584] : memref<73728x128xf32, #tpu.memory_space<hbm>> -> memref<128x128xf32, #tpu.memory_space<hbm>>
      %dma_start3A_586 = arith.constant 0 : i32
      %dma_start3A_587 = tpu.memref_slice %arg4[%add3A_325, %dma_start3A_586] : memref<73728x128xf32, #tpu.memory_space<hbm>> -> memref<128x128xf32, #tpu.memory_space<hbm>>
      %dma_start3A_588 = arith.constant 0 : i32
      %dma_start3A_589 = arith.constant 0 : i32
      %dma_start3A_590 = tpu.memref_slice %arg7[%run_scoped3A_326, %dma_start3A_588, %dma_start3A_589] : memref<6x128x128xf32, #tpu.memory_space<vmem>> -> memref<1x128x128xf32, #tpu.memory_space<vmem>>
      %dma_start3A_591 = tpu.memref_squeeze %dma_start3A_590 : memref<1x128x128xf32, #tpu.memory_space<vmem>> -> memref<128x128xf32, #tpu.memory_space<vmem>>
      tpu.enqueue_dma source(%dma_start3A_591 : memref<128x128xf32, #tpu.memory_space<vmem>>) target(%dma_start3A_587 : memref<128x128xf32, #tpu.memory_space<hbm>>) target_semaphore(%run_scoped3A_579 : memref<!tpu.dma_semaphore, #tpu.memory_space<semaphore_mem>>)
      %dma_wait3A_592 = arith.constant 0 : i32
      %dma_wait3A_593 = arith.constant 0 : i32
      %dma_wait3A_594 = tpu.memref_slice %arg7[%run_scoped3A_326, %dma_wait3A_592, %dma_wait3A_593] : memref<6x128x128xf32, #tpu.memory_space<vmem>> -> memref<1x128x128xf32, #tpu.memory_space<vmem>>
      %dma_wait3A_595 = tpu.memref_squeeze %dma_wait3A_594 : memref<1x128x128xf32, #tpu.memory_space<vmem>> -> memref<128x128xf32, #tpu.memory_space<vmem>>
      %dma_wait3A_596 = arith.constant 0 : i32
      %dma_wait3A_597 = tpu.memref_slice %arg4[%add3A_325, %dma_wait3A_596] : memref<73728x128xf32, #tpu.memory_space<hbm>> -> memref<128x128xf32, #tpu.memory_space<hbm>>
      %dma_wait3A_598 = arith.constant 0 : i32
      %dma_wait3A_599 = tpu.memref_slice %arg4[%add3A_325, %dma_wait3A_598] : memref<73728x128xf32, #tpu.memory_space<hbm>> -> memref<128x128xf32, #tpu.memory_space<hbm>>
      %dma_wait3A_600 = arith.constant 0 : i32
      %dma_wait3A_601 = arith.constant 0 : i32
      %dma_wait3A_602 = tpu.memref_slice %arg7[%run_scoped3A_326, %dma_wait3A_600, %dma_wait3A_601] : memref<6x128x128xf32, #tpu.memory_space<vmem>> -> memref<1x128x128xf32, #tpu.memory_space<vmem>>
      %dma_wait3A_603 = tpu.memref_squeeze %dma_wait3A_602 : memref<1x128x128xf32, #tpu.memory_space<vmem>> -> memref<128x128xf32, #tpu.memory_space<vmem>>
      tpu.wait_dma2 semaphore(%run_scoped3A_579 : memref<!tpu.dma_semaphore, #tpu.memory_space<semaphore_mem>>) src(%dma_wait3A_603 : memref<128x128xf32, #tpu.memory_space<vmem>>) dst(%dma_wait3A_599 : memref<128x128xf32, #tpu.memory_space<hbm>>)
      tpu.yield
    }) : () -> ()
    %dma_start3A_327 = arith.constant 1 : i32
    %dma_start3A_328 = arith.constant 1 : i32
    %dma_start3A_329 = arith.constant 0 : i32
    %dma_start3A_330 = arith.constant 0 : i32
    %dma_start3A_331 = tpu.memref_slice %arg7[%dma_start3A_327, %dma_start3A_329, %dma_start3A_330] : memref<6x128x128xf32, #tpu.memory_space<vmem>> -> memref<1x128x128xf32, #tpu.memory_space<vmem>>
    %dma_start3A_332 = tpu.memref_squeeze %dma_start3A_331 : memref<1x128x128xf32, #tpu.memory_space<vmem>> -> memref<128x128xf32, #tpu.memory_space<vmem>>
    %dma_start3A_333 = arith.constant 1664 : i32
    %dma_start3A_334 = tpu.memref_slice %arg6[%dma_start3A_333] : memref<2304xi32, #tpu.memory_space<vmem>> -> memref<128xi32, #tpu.memory_space<vmem>>
    %dma_start3A_335 = arith.constant 0 : i32
    %dma_start3A_336 = arith.constant 0 : i32
    %dma_start3A_337 = tpu.memref_slice %arg2[%dma_start3A_335, %dma_start3A_336] : memref<1024x128xf32, #tpu.memory_space<hbm>> -> memref<1024x128xf32, #tpu.memory_space<hbm>>
    %dma_start3A_338 = tpu.memref_slice %arg10[%dma_start3A_328] : memref<6x!tpu.dma_semaphore, #tpu.memory_space<semaphore_mem>> -> memref<1x!tpu.dma_semaphore, #tpu.memory_space<semaphore_mem>>
    %dma_start3A_339 = tpu.memref_squeeze %dma_start3A_338 : memref<1x!tpu.dma_semaphore, #tpu.memory_space<semaphore_mem>> -> memref<!tpu.dma_semaphore, #tpu.memory_space<semaphore_mem>>
    tpu.enqueue_indirect_dma source(%dma_start3A_337 : memref<1024x128xf32, #tpu.memory_space<hbm>>) target(%dma_start3A_332 : memref<128x128xf32, #tpu.memory_space<vmem>>) offsets(%dma_start3A_334 : memref<128xi32, #tpu.memory_space<vmem>>) semaphore(%dma_start3A_339 : memref<!tpu.dma_semaphore, #tpu.memory_space<semaphore_mem>>)
    %dma_wait3A_340 = arith.constant 2 : i32
    %dma_wait3A_341 = arith.constant 2 : i32
    %dma_wait3A_342 = arith.constant 0 : i32
    %dma_wait3A_343 = arith.constant 0 : i32
    %dma_wait3A_344 = tpu.memref_slice %arg7[%dma_wait3A_340, %dma_wait3A_342, %dma_wait3A_343] : memref<6x128x128xf32, #tpu.memory_space<vmem>> -> memref<1x128x128xf32, #tpu.memory_space<vmem>>
    %dma_wait3A_345 = tpu.memref_squeeze %dma_wait3A_344 : memref<1x128x128xf32, #tpu.memory_space<vmem>> -> memref<128x128xf32, #tpu.memory_space<vmem>>
    %dma_wait3A_346 = arith.constant 1024 : i32
    %dma_wait3A_347 = tpu.memref_slice %arg6[%dma_wait3A_346] : memref<2304xi32, #tpu.memory_space<vmem>> -> memref<128xi32, #tpu.memory_space<vmem>>
    %dma_wait3A_348 = arith.constant 0 : i32
    %dma_wait3A_349 = arith.constant 0 : i32
    %dma_wait3A_350 = tpu.memref_slice %arg2[%dma_wait3A_348, %dma_wait3A_349] : memref<1024x128xf32, #tpu.memory_space<hbm>> -> memref<1024x128xf32, #tpu.memory_space<hbm>>
    %dma_wait3A_351 = tpu.memref_slice %arg10[%dma_wait3A_341] : memref<6x!tpu.dma_semaphore, #tpu.memory_space<semaphore_mem>> -> memref<1x!tpu.dma_semaphore, #tpu.memory_space<semaphore_mem>>
    %dma_wait3A_352 = tpu.memref_squeeze %dma_wait3A_351 : memref<1x!tpu.dma_semaphore, #tpu.memory_space<semaphore_mem>> -> memref<!tpu.dma_semaphore, #tpu.memory_space<semaphore_mem>>
    tpu.wait_indirect_dma semaphore(%dma_wait3A_352 : memref<!tpu.dma_semaphore, #tpu.memory_space<semaphore_mem>>) src(%dma_wait3A_350 : memref<1024x128xf32, #tpu.memory_space<hbm>>) dst(%dma_wait3A_345 : memref<128x128xf32, #tpu.memory_space<vmem>>)
    %mul3A_353 = arith.constant 2304 : i32
    %mul3A_354 = arith.muli %add3A, %mul3A_353 : i32
    %add3A_355 = arith.constant 1024 : i32
    %add3A_356 = arith.addi %mul3A_354, %add3A_355 : i32
    %run_scoped3A_357 = arith.constant 2 : i32
    "tpu.region"() ({
      %run_scoped3A_579 = tpu.sem_alloc : memref<!tpu.dma_semaphore, #tpu.memory_space<semaphore_mem>>
      %dma_start3A_580 = arith.constant 0 : i32
      %dma_start3A_581 = arith.constant 0 : i32
      %dma_start3A_582 = tpu.memref_slice %arg7[%run_scoped3A_357, %dma_start3A_580, %dma_start3A_581] : memref<6x128x128xf32, #tpu.memory_space<vmem>> -> memref<1x128x128xf32, #tpu.memory_space<vmem>>
      %dma_start3A_583 = tpu.memref_squeeze %dma_start3A_582 : memref<1x128x128xf32, #tpu.memory_space<vmem>> -> memref<128x128xf32, #tpu.memory_space<vmem>>
      %dma_start3A_584 = arith.constant 0 : i32
      %dma_start3A_585 = tpu.memref_slice %arg4[%add3A_356, %dma_start3A_584] : memref<73728x128xf32, #tpu.memory_space<hbm>> -> memref<128x128xf32, #tpu.memory_space<hbm>>
      %dma_start3A_586 = arith.constant 0 : i32
      %dma_start3A_587 = tpu.memref_slice %arg4[%add3A_356, %dma_start3A_586] : memref<73728x128xf32, #tpu.memory_space<hbm>> -> memref<128x128xf32, #tpu.memory_space<hbm>>
      %dma_start3A_588 = arith.constant 0 : i32
      %dma_start3A_589 = arith.constant 0 : i32
      %dma_start3A_590 = tpu.memref_slice %arg7[%run_scoped3A_357, %dma_start3A_588, %dma_start3A_589] : memref<6x128x128xf32, #tpu.memory_space<vmem>> -> memref<1x128x128xf32, #tpu.memory_space<vmem>>
      %dma_start3A_591 = tpu.memref_squeeze %dma_start3A_590 : memref<1x128x128xf32, #tpu.memory_space<vmem>> -> memref<128x128xf32, #tpu.memory_space<vmem>>
      tpu.enqueue_dma source(%dma_start3A_591 : memref<128x128xf32, #tpu.memory_space<vmem>>) target(%dma_start3A_587 : memref<128x128xf32, #tpu.memory_space<hbm>>) target_semaphore(%run_scoped3A_579 : memref<!tpu.dma_semaphore, #tpu.memory_space<semaphore_mem>>)
      %dma_wait3A_592 = arith.constant 0 : i32
      %dma_wait3A_593 = arith.constant 0 : i32
      %dma_wait3A_594 = tpu.memref_slice %arg7[%run_scoped3A_357, %dma_wait3A_592, %dma_wait3A_593] : memref<6x128x128xf32, #tpu.memory_space<vmem>> -> memref<1x128x128xf32, #tpu.memory_space<vmem>>
      %dma_wait3A_595 = tpu.memref_squeeze %dma_wait3A_594 : memref<1x128x128xf32, #tpu.memory_space<vmem>> -> memref<128x128xf32, #tpu.memory_space<vmem>>
      %dma_wait3A_596 = arith.constant 0 : i32
      %dma_wait3A_597 = tpu.memref_slice %arg4[%add3A_356, %dma_wait3A_596] : memref<73728x128xf32, #tpu.memory_space<hbm>> -> memref<128x128xf32, #tpu.memory_space<hbm>>
      %dma_wait3A_598 = arith.constant 0 : i32
      %dma_wait3A_599 = tpu.memref_slice %arg4[%add3A_356, %dma_wait3A_598] : memref<73728x128xf32, #tpu.memory_space<hbm>> -> memref<128x128xf32, #tpu.memory_space<hbm>>
      %dma_wait3A_600 = arith.constant 0 : i32
      %dma_wait3A_601 = arith.constant 0 : i32
      %dma_wait3A_602 = tpu.memref_slice %arg7[%run_scoped3A_357, %dma_wait3A_600, %dma_wait3A_601] : memref<6x128x128xf32, #tpu.memory_space<vmem>> -> memref<1x128x128xf32, #tpu.memory_space<vmem>>
      %dma_wait3A_603 = tpu.memref_squeeze %dma_wait3A_602 : memref<1x128x128xf32, #tpu.memory_space<vmem>> -> memref<128x128xf32, #tpu.memory_space<vmem>>
      tpu.wait_dma2 semaphore(%run_scoped3A_579 : memref<!tpu.dma_semaphore, #tpu.memory_space<semaphore_mem>>) src(%dma_wait3A_603 : memref<128x128xf32, #tpu.memory_space<vmem>>) dst(%dma_wait3A_599 : memref<128x128xf32, #tpu.memory_space<hbm>>)
      tpu.yield
    }) : () -> ()
    %dma_start3A_358 = arith.constant 2 : i32
    %dma_start3A_359 = arith.constant 2 : i32
    %dma_start3A_360 = arith.constant 0 : i32
    %dma_start3A_361 = arith.constant 0 : i32
    %dma_start3A_362 = tpu.memref_slice %arg7[%dma_start3A_358, %dma_start3A_360, %dma_start3A_361] : memref<6x128x128xf32, #tpu.memory_space<vmem>> -> memref<1x128x128xf32, #tpu.memory_space<vmem>>
    %dma_start3A_363 = tpu.memref_squeeze %dma_start3A_362 : memref<1x128x128xf32, #tpu.memory_space<vmem>> -> memref<128x128xf32, #tpu.memory_space<vmem>>
    %dma_start3A_364 = arith.constant 1792 : i32
    %dma_start3A_365 = tpu.memref_slice %arg6[%dma_start3A_364] : memref<2304xi32, #tpu.memory_space<vmem>> -> memref<128xi32, #tpu.memory_space<vmem>>
    %dma_start3A_366 = arith.constant 0 : i32
    %dma_start3A_367 = arith.constant 0 : i32
    %dma_start3A_368 = tpu.memref_slice %arg2[%dma_start3A_366, %dma_start3A_367] : memref<1024x128xf32, #tpu.memory_space<hbm>> -> memref<1024x128xf32, #tpu.memory_space<hbm>>
    %dma_start3A_369 = tpu.memref_slice %arg10[%dma_start3A_359] : memref<6x!tpu.dma_semaphore, #tpu.memory_space<semaphore_mem>> -> memref<1x!tpu.dma_semaphore, #tpu.memory_space<semaphore_mem>>
    %dma_start3A_370 = tpu.memref_squeeze %dma_start3A_369 : memref<1x!tpu.dma_semaphore, #tpu.memory_space<semaphore_mem>> -> memref<!tpu.dma_semaphore, #tpu.memory_space<semaphore_mem>>
    tpu.enqueue_indirect_dma source(%dma_start3A_368 : memref<1024x128xf32, #tpu.memory_space<hbm>>) target(%dma_start3A_363 : memref<128x128xf32, #tpu.memory_space<vmem>>) offsets(%dma_start3A_365 : memref<128xi32, #tpu.memory_space<vmem>>) semaphore(%dma_start3A_370 : memref<!tpu.dma_semaphore, #tpu.memory_space<semaphore_mem>>)
    %dma_wait3A_371 = arith.constant 3 : i32
    %dma_wait3A_372 = arith.constant 3 : i32
    %dma_wait3A_373 = arith.constant 0 : i32
    %dma_wait3A_374 = arith.constant 0 : i32
    %dma_wait3A_375 = tpu.memref_slice %arg7[%dma_wait3A_371, %dma_wait3A_373, %dma_wait3A_374] : memref<6x128x128xf32, #tpu.memory_space<vmem>> -> memref<1x128x128xf32, #tpu.memory_space<vmem>>
    %dma_wait3A_376 = tpu.memref_squeeze %dma_wait3A_375 : memref<1x128x128xf32, #tpu.memory_space<vmem>> -> memref<128x128xf32, #tpu.memory_space<vmem>>
    %dma_wait3A_377 = arith.constant 1152 : i32
    %dma_wait3A_378 = tpu.memref_slice %arg6[%dma_wait3A_377] : memref<2304xi32, #tpu.memory_space<vmem>> -> memref<128xi32, #tpu.memory_space<vmem>>
    %dma_wait3A_379 = arith.constant 0 : i32
    %dma_wait3A_380 = arith.constant 0 : i32
    %dma_wait3A_381 = tpu.memref_slice %arg2[%dma_wait3A_379, %dma_wait3A_380] : memref<1024x128xf32, #tpu.memory_space<hbm>> -> memref<1024x128xf32, #tpu.memory_space<hbm>>
    %dma_wait3A_382 = tpu.memref_slice %arg10[%dma_wait3A_372] : memref<6x!tpu.dma_semaphore, #tpu.memory_space<semaphore_mem>> -> memref<1x!tpu.dma_semaphore, #tpu.memory_space<semaphore_mem>>
    %dma_wait3A_383 = tpu.memref_squeeze %dma_wait3A_382 : memref<1x!tpu.dma_semaphore, #tpu.memory_space<semaphore_mem>> -> memref<!tpu.dma_semaphore, #tpu.memory_space<semaphore_mem>>
    tpu.wait_indirect_dma semaphore(%dma_wait3A_383 : memref<!tpu.dma_semaphore, #tpu.memory_space<semaphore_mem>>) src(%dma_wait3A_381 : memref<1024x128xf32, #tpu.memory_space<hbm>>) dst(%dma_wait3A_376 : memref<128x128xf32, #tpu.memory_space<vmem>>)
    %mul3A_384 = arith.constant 2304 : i32
    %mul3A_385 = arith.muli %add3A, %mul3A_384 : i32
    %add3A_386 = arith.constant 1152 : i32
    %add3A_387 = arith.addi %mul3A_385, %add3A_386 : i32
    %run_scoped3A_388 = arith.constant 3 : i32
    "tpu.region"() ({
      %run_scoped3A_579 = tpu.sem_alloc : memref<!tpu.dma_semaphore, #tpu.memory_space<semaphore_mem>>
      %dma_start3A_580 = arith.constant 0 : i32
      %dma_start3A_581 = arith.constant 0 : i32
      %dma_start3A_582 = tpu.memref_slice %arg7[%run_scoped3A_388, %dma_start3A_580, %dma_start3A_581] : memref<6x128x128xf32, #tpu.memory_space<vmem>> -> memref<1x128x128xf32, #tpu.memory_space<vmem>>
      %dma_start3A_583 = tpu.memref_squeeze %dma_start3A_582 : memref<1x128x128xf32, #tpu.memory_space<vmem>> -> memref<128x128xf32, #tpu.memory_space<vmem>>
      %dma_start3A_584 = arith.constant 0 : i32
      %dma_start3A_585 = tpu.memref_slice %arg4[%add3A_387, %dma_start3A_584] : memref<73728x128xf32, #tpu.memory_space<hbm>> -> memref<128x128xf32, #tpu.memory_space<hbm>>
      %dma_start3A_586 = arith.constant 0 : i32
      %dma_start3A_587 = tpu.memref_slice %arg4[%add3A_387, %dma_start3A_586] : memref<73728x128xf32, #tpu.memory_space<hbm>> -> memref<128x128xf32, #tpu.memory_space<hbm>>
      %dma_start3A_588 = arith.constant 0 : i32
      %dma_start3A_589 = arith.constant 0 : i32
      %dma_start3A_590 = tpu.memref_slice %arg7[%run_scoped3A_388, %dma_start3A_588, %dma_start3A_589] : memref<6x128x128xf32, #tpu.memory_space<vmem>> -> memref<1x128x128xf32, #tpu.memory_space<vmem>>
      %dma_start3A_591 = tpu.memref_squeeze %dma_start3A_590 : memref<1x128x128xf32, #tpu.memory_space<vmem>> -> memref<128x128xf32, #tpu.memory_space<vmem>>
      tpu.enqueue_dma source(%dma_start3A_591 : memref<128x128xf32, #tpu.memory_space<vmem>>) target(%dma_start3A_587 : memref<128x128xf32, #tpu.memory_space<hbm>>) target_semaphore(%run_scoped3A_579 : memref<!tpu.dma_semaphore, #tpu.memory_space<semaphore_mem>>)
      %dma_wait3A_592 = arith.constant 0 : i32
      %dma_wait3A_593 = arith.constant 0 : i32
      %dma_wait3A_594 = tpu.memref_slice %arg7[%run_scoped3A_388, %dma_wait3A_592, %dma_wait3A_593] : memref<6x128x128xf32, #tpu.memory_space<vmem>> -> memref<1x128x128xf32, #tpu.memory_space<vmem>>
      %dma_wait3A_595 = tpu.memref_squeeze %dma_wait3A_594 : memref<1x128x128xf32, #tpu.memory_space<vmem>> -> memref<128x128xf32, #tpu.memory_space<vmem>>
      %dma_wait3A_596 = arith.constant 0 : i32
      %dma_wait3A_597 = tpu.memref_slice %arg4[%add3A_387, %dma_wait3A_596] : memref<73728x128xf32, #tpu.memory_space<hbm>> -> memref<128x128xf32, #tpu.memory_space<hbm>>
      %dma_wait3A_598 = arith.constant 0 : i32
      %dma_wait3A_599 = tpu.memref_slice %arg4[%add3A_387, %dma_wait3A_598] : memref<73728x128xf32, #tpu.memory_space<hbm>> -> memref<128x128xf32, #tpu.memory_space<hbm>>
      %dma_wait3A_600 = arith.constant 0 : i32
      %dma_wait3A_601 = arith.constant 0 : i32
      %dma_wait3A_602 = tpu.memref_slice %arg7[%run_scoped3A_388, %dma_wait3A_600, %dma_wait3A_601] : memref<6x128x128xf32, #tpu.memory_space<vmem>> -> memref<1x128x128xf32, #tpu.memory_space<vmem>>
      %dma_wait3A_603 = tpu.memref_squeeze %dma_wait3A_602 : memref<1x128x128xf32, #tpu.memory_space<vmem>> -> memref<128x128xf32, #tpu.memory_space<vmem>>
      tpu.wait_dma2 semaphore(%run_scoped3A_579 : memref<!tpu.dma_semaphore, #tpu.memory_space<semaphore_mem>>) src(%dma_wait3A_603 : memref<128x128xf32, #tpu.memory_space<vmem>>) dst(%dma_wait3A_599 : memref<128x128xf32, #tpu.memory_space<hbm>>)
      tpu.yield
    }) : () -> ()
    %dma_start3A_389 = arith.constant 3 : i32
    %dma_start3A_390 = arith.constant 3 : i32
    %dma_start3A_391 = arith.constant 0 : i32
    %dma_start3A_392 = arith.constant 0 : i32
    %dma_start3A_393 = tpu.memref_slice %arg7[%dma_start3A_389, %dma_start3A_391, %dma_start3A_392] : memref<6x128x128xf32, #tpu.memory_space<vmem>> -> memref<1x128x128xf32, #tpu.memory_space<vmem>>
    %dma_start3A_394 = tpu.memref_squeeze %dma_start3A_393 : memref<1x128x128xf32, #tpu.memory_space<vmem>> -> memref<128x128xf32, #tpu.memory_space<vmem>>
    %dma_start3A_395 = arith.constant 1920 : i32
    %dma_start3A_396 = tpu.memref_slice %arg6[%dma_start3A_395] : memref<2304xi32, #tpu.memory_space<vmem>> -> memref<128xi32, #tpu.memory_space<vmem>>
    %dma_start3A_397 = arith.constant 0 : i32
    %dma_start3A_398 = arith.constant 0 : i32
    %dma_start3A_399 = tpu.memref_slice %arg2[%dma_start3A_397, %dma_start3A_398] : memref<1024x128xf32, #tpu.memory_space<hbm>> -> memref<1024x128xf32, #tpu.memory_space<hbm>>
    %dma_start3A_400 = tpu.memref_slice %arg10[%dma_start3A_390] : memref<6x!tpu.dma_semaphore, #tpu.memory_space<semaphore_mem>> -> memref<1x!tpu.dma_semaphore, #tpu.memory_space<semaphore_mem>>
    %dma_start3A_401 = tpu.memref_squeeze %dma_start3A_400 : memref<1x!tpu.dma_semaphore, #tpu.memory_space<semaphore_mem>> -> memref<!tpu.dma_semaphore, #tpu.memory_space<semaphore_mem>>
    tpu.enqueue_indirect_dma source(%dma_start3A_399 : memref<1024x128xf32, #tpu.memory_space<hbm>>) target(%dma_start3A_394 : memref<128x128xf32, #tpu.memory_space<vmem>>) offsets(%dma_start3A_396 : memref<128xi32, #tpu.memory_space<vmem>>) semaphore(%dma_start3A_401 : memref<!tpu.dma_semaphore, #tpu.memory_space<semaphore_mem>>)
    %dma_wait3A_402 = arith.constant 4 : i32
    %dma_wait3A_403 = arith.constant 4 : i32
    %dma_wait3A_404 = arith.constant 0 : i32
    %dma_wait3A_405 = arith.constant 0 : i32
    %dma_wait3A_406 = tpu.memref_slice %arg7[%dma_wait3A_402, %dma_wait3A_404, %dma_wait3A_405] : memref<6x128x128xf32, #tpu.memory_space<vmem>> -> memref<1x128x128xf32, #tpu.memory_space<vmem>>
    %dma_wait3A_407 = tpu.memref_squeeze %dma_wait3A_406 : memref<1x128x128xf32, #tpu.memory_space<vmem>> -> memref<128x128xf32, #tpu.memory_space<vmem>>
    %dma_wait3A_408 = arith.constant 1280 : i32
    %dma_wait3A_409 = tpu.memref_slice %arg6[%dma_wait3A_408] : memref<2304xi32, #tpu.memory_space<vmem>> -> memref<128xi32, #tpu.memory_space<vmem>>
    %dma_wait3A_410 = arith.constant 0 : i32
    %dma_wait3A_411 = arith.constant 0 : i32
    %dma_wait3A_412 = tpu.memref_slice %arg2[%dma_wait3A_410, %dma_wait3A_411] : memref<1024x128xf32, #tpu.memory_space<hbm>> -> memref<1024x128xf32, #tpu.memory_space<hbm>>
    %dma_wait3A_413 = tpu.memref_slice %arg10[%dma_wait3A_403] : memref<6x!tpu.dma_semaphore, #tpu.memory_space<semaphore_mem>> -> memref<1x!tpu.dma_semaphore, #tpu.memory_space<semaphore_mem>>
    %dma_wait3A_414 = tpu.memref_squeeze %dma_wait3A_413 : memref<1x!tpu.dma_semaphore, #tpu.memory_space<semaphore_mem>> -> memref<!tpu.dma_semaphore, #tpu.memory_space<semaphore_mem>>
    tpu.wait_indirect_dma semaphore(%dma_wait3A_414 : memref<!tpu.dma_semaphore, #tpu.memory_space<semaphore_mem>>) src(%dma_wait3A_412 : memref<1024x128xf32, #tpu.memory_space<hbm>>) dst(%dma_wait3A_407 : memref<128x128xf32, #tpu.memory_space<vmem>>)
    %mul3A_415 = arith.constant 2304 : i32
    %mul3A_416 = arith.muli %add3A, %mul3A_415 : i32
    %add3A_417 = arith.constant 1280 : i32
    %add3A_418 = arith.addi %mul3A_416, %add3A_417 : i32
    %run_scoped3A_419 = arith.constant 4 : i32
    "tpu.region"() ({
      %run_scoped3A_579 = tpu.sem_alloc : memref<!tpu.dma_semaphore, #tpu.memory_space<semaphore_mem>>
      %dma_start3A_580 = arith.constant 0 : i32
      %dma_start3A_581 = arith.constant 0 : i32
      %dma_start3A_582 = tpu.memref_slice %arg7[%run_scoped3A_419, %dma_start3A_580, %dma_start3A_581] : memref<6x128x128xf32, #tpu.memory_space<vmem>> -> memref<1x128x128xf32, #tpu.memory_space<vmem>>
      %dma_start3A_583 = tpu.memref_squeeze %dma_start3A_582 : memref<1x128x128xf32, #tpu.memory_space<vmem>> -> memref<128x128xf32, #tpu.memory_space<vmem>>
      %dma_start3A_584 = arith.constant 0 : i32
      %dma_start3A_585 = tpu.memref_slice %arg4[%add3A_418, %dma_start3A_584] : memref<73728x128xf32, #tpu.memory_space<hbm>> -> memref<128x128xf32, #tpu.memory_space<hbm>>
      %dma_start3A_586 = arith.constant 0 : i32
      %dma_start3A_587 = tpu.memref_slice %arg4[%add3A_418, %dma_start3A_586] : memref<73728x128xf32, #tpu.memory_space<hbm>> -> memref<128x128xf32, #tpu.memory_space<hbm>>
      %dma_start3A_588 = arith.constant 0 : i32
      %dma_start3A_589 = arith.constant 0 : i32
      %dma_start3A_590 = tpu.memref_slice %arg7[%run_scoped3A_419, %dma_start3A_588, %dma_start3A_589] : memref<6x128x128xf32, #tpu.memory_space<vmem>> -> memref<1x128x128xf32, #tpu.memory_space<vmem>>
      %dma_start3A_591 = tpu.memref_squeeze %dma_start3A_590 : memref<1x128x128xf32, #tpu.memory_space<vmem>> -> memref<128x128xf32, #tpu.memory_space<vmem>>
      tpu.enqueue_dma source(%dma_start3A_591 : memref<128x128xf32, #tpu.memory_space<vmem>>) target(%dma_start3A_587 : memref<128x128xf32, #tpu.memory_space<hbm>>) target_semaphore(%run_scoped3A_579 : memref<!tpu.dma_semaphore, #tpu.memory_space<semaphore_mem>>)
      %dma_wait3A_592 = arith.constant 0 : i32
      %dma_wait3A_593 = arith.constant 0 : i32
      %dma_wait3A_594 = tpu.memref_slice %arg7[%run_scoped3A_419, %dma_wait3A_592, %dma_wait3A_593] : memref<6x128x128xf32, #tpu.memory_space<vmem>> -> memref<1x128x128xf32, #tpu.memory_space<vmem>>
      %dma_wait3A_595 = tpu.memref_squeeze %dma_wait3A_594 : memref<1x128x128xf32, #tpu.memory_space<vmem>> -> memref<128x128xf32, #tpu.memory_space<vmem>>
      %dma_wait3A_596 = arith.constant 0 : i32
      %dma_wait3A_597 = tpu.memref_slice %arg4[%add3A_418, %dma_wait3A_596] : memref<73728x128xf32, #tpu.memory_space<hbm>> -> memref<128x128xf32, #tpu.memory_space<hbm>>
      %dma_wait3A_598 = arith.constant 0 : i32
      %dma_wait3A_599 = tpu.memref_slice %arg4[%add3A_418, %dma_wait3A_598] : memref<73728x128xf32, #tpu.memory_space<hbm>> -> memref<128x128xf32, #tpu.memory_space<hbm>>
      %dma_wait3A_600 = arith.constant 0 : i32
      %dma_wait3A_601 = arith.constant 0 : i32
      %dma_wait3A_602 = tpu.memref_slice %arg7[%run_scoped3A_419, %dma_wait3A_600, %dma_wait3A_601] : memref<6x128x128xf32, #tpu.memory_space<vmem>> -> memref<1x128x128xf32, #tpu.memory_space<vmem>>
      %dma_wait3A_603 = tpu.memref_squeeze %dma_wait3A_602 : memref<1x128x128xf32, #tpu.memory_space<vmem>> -> memref<128x128xf32, #tpu.memory_space<vmem>>
      tpu.wait_dma2 semaphore(%run_scoped3A_579 : memref<!tpu.dma_semaphore, #tpu.memory_space<semaphore_mem>>) src(%dma_wait3A_603 : memref<128x128xf32, #tpu.memory_space<vmem>>) dst(%dma_wait3A_599 : memref<128x128xf32, #tpu.memory_space<hbm>>)
      tpu.yield
    }) : () -> ()
    %dma_start3A_420 = arith.constant 4 : i32
    %dma_start3A_421 = arith.constant 4 : i32
    %dma_start3A_422 = arith.constant 0 : i32
    %dma_start3A_423 = arith.constant 0 : i32
    %dma_start3A_424 = tpu.memref_slice %arg7[%dma_start3A_420, %dma_start3A_422, %dma_start3A_423] : memref<6x128x128xf32, #tpu.memory_space<vmem>> -> memref<1x128x128xf32, #tpu.memory_space<vmem>>
    %dma_start3A_425 = tpu.memref_squeeze %dma_start3A_424 : memref<1x128x128xf32, #tpu.memory_space<vmem>> -> memref<128x128xf32, #tpu.memory_space<vmem>>
    %dma_start3A_426 = arith.constant 2048 : i32
    %dma_start3A_427 = tpu.memref_slice %arg6[%dma_start3A_426] : memref<2304xi32, #tpu.memory_space<vmem>> -> memref<128xi32, #tpu.memory_space<vmem>>
    %dma_start3A_428 = arith.constant 0 : i32
    %dma_start3A_429 = arith.constant 0 : i32
    %dma_start3A_430 = tpu.memref_slice %arg2[%dma_start3A_428, %dma_start3A_429] : memref<1024x128xf32, #tpu.memory_space<hbm>> -> memref<1024x128xf32, #tpu.memory_space<hbm>>
    %dma_start3A_431 = tpu.memref_slice %arg10[%dma_start3A_421] : memref<6x!tpu.dma_semaphore, #tpu.memory_space<semaphore_mem>> -> memref<1x!tpu.dma_semaphore, #tpu.memory_space<semaphore_mem>>
    %dma_start3A_432 = tpu.memref_squeeze %dma_start3A_431 : memref<1x!tpu.dma_semaphore, #tpu.memory_space<semaphore_mem>> -> memref<!tpu.dma_semaphore, #tpu.memory_space<semaphore_mem>>
    tpu.enqueue_indirect_dma source(%dma_start3A_430 : memref<1024x128xf32, #tpu.memory_space<hbm>>) target(%dma_start3A_425 : memref<128x128xf32, #tpu.memory_space<vmem>>) offsets(%dma_start3A_427 : memref<128xi32, #tpu.memory_space<vmem>>) semaphore(%dma_start3A_432 : memref<!tpu.dma_semaphore, #tpu.memory_space<semaphore_mem>>)
    %dma_wait3A_433 = arith.constant 5 : i32
    %dma_wait3A_434 = arith.constant 5 : i32
    %dma_wait3A_435 = arith.constant 0 : i32
    %dma_wait3A_436 = arith.constant 0 : i32
    %dma_wait3A_437 = tpu.memref_slice %arg7[%dma_wait3A_433, %dma_wait3A_435, %dma_wait3A_436] : memref<6x128x128xf32, #tpu.memory_space<vmem>> -> memref<1x128x128xf32, #tpu.memory_space<vmem>>
    %dma_wait3A_438 = tpu.memref_squeeze %dma_wait3A_437 : memref<1x128x128xf32, #tpu.memory_space<vmem>> -> memref<128x128xf32, #tpu.memory_space<vmem>>
    %dma_wait3A_439 = arith.constant 1408 : i32
    %dma_wait3A_440 = tpu.memref_slice %arg6[%dma_wait3A_439] : memref<2304xi32, #tpu.memory_space<vmem>> -> memref<128xi32, #tpu.memory_space<vmem>>
    %dma_wait3A_441 = arith.constant 0 : i32
    %dma_wait3A_442 = arith.constant 0 : i32
    %dma_wait3A_443 = tpu.memref_slice %arg2[%dma_wait3A_441, %dma_wait3A_442] : memref<1024x128xf32, #tpu.memory_space<hbm>> -> memref<1024x128xf32, #tpu.memory_space<hbm>>
    %dma_wait3A_444 = tpu.memref_slice %arg10[%dma_wait3A_434] : memref<6x!tpu.dma_semaphore, #tpu.memory_space<semaphore_mem>> -> memref<1x!tpu.dma_semaphore, #tpu.memory_space<semaphore_mem>>
    %dma_wait3A_445 = tpu.memref_squeeze %dma_wait3A_444 : memref<1x!tpu.dma_semaphore, #tpu.memory_space<semaphore_mem>> -> memref<!tpu.dma_semaphore, #tpu.memory_space<semaphore_mem>>
    tpu.wait_indirect_dma semaphore(%dma_wait3A_445 : memref<!tpu.dma_semaphore, #tpu.memory_space<semaphore_mem>>) src(%dma_wait3A_443 : memref<1024x128xf32, #tpu.memory_space<hbm>>) dst(%dma_wait3A_438 : memref<128x128xf32, #tpu.memory_space<vmem>>)
    %mul3A_446 = arith.constant 2304 : i32
    %mul3A_447 = arith.muli %add3A, %mul3A_446 : i32
    %add3A_448 = arith.constant 1408 : i32
    %add3A_449 = arith.addi %mul3A_447, %add3A_448 : i32
    %run_scoped3A_450 = arith.constant 5 : i32
    "tpu.region"() ({
      %run_scoped3A_579 = tpu.sem_alloc : memref<!tpu.dma_semaphore, #tpu.memory_space<semaphore_mem>>
      %dma_start3A_580 = arith.constant 0 : i32
      %dma_start3A_581 = arith.constant 0 : i32
      %dma_start3A_582 = tpu.memref_slice %arg7[%run_scoped3A_450, %dma_start3A_580, %dma_start3A_581] : memref<6x128x128xf32, #tpu.memory_space<vmem>> -> memref<1x128x128xf32, #tpu.memory_space<vmem>>
      %dma_start3A_583 = tpu.memref_squeeze %dma_start3A_582 : memref<1x128x128xf32, #tpu.memory_space<vmem>> -> memref<128x128xf32, #tpu.memory_space<vmem>>
      %dma_start3A_584 = arith.constant 0 : i32
      %dma_start3A_585 = tpu.memref_slice %arg4[%add3A_449, %dma_start3A_584] : memref<73728x128xf32, #tpu.memory_space<hbm>> -> memref<128x128xf32, #tpu.memory_space<hbm>>
      %dma_start3A_586 = arith.constant 0 : i32
      %dma_start3A_587 = tpu.memref_slice %arg4[%add3A_449, %dma_start3A_586] : memref<73728x128xf32, #tpu.memory_space<hbm>> -> memref<128x128xf32, #tpu.memory_space<hbm>>
      %dma_start3A_588 = arith.constant 0 : i32
      %dma_start3A_589 = arith.constant 0 : i32
      %dma_start3A_590 = tpu.memref_slice %arg7[%run_scoped3A_450, %dma_start3A_588, %dma_start3A_589] : memref<6x128x128xf32, #tpu.memory_space<vmem>> -> memref<1x128x128xf32, #tpu.memory_space<vmem>>
      %dma_start3A_591 = tpu.memref_squeeze %dma_start3A_590 : memref<1x128x128xf32, #tpu.memory_space<vmem>> -> memref<128x128xf32, #tpu.memory_space<vmem>>
      tpu.enqueue_dma source(%dma_start3A_591 : memref<128x128xf32, #tpu.memory_space<vmem>>) target(%dma_start3A_587 : memref<128x128xf32, #tpu.memory_space<hbm>>) target_semaphore(%run_scoped3A_579 : memref<!tpu.dma_semaphore, #tpu.memory_space<semaphore_mem>>)
      %dma_wait3A_592 = arith.constant 0 : i32
      %dma_wait3A_593 = arith.constant 0 : i32
      %dma_wait3A_594 = tpu.memref_slice %arg7[%run_scoped3A_450, %dma_wait3A_592, %dma_wait3A_593] : memref<6x128x128xf32, #tpu.memory_space<vmem>> -> memref<1x128x128xf32, #tpu.memory_space<vmem>>
      %dma_wait3A_595 = tpu.memref_squeeze %dma_wait3A_594 : memref<1x128x128xf32, #tpu.memory_space<vmem>> -> memref<128x128xf32, #tpu.memory_space<vmem>>
      %dma_wait3A_596 = arith.constant 0 : i32
      %dma_wait3A_597 = tpu.memref_slice %arg4[%add3A_449, %dma_wait3A_596] : memref<73728x128xf32, #tpu.memory_space<hbm>> -> memref<128x128xf32, #tpu.memory_space<hbm>>
      %dma_wait3A_598 = arith.constant 0 : i32
      %dma_wait3A_599 = tpu.memref_slice %arg4[%add3A_449, %dma_wait3A_598] : memref<73728x128xf32, #tpu.memory_space<hbm>> -> memref<128x128xf32, #tpu.memory_space<hbm>>
      %dma_wait3A_600 = arith.constant 0 : i32
      %dma_wait3A_601 = arith.constant 0 : i32
      %dma_wait3A_602 = tpu.memref_slice %arg7[%run_scoped3A_450, %dma_wait3A_600, %dma_wait3A_601] : memref<6x128x128xf32, #tpu.memory_space<vmem>> -> memref<1x128x128xf32, #tpu.memory_space<vmem>>
      %dma_wait3A_603 = tpu.memref_squeeze %dma_wait3A_602 : memref<1x128x128xf32, #tpu.memory_space<vmem>> -> memref<128x128xf32, #tpu.memory_space<vmem>>
      tpu.wait_dma2 semaphore(%run_scoped3A_579 : memref<!tpu.dma_semaphore, #tpu.memory_space<semaphore_mem>>) src(%dma_wait3A_603 : memref<128x128xf32, #tpu.memory_space<vmem>>) dst(%dma_wait3A_599 : memref<128x128xf32, #tpu.memory_space<hbm>>)
      tpu.yield
    }) : () -> ()
    %dma_start3A_451 = arith.constant 5 : i32
    %dma_start3A_452 = arith.constant 5 : i32
    %dma_start3A_453 = arith.constant 0 : i32
    %dma_start3A_454 = arith.constant 0 : i32
    %dma_start3A_455 = tpu.memref_slice %arg7[%dma_start3A_451, %dma_start3A_453, %dma_start3A_454] : memref<6x128x128xf32, #tpu.memory_space<vmem>> -> memref<1x128x128xf32, #tpu.memory_space<vmem>>
    %dma_start3A_456 = tpu.memref_squeeze %dma_start3A_455 : memref<1x128x128xf32, #tpu.memory_space<vmem>> -> memref<128x128xf32, #tpu.memory_space<vmem>>
    %dma_start3A_457 = arith.constant 2176 : i32
    %dma_start3A_458 = tpu.memref_slice %arg6[%dma_start3A_457] : memref<2304xi32, #tpu.memory_space<vmem>> -> memref<128xi32, #tpu.memory_space<vmem>>
    %dma_start3A_459 = arith.constant 0 : i32
    %dma_start3A_460 = arith.constant 0 : i32
    %dma_start3A_461 = tpu.memref_slice %arg2[%dma_start3A_459, %dma_start3A_460] : memref<1024x128xf32, #tpu.memory_space<hbm>> -> memref<1024x128xf32, #tpu.memory_space<hbm>>
    %dma_start3A_462 = tpu.memref_slice %arg10[%dma_start3A_452] : memref<6x!tpu.dma_semaphore, #tpu.memory_space<semaphore_mem>> -> memref<1x!tpu.dma_semaphore, #tpu.memory_space<semaphore_mem>>
    %dma_start3A_463 = tpu.memref_squeeze %dma_start3A_462 : memref<1x!tpu.dma_semaphore, #tpu.memory_space<semaphore_mem>> -> memref<!tpu.dma_semaphore, #tpu.memory_space<semaphore_mem>>
    tpu.enqueue_indirect_dma source(%dma_start3A_461 : memref<1024x128xf32, #tpu.memory_space<hbm>>) target(%dma_start3A_456 : memref<128x128xf32, #tpu.memory_space<vmem>>) offsets(%dma_start3A_458 : memref<128xi32, #tpu.memory_space<vmem>>) semaphore(%dma_start3A_463 : memref<!tpu.dma_semaphore, #tpu.memory_space<semaphore_mem>>)
    %dma_wait3A_464 = arith.constant 0 : i32
    %dma_wait3A_465 = arith.constant 0 : i32
    %dma_wait3A_466 = arith.constant 0 : i32
    %dma_wait3A_467 = arith.constant 0 : i32
    %dma_wait3A_468 = tpu.memref_slice %arg7[%dma_wait3A_464, %dma_wait3A_466, %dma_wait3A_467] : memref<6x128x128xf32, #tpu.memory_space<vmem>> -> memref<1x128x128xf32, #tpu.memory_space<vmem>>
    %dma_wait3A_469 = tpu.memref_squeeze %dma_wait3A_468 : memref<1x128x128xf32, #tpu.memory_space<vmem>> -> memref<128x128xf32, #tpu.memory_space<vmem>>
    %dma_wait3A_470 = arith.constant 1536 : i32
    %dma_wait3A_471 = tpu.memref_slice %arg6[%dma_wait3A_470] : memref<2304xi32, #tpu.memory_space<vmem>> -> memref<128xi32, #tpu.memory_space<vmem>>
    %dma_wait3A_472 = arith.constant 0 : i32
    %dma_wait3A_473 = arith.constant 0 : i32
    %dma_wait3A_474 = tpu.memref_slice %arg2[%dma_wait3A_472, %dma_wait3A_473] : memref<1024x128xf32, #tpu.memory_space<hbm>> -> memref<1024x128xf32, #tpu.memory_space<hbm>>
    %dma_wait3A_475 = tpu.memref_slice %arg10[%dma_wait3A_465] : memref<6x!tpu.dma_semaphore, #tpu.memory_space<semaphore_mem>> -> memref<1x!tpu.dma_semaphore, #tpu.memory_space<semaphore_mem>>
    %dma_wait3A_476 = tpu.memref_squeeze %dma_wait3A_475 : memref<1x!tpu.dma_semaphore, #tpu.memory_space<semaphore_mem>> -> memref<!tpu.dma_semaphore, #tpu.memory_space<semaphore_mem>>
    tpu.wait_indirect_dma semaphore(%dma_wait3A_476 : memref<!tpu.dma_semaphore, #tpu.memory_space<semaphore_mem>>) src(%dma_wait3A_474 : memref<1024x128xf32, #tpu.memory_space<hbm>>) dst(%dma_wait3A_469 : memref<128x128xf32, #tpu.memory_space<vmem>>)
    %mul3A_477 = arith.constant 2304 : i32
    %mul3A_478 = arith.muli %add3A, %mul3A_477 : i32
    %add3A_479 = arith.constant 1536 : i32
    %add3A_480 = arith.addi %mul3A_478, %add3A_479 : i32
    %run_scoped3A_481 = arith.constant 0 : i32
    "tpu.region"() ({
      %run_scoped3A_579 = tpu.sem_alloc : memref<!tpu.dma_semaphore, #tpu.memory_space<semaphore_mem>>
      %dma_start3A_580 = arith.constant 0 : i32
      %dma_start3A_581 = arith.constant 0 : i32
      %dma_start3A_582 = tpu.memref_slice %arg7[%run_scoped3A_481, %dma_start3A_580, %dma_start3A_581] : memref<6x128x128xf32, #tpu.memory_space<vmem>> -> memref<1x128x128xf32, #tpu.memory_space<vmem>>
      %dma_start3A_583 = tpu.memref_squeeze %dma_start3A_582 : memref<1x128x128xf32, #tpu.memory_space<vmem>> -> memref<128x128xf32, #tpu.memory_space<vmem>>
      %dma_start3A_584 = arith.constant 0 : i32
      %dma_start3A_585 = tpu.memref_slice %arg4[%add3A_480, %dma_start3A_584] : memref<73728x128xf32, #tpu.memory_space<hbm>> -> memref<128x128xf32, #tpu.memory_space<hbm>>
      %dma_start3A_586 = arith.constant 0 : i32
      %dma_start3A_587 = tpu.memref_slice %arg4[%add3A_480, %dma_start3A_586] : memref<73728x128xf32, #tpu.memory_space<hbm>> -> memref<128x128xf32, #tpu.memory_space<hbm>>
      %dma_start3A_588 = arith.constant 0 : i32
      %dma_start3A_589 = arith.constant 0 : i32
      %dma_start3A_590 = tpu.memref_slice %arg7[%run_scoped3A_481, %dma_start3A_588, %dma_start3A_589] : memref<6x128x128xf32, #tpu.memory_space<vmem>> -> memref<1x128x128xf32, #tpu.memory_space<vmem>>
      %dma_start3A_591 = tpu.memref_squeeze %dma_start3A_590 : memref<1x128x128xf32, #tpu.memory_space<vmem>> -> memref<128x128xf32, #tpu.memory_space<vmem>>
      tpu.enqueue_dma source(%dma_start3A_591 : memref<128x128xf32, #tpu.memory_space<vmem>>) target(%dma_start3A_587 : memref<128x128xf32, #tpu.memory_space<hbm>>) target_semaphore(%run_scoped3A_579 : memref<!tpu.dma_semaphore, #tpu.memory_space<semaphore_mem>>)
      %dma_wait3A_592 = arith.constant 0 : i32
      %dma_wait3A_593 = arith.constant 0 : i32
      %dma_wait3A_594 = tpu.memref_slice %arg7[%run_scoped3A_481, %dma_wait3A_592, %dma_wait3A_593] : memref<6x128x128xf32, #tpu.memory_space<vmem>> -> memref<1x128x128xf32, #tpu.memory_space<vmem>>
      %dma_wait3A_595 = tpu.memref_squeeze %dma_wait3A_594 : memref<1x128x128xf32, #tpu.memory_space<vmem>> -> memref<128x128xf32, #tpu.memory_space<vmem>>
      %dma_wait3A_596 = arith.constant 0 : i32
      %dma_wait3A_597 = tpu.memref_slice %arg4[%add3A_480, %dma_wait3A_596] : memref<73728x128xf32, #tpu.memory_space<hbm>> -> memref<128x128xf32, #tpu.memory_space<hbm>>
      %dma_wait3A_598 = arith.constant 0 : i32
      %dma_wait3A_599 = tpu.memref_slice %arg4[%add3A_480, %dma_wait3A_598] : memref<73728x128xf32, #tpu.memory_space<hbm>> -> memref<128x128xf32, #tpu.memory_space<hbm>>
      %dma_wait3A_600 = arith.constant 0 : i32
      %dma_wait3A_601 = arith.constant 0 : i32
      %dma_wait3A_602 = tpu.memref_slice %arg7[%run_scoped3A_481, %dma_wait3A_600, %dma_wait3A_601] : memref<6x128x128xf32, #tpu.memory_space<vmem>> -> memref<1x128x128xf32, #tpu.memory_space<vmem>>
      %dma_wait3A_603 = tpu.memref_squeeze %dma_wait3A_602 : memref<1x128x128xf32, #tpu.memory_space<vmem>> -> memref<128x128xf32, #tpu.memory_space<vmem>>
      tpu.wait_dma2 semaphore(%run_scoped3A_579 : memref<!tpu.dma_semaphore, #tpu.memory_space<semaphore_mem>>) src(%dma_wait3A_603 : memref<128x128xf32, #tpu.memory_space<vmem>>) dst(%dma_wait3A_599 : memref<128x128xf32, #tpu.memory_space<hbm>>)
      tpu.yield
    }) : () -> ()
    %dma_wait3A_482 = arith.constant 1 : i32
    %dma_wait3A_483 = arith.constant 1 : i32
    %dma_wait3A_484 = arith.constant 0 : i32
    %dma_wait3A_485 = arith.constant 0 : i32
    %dma_wait3A_486 = tpu.memref_slice %arg7[%dma_wait3A_482, %dma_wait3A_484, %dma_wait3A_485] : memref<6x128x128xf32, #tpu.memory_space<vmem>> -> memref<1x128x128xf32, #tpu.memory_space<vmem>>
    %dma_wait3A_487 = tpu.memref_squeeze %dma_wait3A_486 : memref<1x128x128xf32, #tpu.memory_space<vmem>> -> memref<128x128xf32, #tpu.memory_space<vmem>>
    %dma_wait3A_488 = arith.constant 1664 : i32
    %dma_wait3A_489 = tpu.memref_slice %arg6[%dma_wait3A_488] : memref<2304xi32, #tpu.memory_space<vmem>> -> memref<128xi32, #tpu.memory_space<vmem>>
    %dma_wait3A_490 = arith.constant 0 : i32
    %dma_wait3A_491 = arith.constant 0 : i32
    %dma_wait3A_492 = tpu.memref_slice %arg2[%dma_wait3A_490, %dma_wait3A_491] : memref<1024x128xf32, #tpu.memory_space<hbm>> -> memref<1024x128xf32, #tpu.memory_space<hbm>>
    %dma_wait3A_493 = tpu.memref_slice %arg10[%dma_wait3A_483] : memref<6x!tpu.dma_semaphore, #tpu.memory_space<semaphore_mem>> -> memref<1x!tpu.dma_semaphore, #tpu.memory_space<semaphore_mem>>
    %dma_wait3A_494 = tpu.memref_squeeze %dma_wait3A_493 : memref<1x!tpu.dma_semaphore, #tpu.memory_space<semaphore_mem>> -> memref<!tpu.dma_semaphore, #tpu.memory_space<semaphore_mem>>
    tpu.wait_indirect_dma semaphore(%dma_wait3A_494 : memref<!tpu.dma_semaphore, #tpu.memory_space<semaphore_mem>>) src(%dma_wait3A_492 : memref<1024x128xf32, #tpu.memory_space<hbm>>) dst(%dma_wait3A_487 : memref<128x128xf32, #tpu.memory_space<vmem>>)
    %mul3A_495 = arith.constant 2304 : i32
    %mul3A_496 = arith.muli %add3A, %mul3A_495 : i32
    %add3A_497 = arith.constant 1664 : i32
    %add3A_498 = arith.addi %mul3A_496, %add3A_497 : i32
    %run_scoped3A_499 = arith.constant 1 : i32
    "tpu.region"() ({
      %run_scoped3A_579 = tpu.sem_alloc : memref<!tpu.dma_semaphore, #tpu.memory_space<semaphore_mem>>
      %dma_start3A_580 = arith.constant 0 : i32
      %dma_start3A_581 = arith.constant 0 : i32
      %dma_start3A_582 = tpu.memref_slice %arg7[%run_scoped3A_499, %dma_start3A_580, %dma_start3A_581] : memref<6x128x128xf32, #tpu.memory_space<vmem>> -> memref<1x128x128xf32, #tpu.memory_space<vmem>>
      %dma_start3A_583 = tpu.memref_squeeze %dma_start3A_582 : memref<1x128x128xf32, #tpu.memory_space<vmem>> -> memref<128x128xf32, #tpu.memory_space<vmem>>
      %dma_start3A_584 = arith.constant 0 : i32
      %dma_start3A_585 = tpu.memref_slice %arg4[%add3A_498, %dma_start3A_584] : memref<73728x128xf32, #tpu.memory_space<hbm>> -> memref<128x128xf32, #tpu.memory_space<hbm>>
      %dma_start3A_586 = arith.constant 0 : i32
      %dma_start3A_587 = tpu.memref_slice %arg4[%add3A_498, %dma_start3A_586] : memref<73728x128xf32, #tpu.memory_space<hbm>> -> memref<128x128xf32, #tpu.memory_space<hbm>>
      %dma_start3A_588 = arith.constant 0 : i32
      %dma_start3A_589 = arith.constant 0 : i32
      %dma_start3A_590 = tpu.memref_slice %arg7[%run_scoped3A_499, %dma_start3A_588, %dma_start3A_589] : memref<6x128x128xf32, #tpu.memory_space<vmem>> -> memref<1x128x128xf32, #tpu.memory_space<vmem>>
      %dma_start3A_591 = tpu.memref_squeeze %dma_start3A_590 : memref<1x128x128xf32, #tpu.memory_space<vmem>> -> memref<128x128xf32, #tpu.memory_space<vmem>>
      tpu.enqueue_dma source(%dma_start3A_591 : memref<128x128xf32, #tpu.memory_space<vmem>>) target(%dma_start3A_587 : memref<128x128xf32, #tpu.memory_space<hbm>>) target_semaphore(%run_scoped3A_579 : memref<!tpu.dma_semaphore, #tpu.memory_space<semaphore_mem>>)
      %dma_wait3A_592 = arith.constant 0 : i32
      %dma_wait3A_593 = arith.constant 0 : i32
      %dma_wait3A_594 = tpu.memref_slice %arg7[%run_scoped3A_499, %dma_wait3A_592, %dma_wait3A_593] : memref<6x128x128xf32, #tpu.memory_space<vmem>> -> memref<1x128x128xf32, #tpu.memory_space<vmem>>
      %dma_wait3A_595 = tpu.memref_squeeze %dma_wait3A_594 : memref<1x128x128xf32, #tpu.memory_space<vmem>> -> memref<128x128xf32, #tpu.memory_space<vmem>>
      %dma_wait3A_596 = arith.constant 0 : i32
      %dma_wait3A_597 = tpu.memref_slice %arg4[%add3A_498, %dma_wait3A_596] : memref<73728x128xf32, #tpu.memory_space<hbm>> -> memref<128x128xf32, #tpu.memory_space<hbm>>
      %dma_wait3A_598 = arith.constant 0 : i32
      %dma_wait3A_599 = tpu.memref_slice %arg4[%add3A_498, %dma_wait3A_598] : memref<73728x128xf32, #tpu.memory_space<hbm>> -> memref<128x128xf32, #tpu.memory_space<hbm>>
      %dma_wait3A_600 = arith.constant 0 : i32
      %dma_wait3A_601 = arith.constant 0 : i32
      %dma_wait3A_602 = tpu.memref_slice %arg7[%run_scoped3A_499, %dma_wait3A_600, %dma_wait3A_601] : memref<6x128x128xf32, #tpu.memory_space<vmem>> -> memref<1x128x128xf32, #tpu.memory_space<vmem>>
      %dma_wait3A_603 = tpu.memref_squeeze %dma_wait3A_602 : memref<1x128x128xf32, #tpu.memory_space<vmem>> -> memref<128x128xf32, #tpu.memory_space<vmem>>
      tpu.wait_dma2 semaphore(%run_scoped3A_579 : memref<!tpu.dma_semaphore, #tpu.memory_space<semaphore_mem>>) src(%dma_wait3A_603 : memref<128x128xf32, #tpu.memory_space<vmem>>) dst(%dma_wait3A_599 : memref<128x128xf32, #tpu.memory_space<hbm>>)
      tpu.yield
    }) : () -> ()
    %dma_wait3A_500 = arith.constant 2 : i32
    %dma_wait3A_501 = arith.constant 2 : i32
    %dma_wait3A_502 = arith.constant 0 : i32
    %dma_wait3A_503 = arith.constant 0 : i32
    %dma_wait3A_504 = tpu.memref_slice %arg7[%dma_wait3A_500, %dma_wait3A_502, %dma_wait3A_503] : memref<6x128x128xf32, #tpu.memory_space<vmem>> -> memref<1x128x128xf32, #tpu.memory_space<vmem>>
    %dma_wait3A_505 = tpu.memref_squeeze %dma_wait3A_504 : memref<1x128x128xf32, #tpu.memory_space<vmem>> -> memref<128x128xf32, #tpu.memory_space<vmem>>
    %dma_wait3A_506 = arith.constant 1792 : i32
    %dma_wait3A_507 = tpu.memref_slice %arg6[%dma_wait3A_506] : memref<2304xi32, #tpu.memory_space<vmem>> -> memref<128xi32, #tpu.memory_space<vmem>>
    %dma_wait3A_508 = arith.constant 0 : i32
    %dma_wait3A_509 = arith.constant 0 : i32
    %dma_wait3A_510 = tpu.memref_slice %arg2[%dma_wait3A_508, %dma_wait3A_509] : memref<1024x128xf32, #tpu.memory_space<hbm>> -> memref<1024x128xf32, #tpu.memory_space<hbm>>
    %dma_wait3A_511 = tpu.memref_slice %arg10[%dma_wait3A_501] : memref<6x!tpu.dma_semaphore, #tpu.memory_space<semaphore_mem>> -> memref<1x!tpu.dma_semaphore, #tpu.memory_space<semaphore_mem>>
    %dma_wait3A_512 = tpu.memref_squeeze %dma_wait3A_511 : memref<1x!tpu.dma_semaphore, #tpu.memory_space<semaphore_mem>> -> memref<!tpu.dma_semaphore, #tpu.memory_space<semaphore_mem>>
    tpu.wait_indirect_dma semaphore(%dma_wait3A_512 : memref<!tpu.dma_semaphore, #tpu.memory_space<semaphore_mem>>) src(%dma_wait3A_510 : memref<1024x128xf32, #tpu.memory_space<hbm>>) dst(%dma_wait3A_505 : memref<128x128xf32, #tpu.memory_space<vmem>>)
    %mul3A_513 = arith.constant 2304 : i32
    %mul3A_514 = arith.muli %add3A, %mul3A_513 : i32
    %add3A_515 = arith.constant 1792 : i32
    %add3A_516 = arith.addi %mul3A_514, %add3A_515 : i32
    %run_scoped3A_517 = arith.constant 2 : i32
    "tpu.region"() ({
      %run_scoped3A_579 = tpu.sem_alloc : memref<!tpu.dma_semaphore, #tpu.memory_space<semaphore_mem>>
      %dma_start3A_580 = arith.constant 0 : i32
      %dma_start3A_581 = arith.constant 0 : i32
      %dma_start3A_582 = tpu.memref_slice %arg7[%run_scoped3A_517, %dma_start3A_580, %dma_start3A_581] : memref<6x128x128xf32, #tpu.memory_space<vmem>> -> memref<1x128x128xf32, #tpu.memory_space<vmem>>
      %dma_start3A_583 = tpu.memref_squeeze %dma_start3A_582 : memref<1x128x128xf32, #tpu.memory_space<vmem>> -> memref<128x128xf32, #tpu.memory_space<vmem>>
      %dma_start3A_584 = arith.constant 0 : i32
      %dma_start3A_585 = tpu.memref_slice %arg4[%add3A_516, %dma_start3A_584] : memref<73728x128xf32, #tpu.memory_space<hbm>> -> memref<128x128xf32, #tpu.memory_space<hbm>>
      %dma_start3A_586 = arith.constant 0 : i32
      %dma_start3A_587 = tpu.memref_slice %arg4[%add3A_516, %dma_start3A_586] : memref<73728x128xf32, #tpu.memory_space<hbm>> -> memref<128x128xf32, #tpu.memory_space<hbm>>
      %dma_start3A_588 = arith.constant 0 : i32
      %dma_start3A_589 = arith.constant 0 : i32
      %dma_start3A_590 = tpu.memref_slice %arg7[%run_scoped3A_517, %dma_start3A_588, %dma_start3A_589] : memref<6x128x128xf32, #tpu.memory_space<vmem>> -> memref<1x128x128xf32, #tpu.memory_space<vmem>>
      %dma_start3A_591 = tpu.memref_squeeze %dma_start3A_590 : memref<1x128x128xf32, #tpu.memory_space<vmem>> -> memref<128x128xf32, #tpu.memory_space<vmem>>
      tpu.enqueue_dma source(%dma_start3A_591 : memref<128x128xf32, #tpu.memory_space<vmem>>) target(%dma_start3A_587 : memref<128x128xf32, #tpu.memory_space<hbm>>) target_semaphore(%run_scoped3A_579 : memref<!tpu.dma_semaphore, #tpu.memory_space<semaphore_mem>>)
      %dma_wait3A_592 = arith.constant 0 : i32
      %dma_wait3A_593 = arith.constant 0 : i32
      %dma_wait3A_594 = tpu.memref_slice %arg7[%run_scoped3A_517, %dma_wait3A_592, %dma_wait3A_593] : memref<6x128x128xf32, #tpu.memory_space<vmem>> -> memref<1x128x128xf32, #tpu.memory_space<vmem>>
      %dma_wait3A_595 = tpu.memref_squeeze %dma_wait3A_594 : memref<1x128x128xf32, #tpu.memory_space<vmem>> -> memref<128x128xf32, #tpu.memory_space<vmem>>
      %dma_wait3A_596 = arith.constant 0 : i32
      %dma_wait3A_597 = tpu.memref_slice %arg4[%add3A_516, %dma_wait3A_596] : memref<73728x128xf32, #tpu.memory_space<hbm>> -> memref<128x128xf32, #tpu.memory_space<hbm>>
      %dma_wait3A_598 = arith.constant 0 : i32
      %dma_wait3A_599 = tpu.memref_slice %arg4[%add3A_516, %dma_wait3A_598] : memref<73728x128xf32, #tpu.memory_space<hbm>> -> memref<128x128xf32, #tpu.memory_space<hbm>>
      %dma_wait3A_600 = arith.constant 0 : i32
      %dma_wait3A_601 = arith.constant 0 : i32
      %dma_wait3A_602 = tpu.memref_slice %arg7[%run_scoped3A_517, %dma_wait3A_600, %dma_wait3A_601] : memref<6x128x128xf32, #tpu.memory_space<vmem>> -> memref<1x128x128xf32, #tpu.memory_space<vmem>>
      %dma_wait3A_603 = tpu.memref_squeeze %dma_wait3A_602 : memref<1x128x128xf32, #tpu.memory_space<vmem>> -> memref<128x128xf32, #tpu.memory_space<vmem>>
      tpu.wait_dma2 semaphore(%run_scoped3A_579 : memref<!tpu.dma_semaphore, #tpu.memory_space<semaphore_mem>>) src(%dma_wait3A_603 : memref<128x128xf32, #tpu.memory_space<vmem>>) dst(%dma_wait3A_599 : memref<128x128xf32, #tpu.memory_space<hbm>>)
      tpu.yield
    }) : () -> ()
    %dma_wait3A_518 = arith.constant 3 : i32
    %dma_wait3A_519 = arith.constant 3 : i32
    %dma_wait3A_520 = arith.constant 0 : i32
    %dma_wait3A_521 = arith.constant 0 : i32
    %dma_wait3A_522 = tpu.memref_slice %arg7[%dma_wait3A_518, %dma_wait3A_520, %dma_wait3A_521] : memref<6x128x128xf32, #tpu.memory_space<vmem>> -> memref<1x128x128xf32, #tpu.memory_space<vmem>>
    %dma_wait3A_523 = tpu.memref_squeeze %dma_wait3A_522 : memref<1x128x128xf32, #tpu.memory_space<vmem>> -> memref<128x128xf32, #tpu.memory_space<vmem>>
    %dma_wait3A_524 = arith.constant 1920 : i32
    %dma_wait3A_525 = tpu.memref_slice %arg6[%dma_wait3A_524] : memref<2304xi32, #tpu.memory_space<vmem>> -> memref<128xi32, #tpu.memory_space<vmem>>
    %dma_wait3A_526 = arith.constant 0 : i32
    %dma_wait3A_527 = arith.constant 0 : i32
    %dma_wait3A_528 = tpu.memref_slice %arg2[%dma_wait3A_526, %dma_wait3A_527] : memref<1024x128xf32, #tpu.memory_space<hbm>> -> memref<1024x128xf32, #tpu.memory_space<hbm>>
    %dma_wait3A_529 = tpu.memref_slice %arg10[%dma_wait3A_519] : memref<6x!tpu.dma_semaphore, #tpu.memory_space<semaphore_mem>> -> memref<1x!tpu.dma_semaphore, #tpu.memory_space<semaphore_mem>>
    %dma_wait3A_530 = tpu.memref_squeeze %dma_wait3A_529 : memref<1x!tpu.dma_semaphore, #tpu.memory_space<semaphore_mem>> -> memref<!tpu.dma_semaphore, #tpu.memory_space<semaphore_mem>>
    tpu.wait_indirect_dma semaphore(%dma_wait3A_530 : memref<!tpu.dma_semaphore, #tpu.memory_space<semaphore_mem>>) src(%dma_wait3A_528 : memref<1024x128xf32, #tpu.memory_space<hbm>>) dst(%dma_wait3A_523 : memref<128x128xf32, #tpu.memory_space<vmem>>)
    %mul3A_531 = arith.constant 2304 : i32
    %mul3A_532 = arith.muli %add3A, %mul3A_531 : i32
    %add3A_533 = arith.constant 1920 : i32
    %add3A_534 = arith.addi %mul3A_532, %add3A_533 : i32
    %run_scoped3A_535 = arith.constant 3 : i32
    "tpu.region"() ({
      %run_scoped3A_579 = tpu.sem_alloc : memref<!tpu.dma_semaphore, #tpu.memory_space<semaphore_mem>>
      %dma_start3A_580 = arith.constant 0 : i32
      %dma_start3A_581 = arith.constant 0 : i32
      %dma_start3A_582 = tpu.memref_slice %arg7[%run_scoped3A_535, %dma_start3A_580, %dma_start3A_581] : memref<6x128x128xf32, #tpu.memory_space<vmem>> -> memref<1x128x128xf32, #tpu.memory_space<vmem>>
      %dma_start3A_583 = tpu.memref_squeeze %dma_start3A_582 : memref<1x128x128xf32, #tpu.memory_space<vmem>> -> memref<128x128xf32, #tpu.memory_space<vmem>>
      %dma_start3A_584 = arith.constant 0 : i32
      %dma_start3A_585 = tpu.memref_slice %arg4[%add3A_534, %dma_start3A_584] : memref<73728x128xf32, #tpu.memory_space<hbm>> -> memref<128x128xf32, #tpu.memory_space<hbm>>
      %dma_start3A_586 = arith.constant 0 : i32
      %dma_start3A_587 = tpu.memref_slice %arg4[%add3A_534, %dma_start3A_586] : memref<73728x128xf32, #tpu.memory_space<hbm>> -> memref<128x128xf32, #tpu.memory_space<hbm>>
      %dma_start3A_588 = arith.constant 0 : i32
      %dma_start3A_589 = arith.constant 0 : i32
      %dma_start3A_590 = tpu.memref_slice %arg7[%run_scoped3A_535, %dma_start3A_588, %dma_start3A_589] : memref<6x128x128xf32, #tpu.memory_space<vmem>> -> memref<1x128x128xf32, #tpu.memory_space<vmem>>
      %dma_start3A_591 = tpu.memref_squeeze %dma_start3A_590 : memref<1x128x128xf32, #tpu.memory_space<vmem>> -> memref<128x128xf32, #tpu.memory_space<vmem>>
      tpu.enqueue_dma source(%dma_start3A_591 : memref<128x128xf32, #tpu.memory_space<vmem>>) target(%dma_start3A_587 : memref<128x128xf32, #tpu.memory_space<hbm>>) target_semaphore(%run_scoped3A_579 : memref<!tpu.dma_semaphore, #tpu.memory_space<semaphore_mem>>)
      %dma_wait3A_592 = arith.constant 0 : i32
      %dma_wait3A_593 = arith.constant 0 : i32
      %dma_wait3A_594 = tpu.memref_slice %arg7[%run_scoped3A_535, %dma_wait3A_592, %dma_wait3A_593] : memref<6x128x128xf32, #tpu.memory_space<vmem>> -> memref<1x128x128xf32, #tpu.memory_space<vmem>>
      %dma_wait3A_595 = tpu.memref_squeeze %dma_wait3A_594 : memref<1x128x128xf32, #tpu.memory_space<vmem>> -> memref<128x128xf32, #tpu.memory_space<vmem>>
      %dma_wait3A_596 = arith.constant 0 : i32
      %dma_wait3A_597 = tpu.memref_slice %arg4[%add3A_534, %dma_wait3A_596] : memref<73728x128xf32, #tpu.memory_space<hbm>> -> memref<128x128xf32, #tpu.memory_space<hbm>>
      %dma_wait3A_598 = arith.constant 0 : i32
      %dma_wait3A_599 = tpu.memref_slice %arg4[%add3A_534, %dma_wait3A_598] : memref<73728x128xf32, #tpu.memory_space<hbm>> -> memref<128x128xf32, #tpu.memory_space<hbm>>
      %dma_wait3A_600 = arith.constant 0 : i32
      %dma_wait3A_601 = arith.constant 0 : i32
      %dma_wait3A_602 = tpu.memref_slice %arg7[%run_scoped3A_535, %dma_wait3A_600, %dma_wait3A_601] : memref<6x128x128xf32, #tpu.memory_space<vmem>> -> memref<1x128x128xf32, #tpu.memory_space<vmem>>
      %dma_wait3A_603 = tpu.memref_squeeze %dma_wait3A_602 : memref<1x128x128xf32, #tpu.memory_space<vmem>> -> memref<128x128xf32, #tpu.memory_space<vmem>>
      tpu.wait_dma2 semaphore(%run_scoped3A_579 : memref<!tpu.dma_semaphore, #tpu.memory_space<semaphore_mem>>) src(%dma_wait3A_603 : memref<128x128xf32, #tpu.memory_space<vmem>>) dst(%dma_wait3A_599 : memref<128x128xf32, #tpu.memory_space<hbm>>)
      tpu.yield
    }) : () -> ()
    %dma_wait3A_536 = arith.constant 4 : i32
    %dma_wait3A_537 = arith.constant 4 : i32
    %dma_wait3A_538 = arith.constant 0 : i32
    %dma_wait3A_539 = arith.constant 0 : i32
    %dma_wait3A_540 = tpu.memref_slice %arg7[%dma_wait3A_536, %dma_wait3A_538, %dma_wait3A_539] : memref<6x128x128xf32, #tpu.memory_space<vmem>> -> memref<1x128x128xf32, #tpu.memory_space<vmem>>
    %dma_wait3A_541 = tpu.memref_squeeze %dma_wait3A_540 : memref<1x128x128xf32, #tpu.memory_space<vmem>> -> memref<128x128xf32, #tpu.memory_space<vmem>>
    %dma_wait3A_542 = arith.constant 2048 : i32
    %dma_wait3A_543 = tpu.memref_slice %arg6[%dma_wait3A_542] : memref<2304xi32, #tpu.memory_space<vmem>> -> memref<128xi32, #tpu.memory_space<vmem>>
    %dma_wait3A_544 = arith.constant 0 : i32
    %dma_wait3A_545 = arith.constant 0 : i32
    %dma_wait3A_546 = tpu.memref_slice %arg2[%dma_wait3A_544, %dma_wait3A_545] : memref<1024x128xf32, #tpu.memory_space<hbm>> -> memref<1024x128xf32, #tpu.memory_space<hbm>>
    %dma_wait3A_547 = tpu.memref_slice %arg10[%dma_wait3A_537] : memref<6x!tpu.dma_semaphore, #tpu.memory_space<semaphore_mem>> -> memref<1x!tpu.dma_semaphore, #tpu.memory_space<semaphore_mem>>
    %dma_wait3A_548 = tpu.memref_squeeze %dma_wait3A_547 : memref<1x!tpu.dma_semaphore, #tpu.memory_space<semaphore_mem>> -> memref<!tpu.dma_semaphore, #tpu.memory_space<semaphore_mem>>
    tpu.wait_indirect_dma semaphore(%dma_wait3A_548 : memref<!tpu.dma_semaphore, #tpu.memory_space<semaphore_mem>>) src(%dma_wait3A_546 : memref<1024x128xf32, #tpu.memory_space<hbm>>) dst(%dma_wait3A_541 : memref<128x128xf32, #tpu.memory_space<vmem>>)
    %mul3A_549 = arith.constant 2304 : i32
    %mul3A_550 = arith.muli %add3A, %mul3A_549 : i32
    %add3A_551 = arith.constant 2048 : i32
    %add3A_552 = arith.addi %mul3A_550, %add3A_551 : i32
    %run_scoped3A_553 = arith.constant 4 : i32
    "tpu.region"() ({
      %run_scoped3A_579 = tpu.sem_alloc : memref<!tpu.dma_semaphore, #tpu.memory_space<semaphore_mem>>
      %dma_start3A_580 = arith.constant 0 : i32
      %dma_start3A_581 = arith.constant 0 : i32
      %dma_start3A_582 = tpu.memref_slice %arg7[%run_scoped3A_553, %dma_start3A_580, %dma_start3A_581] : memref<6x128x128xf32, #tpu.memory_space<vmem>> -> memref<1x128x128xf32, #tpu.memory_space<vmem>>
      %dma_start3A_583 = tpu.memref_squeeze %dma_start3A_582 : memref<1x128x128xf32, #tpu.memory_space<vmem>> -> memref<128x128xf32, #tpu.memory_space<vmem>>
      %dma_start3A_584 = arith.constant 0 : i32
      %dma_start3A_585 = tpu.memref_slice %arg4[%add3A_552, %dma_start3A_584] : memref<73728x128xf32, #tpu.memory_space<hbm>> -> memref<128x128xf32, #tpu.memory_space<hbm>>
      %dma_start3A_586 = arith.constant 0 : i32
      %dma_start3A_587 = tpu.memref_slice %arg4[%add3A_552, %dma_start3A_586] : memref<73728x128xf32, #tpu.memory_space<hbm>> -> memref<128x128xf32, #tpu.memory_space<hbm>>
      %dma_start3A_588 = arith.constant 0 : i32
      %dma_start3A_589 = arith.constant 0 : i32
      %dma_start3A_590 = tpu.memref_slice %arg7[%run_scoped3A_553, %dma_start3A_588, %dma_start3A_589] : memref<6x128x128xf32, #tpu.memory_space<vmem>> -> memref<1x128x128xf32, #tpu.memory_space<vmem>>
      %dma_start3A_591 = tpu.memref_squeeze %dma_start3A_590 : memref<1x128x128xf32, #tpu.memory_space<vmem>> -> memref<128x128xf32, #tpu.memory_space<vmem>>
      tpu.enqueue_dma source(%dma_start3A_591 : memref<128x128xf32, #tpu.memory_space<vmem>>) target(%dma_start3A_587 : memref<128x128xf32, #tpu.memory_space<hbm>>) target_semaphore(%run_scoped3A_579 : memref<!tpu.dma_semaphore, #tpu.memory_space<semaphore_mem>>)
      %dma_wait3A_592 = arith.constant 0 : i32
      %dma_wait3A_593 = arith.constant 0 : i32
      %dma_wait3A_594 = tpu.memref_slice %arg7[%run_scoped3A_553, %dma_wait3A_592, %dma_wait3A_593] : memref<6x128x128xf32, #tpu.memory_space<vmem>> -> memref<1x128x128xf32, #tpu.memory_space<vmem>>
      %dma_wait3A_595 = tpu.memref_squeeze %dma_wait3A_594 : memref<1x128x128xf32, #tpu.memory_space<vmem>> -> memref<128x128xf32, #tpu.memory_space<vmem>>
      %dma_wait3A_596 = arith.constant 0 : i32
      %dma_wait3A_597 = tpu.memref_slice %arg4[%add3A_552, %dma_wait3A_596] : memref<73728x128xf32, #tpu.memory_space<hbm>> -> memref<128x128xf32, #tpu.memory_space<hbm>>
      %dma_wait3A_598 = arith.constant 0 : i32
      %dma_wait3A_599 = tpu.memref_slice %arg4[%add3A_552, %dma_wait3A_598] : memref<73728x128xf32, #tpu.memory_space<hbm>> -> memref<128x128xf32, #tpu.memory_space<hbm>>
      %dma_wait3A_600 = arith.constant 0 : i32
      %dma_wait3A_601 = arith.constant 0 : i32
      %dma_wait3A_602 = tpu.memref_slice %arg7[%run_scoped3A_553, %dma_wait3A_600, %dma_wait3A_601] : memref<6x128x128xf32, #tpu.memory_space<vmem>> -> memref<1x128x128xf32, #tpu.memory_space<vmem>>
      %dma_wait3A_603 = tpu.memref_squeeze %dma_wait3A_602 : memref<1x128x128xf32, #tpu.memory_space<vmem>> -> memref<128x128xf32, #tpu.memory_space<vmem>>
      tpu.wait_dma2 semaphore(%run_scoped3A_579 : memref<!tpu.dma_semaphore, #tpu.memory_space<semaphore_mem>>) src(%dma_wait3A_603 : memref<128x128xf32, #tpu.memory_space<vmem>>) dst(%dma_wait3A_599 : memref<128x128xf32, #tpu.memory_space<hbm>>)
      tpu.yield
    }) : () -> ()
    %dma_wait3A_554 = arith.constant 5 : i32
    %dma_wait3A_555 = arith.constant 5 : i32
    %dma_wait3A_556 = arith.constant 0 : i32
    %dma_wait3A_557 = arith.constant 0 : i32
    %dma_wait3A_558 = tpu.memref_slice %arg7[%dma_wait3A_554, %dma_wait3A_556, %dma_wait3A_557] : memref<6x128x128xf32, #tpu.memory_space<vmem>> -> memref<1x128x128xf32, #tpu.memory_space<vmem>>
    %dma_wait3A_559 = tpu.memref_squeeze %dma_wait3A_558 : memref<1x128x128xf32, #tpu.memory_space<vmem>> -> memref<128x128xf32, #tpu.memory_space<vmem>>
    %dma_wait3A_560 = arith.constant 2176 : i32
    %dma_wait3A_561 = tpu.memref_slice %arg6[%dma_wait3A_560] : memref<2304xi32, #tpu.memory_space<vmem>> -> memref<128xi32, #tpu.memory_space<vmem>>
    %dma_wait3A_562 = arith.constant 0 : i32
    %dma_wait3A_563 = arith.constant 0 : i32
    %dma_wait3A_564 = tpu.memref_slice %arg2[%dma_wait3A_562, %dma_wait3A_563] : memref<1024x128xf32, #tpu.memory_space<hbm>> -> memref<1024x128xf32, #tpu.memory_space<hbm>>
    %dma_wait3A_565 = tpu.memref_slice %arg10[%dma_wait3A_555] : memref<6x!tpu.dma_semaphore, #tpu.memory_space<semaphore_mem>> -> memref<1x!tpu.dma_semaphore, #tpu.memory_space<semaphore_mem>>
    %dma_wait3A_566 = tpu.memref_squeeze %dma_wait3A_565 : memref<1x!tpu.dma_semaphore, #tpu.memory_space<semaphore_mem>> -> memref<!tpu.dma_semaphore, #tpu.memory_space<semaphore_mem>>
    tpu.wait_indirect_dma semaphore(%dma_wait3A_566 : memref<!tpu.dma_semaphore, #tpu.memory_space<semaphore_mem>>) src(%dma_wait3A_564 : memref<1024x128xf32, #tpu.memory_space<hbm>>) dst(%dma_wait3A_559 : memref<128x128xf32, #tpu.memory_space<vmem>>)
    %mul3A_567 = arith.constant 2304 : i32
    %mul3A_568 = arith.muli %add3A, %mul3A_567 : i32
    %add3A_569 = arith.constant 2176 : i32
    %add3A_570 = arith.addi %mul3A_568, %add3A_569 : i32
    %run_scoped3A_571 = arith.constant 5 : i32
    "tpu.region"() ({
      %run_scoped3A_579 = tpu.sem_alloc : memref<!tpu.dma_semaphore, #tpu.memory_space<semaphore_mem>>
      %dma_start3A_580 = arith.constant 0 : i32
      %dma_start3A_581 = arith.constant 0 : i32
      %dma_start3A_582 = tpu.memref_slice %arg7[%run_scoped3A_571, %dma_start3A_580, %dma_start3A_581] : memref<6x128x128xf32, #tpu.memory_space<vmem>> -> memref<1x128x128xf32, #tpu.memory_space<vmem>>
      %dma_start3A_583 = tpu.memref_squeeze %dma_start3A_582 : memref<1x128x128xf32, #tpu.memory_space<vmem>> -> memref<128x128xf32, #tpu.memory_space<vmem>>
      %dma_start3A_584 = arith.constant 0 : i32
      %dma_start3A_585 = tpu.memref_slice %arg4[%add3A_570, %dma_start3A_584] : memref<73728x128xf32, #tpu.memory_space<hbm>> -> memref<128x128xf32, #tpu.memory_space<hbm>>
      %dma_start3A_586 = arith.constant 0 : i32
      %dma_start3A_587 = tpu.memref_slice %arg4[%add3A_570, %dma_start3A_586] : memref<73728x128xf32, #tpu.memory_space<hbm>> -> memref<128x128xf32, #tpu.memory_space<hbm>>
      %dma_start3A_588 = arith.constant 0 : i32
      %dma_start3A_589 = arith.constant 0 : i32
      %dma_start3A_590 = tpu.memref_slice %arg7[%run_scoped3A_571, %dma_start3A_588, %dma_start3A_589] : memref<6x128x128xf32, #tpu.memory_space<vmem>> -> memref<1x128x128xf32, #tpu.memory_space<vmem>>
      %dma_start3A_591 = tpu.memref_squeeze %dma_start3A_590 : memref<1x128x128xf32, #tpu.memory_space<vmem>> -> memref<128x128xf32, #tpu.memory_space<vmem>>
      tpu.enqueue_dma source(%dma_start3A_591 : memref<128x128xf32, #tpu.memory_space<vmem>>) target(%dma_start3A_587 : memref<128x128xf32, #tpu.memory_space<hbm>>) target_semaphore(%run_scoped3A_579 : memref<!tpu.dma_semaphore, #tpu.memory_space<semaphore_mem>>)
      %dma_wait3A_592 = arith.constant 0 : i32
      %dma_wait3A_593 = arith.constant 0 : i32
      %dma_wait3A_594 = tpu.memref_slice %arg7[%run_scoped3A_571, %dma_wait3A_592, %dma_wait3A_593] : memref<6x128x128xf32, #tpu.memory_space<vmem>> -> memref<1x128x128xf32, #tpu.memory_space<vmem>>
      %dma_wait3A_595 = tpu.memref_squeeze %dma_wait3A_594 : memref<1x128x128xf32, #tpu.memory_space<vmem>> -> memref<128x128xf32, #tpu.memory_space<vmem>>
      %dma_wait3A_596 = arith.constant 0 : i32
      %dma_wait3A_597 = tpu.memref_slice %arg4[%add3A_570, %dma_wait3A_596] : memref<73728x128xf32, #tpu.memory_space<hbm>> -> memref<128x128xf32, #tpu.memory_space<hbm>>
      %dma_wait3A_598 = arith.constant 0 : i32
      %dma_wait3A_599 = tpu.memref_slice %arg4[%add3A_570, %dma_wait3A_598] : memref<73728x128xf32, #tpu.memory_space<hbm>> -> memref<128x128xf32, #tpu.memory_space<hbm>>
      %dma_wait3A_600 = arith.constant 0 : i32
      %dma_wait3A_601 = arith.constant 0 : i32
      %dma_wait3A_602 = tpu.memref_slice %arg7[%run_scoped3A_571, %dma_wait3A_600, %dma_wait3A_601] : memref<6x128x128xf32, #tpu.memory_space<vmem>> -> memref<1x128x128xf32, #tpu.memory_space<vmem>>
      %dma_wait3A_603 = tpu.memref_squeeze %dma_wait3A_602 : memref<1x128x128xf32, #tpu.memory_space<vmem>> -> memref<128x128xf32, #tpu.memory_space<vmem>>
      tpu.wait_dma2 semaphore(%run_scoped3A_579 : memref<!tpu.dma_semaphore, #tpu.memory_space<semaphore_mem>>) src(%dma_wait3A_603 : memref<128x128xf32, #tpu.memory_space<vmem>>) dst(%dma_wait3A_599 : memref<128x128xf32, #tpu.memory_space<hbm>>)
      tpu.yield
    }) : () -> ()
    %scan3A_572 = arith.constant 0 : i32
    %scan3A_573 = arith.constant 0 : i32
    %scan3A_574 = arith.constant 64 : i32
    %scan3A_575 = arith.addi %scan3A_573, %scan3A_574 : i32
    %scan3A_576 = arith.constant 1 : i32
    %scan3A_577 = scf.for %scan3A_579 = %scan3A_573 to %scan3A_575 step %scan3A_576 iter_args(%scan3A_580 = %scan3A_572) -> (i32)  : i32 {
      %broadcast_in_dim3A_581 = arith.constant 0.000000e+00 : f32
      %broadcast_in_dim3A_582 = vector.broadcast %broadcast_in_dim3A_581 : f32 to vector<16xf32>
      %mul3A_583 = arith.constant 16 : i32
      %mul3A_584 = arith.muli %scan3A_579, %mul3A_583 : i32
      %get3A = arith.constant 0 : i32
      %get3A_585 = arith.index_cast %get3A : i32 to index
      %get3A_586 = arith.index_cast %mul3A_584 : i32 to index
      %get3A_587 = tpu.vector_load %arg8[%get3A_585, %get3A_586] {strides = array<i32>} : memref<16x1024xf32, #tpu.memory_space<vmem>>, vector<16xf32>,
      %add3A_588 = arith.addf %broadcast_in_dim3A_582, %get3A_587 : vector<16xf32>
      %mul3A_589 = arith.constant 16 : i32
      %mul3A_590 = arith.muli %scan3A_579, %mul3A_589 : i32
      %get3A_591 = arith.constant 1 : i32
      %get3A_592 = arith.index_cast %get3A_591 : i32 to index
      %get3A_593 = arith.index_cast %mul3A_590 : i32 to index
      %get3A_594 = tpu.vector_load %arg8[%get3A_592, %get3A_593] {strides = array<i32>} : memref<16x1024xf32, #tpu.memory_space<vmem>>, vector<16xf32>,
      %add3A_595 = arith.addf %add3A_588, %get3A_594 : vector<16xf32>
      %mul3A_596 = arith.constant 16 : i32
      %mul3A_597 = arith.muli %scan3A_579, %mul3A_596 : i32
      %get3A_598 = arith.constant 2 : i32
      %get3A_599 = arith.index_cast %get3A_598 : i32 to index
      %get3A_600 = arith.index_cast %mul3A_597 : i32 to index
      %get3A_601 = tpu.vector_load %arg8[%get3A_599, %get3A_600] {strides = array<i32>} : memref<16x1024xf32, #tpu.memory_space<vmem>>, vector<16xf32>,
      %add3A_602 = arith.addf %add3A_595, %get3A_601 : vector<16xf32>
      %mul3A_603 = arith.constant 16 : i32
      %mul3A_604 = arith.muli %scan3A_579, %mul3A_603 : i32
      %get3A_605 = arith.constant 3 : i32
      %get3A_606 = arith.index_cast %get3A_605 : i32 to index
      %get3A_607 = arith.index_cast %mul3A_604 : i32 to index
      %get3A_608 = tpu.vector_load %arg8[%get3A_606, %get3A_607] {strides = array<i32>} : memref<16x1024xf32, #tpu.memory_space<vmem>>, vector<16xf32>,
      %add3A_609 = arith.addf %add3A_602, %get3A_608 : vector<16xf32>
      %mul3A_610 = arith.constant 16 : i32
      %mul3A_611 = arith.muli %scan3A_579, %mul3A_610 : i32
      %get3A_612 = arith.constant 4 : i32
      %get3A_613 = arith.index_cast %get3A_612 : i32 to index
      %get3A_614 = arith.index_cast %mul3A_611 : i32 to index
      %get3A_615 = tpu.vector_load %arg8[%get3A_613, %get3A_614] {strides = array<i32>} : memref<16x1024xf32, #tpu.memory_space<vmem>>, vector<16xf32>,
      %add3A_616 = arith.addf %add3A_609, %get3A_615 : vector<16xf32>
      %mul3A_617 = arith.constant 16 : i32
      %mul3A_618 = arith.muli %scan3A_579, %mul3A_617 : i32
      %get3A_619 = arith.constant 5 : i32
      %get3A_620 = arith.index_cast %get3A_619 : i32 to index
      %get3A_621 = arith.index_cast %mul3A_618 : i32 to index
      %get3A_622 = tpu.vector_load %arg8[%get3A_620, %get3A_621] {strides = array<i32>} : memref<16x1024xf32, #tpu.memory_space<vmem>>, vector<16xf32>,
      %add3A_623 = arith.addf %add3A_616, %get3A_622 : vector<16xf32>
      %mul3A_624 = arith.constant 16 : i32
      %mul3A_625 = arith.muli %scan3A_579, %mul3A_624 : i32
      %get3A_626 = arith.constant 6 : i32
      %get3A_627 = arith.index_cast %get3A_626 : i32 to index
      %get3A_628 = arith.index_cast %mul3A_625 : i32 to index
      %get3A_629 = tpu.vector_load %arg8[%get3A_627, %get3A_628] {strides = array<i32>} : memref<16x1024xf32, #tpu.memory_space<vmem>>, vector<16xf32>,
      %add3A_630 = arith.addf %add3A_623, %get3A_629 : vector<16xf32>
      %mul3A_631 = arith.constant 16 : i32
      %mul3A_632 = arith.muli %scan3A_579, %mul3A_631 : i32
      %get3A_633 = arith.constant 7 : i32
      %get3A_634 = arith.index_cast %get3A_633 : i32 to index
      %get3A_635 = arith.index_cast %mul3A_632 : i32 to index
      %get3A_636 = tpu.vector_load %arg8[%get3A_634, %get3A_635] {strides = array<i32>} : memref<16x1024xf32, #tpu.memory_space<vmem>>, vector<16xf32>,
      %add3A_637 = arith.addf %add3A_630, %get3A_636 : vector<16xf32>
      %mul3A_638 = arith.constant 16 : i32
      %mul3A_639 = arith.muli %scan3A_579, %mul3A_638 : i32
      %get3A_640 = arith.constant 8 : i32
      %get3A_641 = arith.index_cast %get3A_640 : i32 to index
      %get3A_642 = arith.index_cast %mul3A_639 : i32 to index
      %get3A_643 = tpu.vector_load %arg8[%get3A_641, %get3A_642] {strides = array<i32>} : memref<16x1024xf32, #tpu.memory_space<vmem>>, vector<16xf32>,
      %add3A_644 = arith.addf %add3A_637, %get3A_643 : vector<16xf32>
      %mul3A_645 = arith.constant 16 : i32
      %mul3A_646 = arith.muli %scan3A_579, %mul3A_645 : i32
      %get3A_647 = arith.constant 9 : i32
      %get3A_648 = arith.index_cast %get3A_647 : i32 to index
      %get3A_649 = arith.index_cast %mul3A_646 : i32 to index
      %get3A_650 = tpu.vector_load %arg8[%get3A_648, %get3A_649] {strides = array<i32>} : memref<16x1024xf32, #tpu.memory_space<vmem>>, vector<16xf32>,
      %add3A_651 = arith.addf %add3A_644, %get3A_650 : vector<16xf32>
      %mul3A_652 = arith.constant 16 : i32
      %mul3A_653 = arith.muli %scan3A_579, %mul3A_652 : i32
      %get3A_654 = arith.constant 10 : i32
      %get3A_655 = arith.index_cast %get3A_654 : i32 to index
      %get3A_656 = arith.index_cast %mul3A_653 : i32 to index
      %get3A_657 = tpu.vector_load %arg8[%get3A_655, %get3A_656] {strides = array<i32>} : memref<16x1024xf32, #tpu.memory_space<vmem>>, vector<16xf32>,
      %add3A_658 = arith.addf %add3A_651, %get3A_657 : vector<16xf32>
      %mul3A_659 = arith.constant 16 : i32
      %mul3A_660 = arith.muli %scan3A_579, %mul3A_659 : i32
      %get3A_661 = arith.constant 11 : i32
      %get3A_662 = arith.index_cast %get3A_661 : i32 to index
      %get3A_663 = arith.index_cast %mul3A_660 : i32 to index
      %get3A_664 = tpu.vector_load %arg8[%get3A_662, %get3A_663] {strides = array<i32>} : memref<16x1024xf32, #tpu.memory_space<vmem>>, vector<16xf32>,
      %add3A_665 = arith.addf %add3A_658, %get3A_664 : vector<16xf32>
      %mul3A_666 = arith.constant 16 : i32
      %mul3A_667 = arith.muli %scan3A_579, %mul3A_666 : i32
      %get3A_668 = arith.constant 12 : i32
      %get3A_669 = arith.index_cast %get3A_668 : i32 to index
      %get3A_670 = arith.index_cast %mul3A_667 : i32 to index
      %get3A_671 = tpu.vector_load %arg8[%get3A_669, %get3A_670] {strides = array<i32>} : memref<16x1024xf32, #tpu.memory_space<vmem>>, vector<16xf32>,
      %add3A_672 = arith.addf %add3A_665, %get3A_671 : vector<16xf32>
      %mul3A_673 = arith.constant 16 : i32
      %mul3A_674 = arith.muli %scan3A_579, %mul3A_673 : i32
      %get3A_675 = arith.constant 13 : i32
      %get3A_676 = arith.index_cast %get3A_675 : i32 to index
      %get3A_677 = arith.index_cast %mul3A_674 : i32 to index
      %get3A_678 = tpu.vector_load %arg8[%get3A_676, %get3A_677] {strides = array<i32>} : memref<16x1024xf32, #tpu.memory_space<vmem>>, vector<16xf32>,
      %add3A_679 = arith.addf %add3A_672, %get3A_678 : vector<16xf32>
      %mul3A_680 = arith.constant 16 : i32
      %mul3A_681 = arith.muli %scan3A_579, %mul3A_680 : i32
      %get3A_682 = arith.constant 14 : i32
      %get3A_683 = arith.index_cast %get3A_682 : i32 to index
      %get3A_684 = arith.index_cast %mul3A_681 : i32 to index
      %get3A_685 = tpu.vector_load %arg8[%get3A_683, %get3A_684] {strides = array<i32>} : memref<16x1024xf32, #tpu.memory_space<vmem>>, vector<16xf32>,
      %add3A_686 = arith.addf %add3A_679, %get3A_685 : vector<16xf32>
      %mul3A_687 = arith.constant 16 : i32
      %mul3A_688 = arith.muli %scan3A_579, %mul3A_687 : i32
      %get3A_689 = arith.constant 15 : i32
      %get3A_690 = arith.index_cast %get3A_689 : i32 to index
      %get3A_691 = arith.index_cast %mul3A_688 : i32 to index
      %get3A_692 = tpu.vector_load %arg8[%get3A_690, %get3A_691] {strides = array<i32>} : memref<16x1024xf32, #tpu.memory_space<vmem>>, vector<16xf32>,
      %add3A_693 = arith.addf %add3A_686, %get3A_692 : vector<16xf32>
      %mul3A_694 = arith.constant 16 : i32
      %mul3A_695 = arith.muli %scan3A_579, %mul3A_694 : i32
      %swap3A = arith.constant 0 : i32
      %swap3A_696 = arith.index_cast %swap3A : i32 to index
      %swap3A_697 = arith.index_cast %mul3A_695 : i32 to index
      %swap3A_698 = tpu.vector_load %arg9[%swap3A_696, %swap3A_697] {strides = array<i32>} : memref<1x1024xf32, #tpu.memory_space<vmem>>, vector<16xf32>,
      tpu.vector_store %arg9[%swap3A_696, %swap3A_697], %add3A_693 {strides = array<i32>} : memref<1x1024xf32, #tpu.memory_space<vmem>>, vector<16xf32>,
      %scan3A_699 = arith.constant 0 : i32
      scf.yield %scan3A_699 : i32
    }
    %scan3A_578 = arith.constant 64 : i32
    "tpu.region"() ({
      %run_scoped3A_579 = tpu.sem_alloc : memref<!tpu.dma_semaphore, #tpu.memory_space<semaphore_mem>>
      %dma_start3A_580 = arith.constant 0 : i32
      %dma_start3A_581 = arith.constant 0 : i32
      %dma_start3A_582 = tpu.memref_slice %arg5[%add3A, %dma_start3A_580, %dma_start3A_581] : memref<32x8x1024xf32, #tpu.memory_space<hbm>> -> memref<1x8x1024xf32, #tpu.memory_space<hbm>>
      %dma_start3A_583 = tpu.memref_squeeze %dma_start3A_582 : memref<1x8x1024xf32, #tpu.memory_space<hbm>> -> memref<8x1024xf32, #tpu.memory_space<hbm>>
      %dma_start3A_584 = arith.constant 0 : i32
      %dma_start3A_585 = arith.constant 0 : i32
      %dma_start3A_586 = tpu.memref_slice %dma_start3A_583[%dma_start3A_584, %dma_start3A_585] : memref<8x1024xf32, #tpu.memory_space<hbm>> -> memref<1x1024xf32, #tpu.memory_space<hbm>>
      %dma_start3A_587 = arith.constant 0 : i32
      %dma_start3A_588 = arith.constant 0 : i32
      %dma_start3A_589 = tpu.memref_slice %arg5[%add3A, %dma_start3A_587, %dma_start3A_588] : memref<32x8x1024xf32, #tpu.memory_space<hbm>> -> memref<1x8x1024xf32, #tpu.memory_space<hbm>>
      %dma_start3A_590 = tpu.memref_squeeze %dma_start3A_589 : memref<1x8x1024xf32, #tpu.memory_space<hbm>> -> memref<8x1024xf32, #tpu.memory_space<hbm>>
      %dma_start3A_591 = arith.constant 0 : i32
      %dma_start3A_592 = arith.constant 0 : i32
      %dma_start3A_593 = tpu.memref_slice %dma_start3A_590[%dma_start3A_591, %dma_start3A_592] : memref<8x1024xf32, #tpu.memory_space<hbm>> -> memref<1x1024xf32, #tpu.memory_space<hbm>>
      tpu.enqueue_dma source(%arg9 : memref<1x1024xf32, #tpu.memory_space<vmem>>) target(%dma_start3A_593 : memref<1x1024xf32, #tpu.memory_space<hbm>>) target_semaphore(%run_scoped3A_579 : memref<!tpu.dma_semaphore, #tpu.memory_space<semaphore_mem>>)
      %dma_wait3A_594 = arith.constant 0 : i32
      %dma_wait3A_595 = arith.constant 0 : i32
      %dma_wait3A_596 = tpu.memref_slice %arg5[%add3A, %dma_wait3A_594, %dma_wait3A_595] : memref<32x8x1024xf32, #tpu.memory_space<hbm>> -> memref<1x8x1024xf32, #tpu.memory_space<hbm>>
      %dma_wait3A_597 = tpu.memref_squeeze %dma_wait3A_596 : memref<1x8x1024xf32, #tpu.memory_space<hbm>> -> memref<8x1024xf32, #tpu.memory_space<hbm>>
      %dma_wait3A_598 = arith.constant 0 : i32
      %dma_wait3A_599 = arith.constant 0 : i32
      %dma_wait3A_600 = tpu.memref_slice %dma_wait3A_597[%dma_wait3A_598, %dma_wait3A_599] : memref<8x1024xf32, #tpu.memory_space<hbm>> -> memref<1x1024xf32, #tpu.memory_space<hbm>>
      %dma_wait3A_601 = arith.constant 0 : i32
      %dma_wait3A_602 = arith.constant 0 : i32
      %dma_wait3A_603 = tpu.memref_slice %arg5[%add3A, %dma_wait3A_601, %dma_wait3A_602] : memref<32x8x1024xf32, #tpu.memory_space<hbm>> -> memref<1x8x1024xf32, #tpu.memory_space<hbm>>
      %dma_wait3A_604 = tpu.memref_squeeze %dma_wait3A_603 : memref<1x8x1024xf32, #tpu.memory_space<hbm>> -> memref<8x1024xf32, #tpu.memory_space<hbm>>
      %dma_wait3A_605 = arith.constant 0 : i32
      %dma_wait3A_606 = arith.constant 0 : i32
      %dma_wait3A_607 = tpu.memref_slice %dma_wait3A_604[%dma_wait3A_605, %dma_wait3A_606] : memref<8x1024xf32, #tpu.memory_space<hbm>> -> memref<1x1024xf32, #tpu.memory_space<hbm>>
      tpu.wait_dma2 semaphore(%run_scoped3A_579 : memref<!tpu.dma_semaphore, #tpu.memory_space<semaphore_mem>>) src(%arg9 : memref<1x1024xf32, #tpu.memory_space<vmem>>) dst(%dma_wait3A_607 : memref<1x1024xf32, #tpu.memory_space<hbm>>)
      tpu.yield
    }) : () -> ()
    return
  }
}

module attributes {stable_mosaic.version = 14 : i64} {
  func.func @_vq_tc_body(%arg0: i32, %arg1: memref<1x8x576x64xf32, #tpu.memory_space<vmem>>, %arg2: memref<1024x64xbf16, #tpu.memory_space<vmem>>, %arg3: memref<1x1x4608xi32, #tpu.memory_space<vmem>>, %arg4: memref<1x1xf32, #tpu.memory_space<vmem>>) attributes {dimension_semantics = [#tpu.dimension_semantics<arbitrary>], iteration_bounds = array<i64: 16>, scalar_prefetch = 0 : i64, scratch_operands = 0 : i64, tpu.core_type = #tpu.core_type<tc>, window_params = [{transform_indices = @transform_0, window_bounds = array<i64: 1, 8, 576, 64>}, {pipeline_mode = #tpu.pipeline_mode<synchronous>, transform_indices = @transform_1, window_bounds = array<i64: 1024, 64>}, {transform_indices = @transform_2, window_bounds = array<i64: 1, 1, 4608>}, {pipeline_mode = #tpu.pipeline_mode<synchronous>, transform_indices = @transform_3, window_bounds = array<i64: 1, 1>}]} {
    %get3A = arith.constant 0 : index
    %get3A_0 = arith.constant 0 : index
    %get3A_1 = arith.constant 0 : index
    %get3A_2 = arith.constant 0 : index
    %get3A_3 = vector.load %arg1[%get3A, %get3A_0, %get3A_1, %get3A_2] : memref<1x8x576x64xf32, #tpu.memory_space<vmem>>, vector<1x8x576x64xf32>
    %reshape3A = vector.shape_cast %get3A_3 : vector<1x8x576x64xf32> to vector<4608x64xf32>
    %mul3A = arith.mulf %reshape3A, %reshape3A : vector<4608x64xf32>
    %reduce_sum3A = arith.constant dense<0.000000e+00> : vector<4608xf32>
    %reduce_sum3A_4 = vector.multi_reduction <add>, %mul3A, %reduce_sum3A [1] : vector<4608x64xf32> to vector<4608xf32>
    %broadcast_in_dim3A = vector.shape_cast %reduce_sum3A_4 : vector<4608xf32> to vector<4608x1xf32>
    %sqrt3A = math.sqrt %broadcast_in_dim3A : vector<4608x1xf32>
    %max3A = arith.constant 9.99999996E-13 : f32
    %max3A_5 = vector.broadcast %max3A : f32 to vector<4608x1xf32>
    %max3A_6 = arith.maximumf %sqrt3A, %max3A_5 : vector<4608x1xf32>
    %div3A = vector.broadcast %max3A_6 : vector<4608x1xf32> to vector<4608x64xf32>
    %div3A_7 = arith.divf %reshape3A, %div3A : vector<4608x64xf32>
    %get3A_8 = arith.constant 0 : index
    %get3A_9 = arith.constant 0 : index
    %get3A_10 = vector.load %arg2[%get3A_8, %get3A_9] : memref<1024x64xbf16, #tpu.memory_space<vmem>>, vector<1024x64xbf16>
    %convert_element_type3A = arith.truncf %div3A_7 : vector<4608x64xf32> to vector<4608x64xbf16>
    %dot_general3A = arith.constant dense<0.000000e+00> : vector<1024x4608xf32>
    %dot_general3A_11 = tpu.matmul %get3A_10, %convert_element_type3A, %dot_general3A {dimension_numbers = #tpu.dot_dimension_numbers<[1], [1], [0], [0], [0, 0, 1, 0], [], []>, transpose_lhs_hint = false} : vector<1024x64xbf16>, vector<4608x64xbf16>, vector<1024x4608xf32> -> vector<1024x4608xf32>
    %reduce_max3A = arith.constant dense<0xFF800000> : vector<4608xf32>
    %reduce_max3A_12 = vector.multi_reduction <maximumf>, %dot_general3A_11, %reduce_max3A [0] : vector<1024x4608xf32> to vector<4608xf32>
    %broadcast_in_dim3A_13 = vector.shape_cast %reduce_max3A_12 : vector<4608xf32> to vector<1x4608xf32>
    %eq3A = vector.broadcast %broadcast_in_dim3A_13 : vector<1x4608xf32> to vector<1024x4608xf32>
    %eq3A_14 = arith.cmpf oeq, %dot_general3A_11, %eq3A : vector<1024x4608xf32>
    %jit3A = arith.constant 1.000000e+00 : f32
    %jit3A_15 = arith.constant 0.000000e+00 : f32
    %broadcast_in_dim3A_16 = vector.broadcast %jit3A : f32 to vector<1024x4608xf32>
    %broadcast_in_dim3A_17 = vector.broadcast %jit3A_15 : f32 to vector<1024x4608xf32>
    %select_n3A = arith.select %eq3A_14, %broadcast_in_dim3A_16, %broadcast_in_dim3A_17 : vector<1024x4608xi1>, vector<1024x4608xf32>
    %iota3A = tpu.iota {dimensions = array<i32: 1>} : vector<4x1024xi32>
    %iota3A_18 = tpu.iota {dimensions = array<i32: 0>} : vector<4x1024xi32>
    %eq3A_19 = arith.constant 0 : i32
    %eq3A_20 = vector.broadcast %eq3A_19 : i32 to vector<4x1024xi32>
    %eq3A_21 = arith.cmpi eq, %iota3A_18, %eq3A_20 : vector<4x1024xi32>
    %and3A = arith.constant 255 : i32
    %and3A_22 = vector.broadcast %and3A : i32 to vector<4x1024xi32>
    %and3A_23 = arith.andi %iota3A, %and3A_22 : vector<4x1024xi32>
    %eq3A_24 = arith.constant 1 : i32
    %eq3A_25 = vector.broadcast %eq3A_24 : i32 to vector<4x1024xi32>
    %eq3A_26 = arith.cmpi eq, %iota3A_18, %eq3A_25 : vector<4x1024xi32>
    %shift_right_arithmetic3A = arith.constant 8 : i32
    %shift_right_arithmetic3A_27 = vector.broadcast %shift_right_arithmetic3A : i32 to vector<4x1024xi32>
    %shift_right_arithmetic3A_28 = arith.shrsi %iota3A, %shift_right_arithmetic3A_27 : vector<4x1024xi32>
    %eq3A_29 = arith.constant 2 : i32
    %eq3A_30 = vector.broadcast %eq3A_29 : i32 to vector<4x1024xi32>
    %eq3A_31 = arith.cmpi eq, %iota3A_18, %eq3A_30 : vector<4x1024xi32>
    %mul3A_32 = arith.muli %iota3A, %iota3A : vector<4x1024xi32>
    %jit3A_33 = arith.constant 1 : i32
    %broadcast_in_dim3A_34 = vector.broadcast %jit3A_33 : i32 to vector<4x1024xi32>
    %select_n3A_35 = arith.select %eq3A_31, %broadcast_in_dim3A_34, %mul3A_32 : vector<4x1024xi1>, vector<4x1024xi32>
    %select_n3A_36 = arith.select %eq3A_26, %shift_right_arithmetic3A_28, %select_n3A_35 : vector<4x1024xi1>, vector<4x1024xi32>
    %select_n3A_37 = arith.select %eq3A_21, %and3A_23, %select_n3A_36 : vector<4x1024xi1>, vector<4x1024xi32>
    %convert_element_type3A_38 = arith.sitofp %select_n3A_37 : vector<4x1024xi32> to vector<4x1024xf32>
    %dot_general3A_39 = arith.constant dense<0.000000e+00> : vector<4x4608xf32>
    %dot_general3A_40 = tpu.matmul %convert_element_type3A_38, %select_n3A, %dot_general3A_39 {dimension_numbers = #tpu.dot_dimension_numbers<[1], [0], [0], [1], [0, 0, 1, 1], [], []>, transpose_lhs_hint = false} : vector<4x1024xf32>, vector<1024x4608xf32>, vector<4x4608xf32> -> vector<4x4608xf32>
    %slice3A = vector.extract_strided_slice %dot_general3A_40 {offsets = [0, 0], sizes = [1, 4608], strides = [1, 1]} : vector<4x4608xf32> to vector<1x4608xf32>
    %squeeze3A = vector.shape_cast %slice3A : vector<1x4608xf32> to vector<4608xf32>
    %slice3A_41 = vector.extract_strided_slice %dot_general3A_40 {offsets = [1, 0], sizes = [1, 4608], strides = [1, 1]} : vector<4x4608xf32> to vector<1x4608xf32>
    %squeeze3A_42 = vector.shape_cast %slice3A_41 : vector<1x4608xf32> to vector<4608xf32>
    %mul3A_43 = arith.constant 2.560000e+02 : f32
    %mul3A_44 = vector.broadcast %mul3A_43 : f32 to vector<4608xf32>
    %mul3A_45 = arith.mulf %mul3A_44, %squeeze3A_42 : vector<4608xf32>
    %add3A = arith.addf %squeeze3A, %mul3A_45 : vector<4608xf32>
    %slice3A_46 = vector.extract_strided_slice %dot_general3A_40 {offsets = [2, 0], sizes = [1, 4608], strides = [1, 1]} : vector<4x4608xf32> to vector<1x4608xf32>
    %squeeze3A_47 = vector.shape_cast %slice3A_46 : vector<1x4608xf32> to vector<4608xf32>
    %slice3A_48 = vector.extract_strided_slice %dot_general3A_40 {offsets = [3, 0], sizes = [1, 4608], strides = [1, 1]} : vector<4x4608xf32> to vector<1x4608xf32>
    %squeeze3A_49 = vector.shape_cast %slice3A_48 : vector<1x4608xf32> to vector<4608xf32>
    %mul3A_50 = arith.constant 2.000000e+00 : f32
    %mul3A_51 = vector.broadcast %mul3A_50 : f32 to vector<4608xf32>
    %mul3A_52 = arith.mulf %mul3A_51, %squeeze3A_49 : vector<4608xf32>
    %mul3A_53 = arith.mulf %add3A, %add3A : vector<4608xf32>
    %sub3A = arith.subf %mul3A_52, %mul3A_53 : vector<4608xf32>
    %max3A_54 = arith.constant 0.000000e+00 : f32
    %max3A_55 = vector.broadcast %max3A_54 : f32 to vector<4608xf32>
    %max3A_56 = arith.maximumf %sub3A, %max3A_55 : vector<4608xf32>
    %sqrt3A_57 = math.sqrt %max3A_56 : vector<4608xf32>
    %sub3A_58 = arith.subf %add3A, %sqrt3A_57 : vector<4608xf32>
    %mul3A_59 = arith.constant 5.000000e-01 : f32
    %mul3A_60 = vector.broadcast %mul3A_59 : f32 to vector<4608xf32>
    %mul3A_61 = arith.mulf %mul3A_60, %sub3A_58 : vector<4608xf32>
    %lt3A = arith.constant 1.500000e+00 : f32
    %lt3A_62 = vector.broadcast %lt3A : f32 to vector<4608xf32>
    %lt3A_63 = arith.cmpf olt, %squeeze3A_47, %lt3A_62 : vector<4608xf32>
    %select_n3A_64 = arith.select %lt3A_63, %add3A, %mul3A_61 : vector<4608xi1>, vector<4608xf32>
    %convert_element_type3A_65 = arith.fptosi %select_n3A_64 : vector<4608xf32> to vector<4608xi32>
    %swap3A = arith.constant 0 : index
    %swap3A_66 = arith.constant 0 : index
    %swap3A_67 = arith.constant 0 : index
    %swap3A_68 = vector.load %arg3[%swap3A, %swap3A_66, %swap3A_67] : memref<1x1x4608xi32, #tpu.memory_space<vmem>>, vector<1x1x4608xi32>
    %swap3A_69 = vector.shape_cast %swap3A_68 : vector<1x1x4608xi32> to vector<4608xi32>
    %swap3A_70 = vector.shape_cast %convert_element_type3A_65 : vector<4608xi32> to vector<1x1x4608xi32>
    tpu.vector_store %arg3[%swap3A, %swap3A_66, %swap3A_67], %swap3A_70 {strides = array<i32>} : memref<1x1x4608xi32, #tpu.memory_space<vmem>>, vector<1x1x4608xi32>,
    %reduce_sum3A_71 = vector.shape_cast %reduce_max3A_12 : vector<4608xf32> to vector<1x4608xf32>
    %reduce_sum3A_72 = arith.constant dense<0.000000e+00> : vector<1xf32>
    %reduce_sum3A_73 = vector.multi_reduction <add>, %reduce_sum3A_71, %reduce_sum3A_72 [1] : vector<1x4608xf32> to vector<1xf32>
    %reduce_sum3A_74 = vector.shape_cast %reduce_sum3A_73 : vector<1xf32> to vector<1x1xf32>
    %reduce_sum3A_75 = vector.extract %reduce_sum3A_74[0, 0] : f32 from vector<1x1xf32>
    %reshape3A_76 = vector.broadcast %reduce_sum3A_75 : f32 to vector<1x1xf32>
    %eq3A_77 = arith.constant 0 : i32
    %eq3A_78 = arith.cmpi eq, %arg0, %eq3A_77 : i32
    %convert_element_type3A_79 = arith.extui %eq3A_78 : i1 to i32
    %cond3A = arith.constant 0 : i32
    %cond3A_80 = arith.cmpi ne, %convert_element_type3A_79, %cond3A : i32
    scf.if %cond3A_80 {
      %swap3A_85 = arith.constant 0 : index
      %swap3A_86 = arith.constant 0 : index
      %swap3A_87 = vector.load %arg4[%swap3A_85, %swap3A_86] : memref<1x1xf32, #tpu.memory_space<vmem>>, vector<1x1xf32>
      tpu.vector_store %arg4[%swap3A_85, %swap3A_86], %reshape3A_76 {strides = array<i32>} : memref<1x1xf32, #tpu.memory_space<vmem>>, vector<1x1xf32>,
    } else {
    }
    %ne3A = arith.constant 0 : i32
    %ne3A_81 = arith.cmpi ne, %arg0, %ne3A : i32
    %convert_element_type3A_82 = arith.extui %ne3A_81 : i1 to i32
    %cond3A_83 = arith.constant 0 : i32
    %cond3A_84 = arith.cmpi ne, %convert_element_type3A_82, %cond3A_83 : i32
    scf.if %cond3A_84 {
      %get3A_85 = arith.constant 0 : index
      %get3A_86 = arith.constant 0 : index
      %get3A_87 = vector.load %arg4[%get3A_85, %get3A_86] : memref<1x1xf32, #tpu.memory_space<vmem>>, vector<1x1xf32>
      %add3A_88 = arith.addf %get3A_87, %reshape3A_76 : vector<1x1xf32>
      %swap3A_89 = arith.constant 0 : index
      %swap3A_90 = arith.constant 0 : index
      %swap3A_91 = vector.load %arg4[%swap3A_89, %swap3A_90] : memref<1x1xf32, #tpu.memory_space<vmem>>, vector<1x1xf32>
      tpu.vector_store %arg4[%swap3A_89, %swap3A_90], %add3A_88 {strides = array<i32>} : memref<1x1xf32, #tpu.memory_space<vmem>>, vector<1x1xf32>,
    } else {
    }
    return
  }
  func.func @transform_0(%arg0: i32) -> (i32, i32, i32, i32) {
    %jit3A = arith.constant 1 : i32
    %div3A = arith.divsi %arg0, %jit3A : i32
    %sign3A = arith.constant 0 : i32
    %sign3A_0 = arith.cmpi sgt, %arg0, %sign3A : i32
    %sign3A_1 = arith.extui %sign3A_0 : i1 to i32
    %sign3A_2 = arith.constant 0 : i32
    %sign3A_3 = arith.cmpi slt, %arg0, %sign3A_2 : i32
    %sign3A_4 = arith.extui %sign3A_3 : i1 to i32
    %sign3A_5 = arith.subi %sign3A_1, %sign3A_4 : i32
    %sign3A_6 = arith.constant 0 : i32
    %sign3A_7 = arith.cmpi sgt, %jit3A, %sign3A_6 : i32
    %sign3A_8 = arith.extui %sign3A_7 : i1 to i32
    %sign3A_9 = arith.constant 0 : i32
    %sign3A_10 = arith.cmpi slt, %jit3A, %sign3A_9 : i32
    %sign3A_11 = arith.extui %sign3A_10 : i1 to i32
    %sign3A_12 = arith.subi %sign3A_8, %sign3A_11 : i32
    %ne3A = arith.cmpi ne, %sign3A_5, %sign3A_12 : i32
    %rem3A = arith.remsi %arg0, %jit3A : i32
    %ne3A_13 = arith.constant 0 : i32
    %ne3A_14 = arith.cmpi ne, %rem3A, %ne3A_13 : i32
    %and3A = arith.andi %ne3A, %ne3A_14 : i1
    %sub3A = arith.constant 1 : i32
    %sub3A_15 = arith.subi %div3A, %sub3A : i32
    %select_n3A = arith.select %and3A, %sub3A_15, %div3A : i32
    %jit3A_16 = arith.constant 1 : i32
    %eq3A = arith.constant 0 : i32
    %eq3A_17 = arith.cmpi eq, %jit3A_16, %eq3A : i32
    %jit3A_18 = arith.constant 1 : i32
    %select_n3A_19 = arith.select %eq3A_17, %jit3A_18, %jit3A_16 : i32
    %rem3A_20 = arith.remsi %arg0, %select_n3A_19 : i32
    %ne3A_21 = arith.constant 0 : i32
    %ne3A_22 = arith.cmpi ne, %rem3A_20, %ne3A_21 : i32
    %lt3A = arith.constant 0 : i32
    %lt3A_23 = arith.cmpi slt, %rem3A_20, %lt3A : i32
    %lt3A_24 = arith.constant 0 : i32
    %lt3A_25 = arith.cmpi slt, %select_n3A_19, %lt3A_24 : i32
    %ne3A_26 = arith.xori %lt3A_23, %lt3A_25 : i1
    %and3A_27 = arith.andi %ne3A_26, %ne3A_22 : i1
    %add3A = arith.addi %rem3A_20, %select_n3A_19 : i32
    %select_n3A_28 = arith.select %and3A_27, %add3A, %rem3A_20 : i32
    %c0_i32 = arith.constant 0 : i32
    %c0_i32_29 = arith.constant 0 : i32
    %c0_i32_30 = arith.constant 0 : i32
    return %select_n3A, %select_n3A_28, %c0_i32, %c0_i32_29 : i32, i32, i32, i32
  }
  func.func @transform_1(%arg0: i32) -> (i32, i32) {
    %c0_i32 = arith.constant 0 : i32
    %c0_i32_0 = arith.constant 0 : i32
    %c0_i32_1 = arith.constant 0 : i32
    return %c0_i32, %c0_i32_0 : i32, i32
  }
  func.func @transform_2(%arg0: i32) -> (i32, i32, i32) {
    %c0_i32 = arith.constant 0 : i32
    %c0_i32_0 = arith.constant 0 : i32
    %c0_i32_1 = arith.constant 0 : i32
    return %arg0, %c0_i32, %c0_i32_0 : i32, i32, i32
  }
  func.func @transform_3(%arg0: i32) -> (i32, i32) {
    %c0_i32 = arith.constant 0 : i32
    %c0_i32_0 = arith.constant 0 : i32
    %c0_i32_1 = arith.constant 0 : i32
    return %c0_i32, %c0_i32_0 : i32, i32
  }
}

module attributes {stable_mosaic.version = 14 : i64} {
  func.func @_cb_prep_body(%arg0: memref<1024x64xf32, #tpu.memory_space<vmem>>, %arg1: memref<1024x128xf32, #tpu.memory_space<vmem>>, %arg2: memref<1024x64xbf16, #tpu.memory_space<vmem>>) attributes {dimension_semantics = [], scalar_prefetch = 0 : i64, scratch_operands = 0 : i64, tpu.core_type = #tpu.core_type<tc>} {
    %get3A = arith.constant 0 : index
    %get3A_0 = arith.constant 0 : index
    %get3A_1 = vector.load %arg0[%get3A, %get3A_0] : memref<1024x64xf32, #tpu.memory_space<vmem>>, vector<1024x64xf32>
    %mul3A = arith.mulf %get3A_1, %get3A_1 : vector<1024x64xf32>
    %reduce_sum3A = arith.constant dense<0.000000e+00> : vector<1024xf32>
    %reduce_sum3A_2 = vector.multi_reduction <add>, %mul3A, %reduce_sum3A [1] : vector<1024x64xf32> to vector<1024xf32>
    %broadcast_in_dim3A = vector.shape_cast %reduce_sum3A_2 : vector<1024xf32> to vector<1024x1xf32>
    %sqrt3A = math.sqrt %broadcast_in_dim3A : vector<1024x1xf32>
    %max3A = arith.constant 9.99999996E-13 : f32
    %max3A_3 = vector.broadcast %max3A : f32 to vector<1024x1xf32>
    %max3A_4 = arith.maximumf %sqrt3A, %max3A_3 : vector<1024x1xf32>
    %div3A = vector.broadcast %max3A_4 : vector<1024x1xf32> to vector<1024x64xf32>
    %div3A_5 = arith.divf %get3A_1, %div3A : vector<1024x64xf32>
    %broadcast_in_dim3A_6 = arith.constant 0.000000e+00 : f32
    %broadcast_in_dim3A_7 = vector.broadcast %broadcast_in_dim3A_6 : f32 to vector<1024x64xf32>
    %concatenate3A = tpu.concatenate %div3A_5, %broadcast_in_dim3A_7 in 1 : vector<1024x64xf32>, vector<1024x64xf32> -> vector<1024x128xf32>
    %swap3A = arith.constant 0 : index
    %swap3A_8 = arith.constant 0 : index
    %swap3A_9 = vector.load %arg1[%swap3A, %swap3A_8] : memref<1024x128xf32, #tpu.memory_space<vmem>>, vector<1024x128xf32>
    tpu.vector_store %arg1[%swap3A, %swap3A_8], %concatenate3A {strides = array<i32>} : memref<1024x128xf32, #tpu.memory_space<vmem>>, vector<1024x128xf32>,
    %convert_element_type3A = arith.truncf %div3A_5 : vector<1024x64xf32> to vector<1024x64xbf16>
    %swap3A_10 = arith.constant 0 : index
    %swap3A_11 = arith.constant 0 : index
    %swap3A_12 = vector.load %arg2[%swap3A_10, %swap3A_11] : memref<1024x64xbf16, #tpu.memory_space<vmem>>, vector<1024x64xbf16>
    tpu.vector_store %arg2[%swap3A_10, %swap3A_11], %convert_element_type3A {strides = array<i32>} : memref<1024x64xbf16, #tpu.memory_space<vmem>>, vector<1024x64xbf16>,
    return
  }
}

</mosaic_0001>

<sc_bundles>
// kernel: kernel.5.cloned.1.call-start
scs
__scs_entry_jumppad:
0x0: {  	(pc) =	sbr.rel $0x88, $3  }
0x1: {  	(tag) =	ssettag $0x0;
	lr =	simm.s32 $0x1  }
0x2: {  	[smem:$0x3F9F] =	sst lr;
	_ =	strace $0xD0000000  }
0x3: {  	_ = 	snop  }
0x4: {  	_ = 	snop  }
0x5: {  	_ = 	snop  }
0x6: {  	_ = 	snop  }
0x7: {  	_ = 	snop  }
__scs_overlays_trampoline_lowered:
0x8: {  	[smem:$0x3FAE] =	sst s0  }
0x9: {  	[smem:$0x3FAF] =	sst s1  }
0xa: {  	[smem:$0x3FB0] =	sst s2  }
0xb: {  	[smem:$0x3FB1] =	sst s3  }
0xc: {  	[smem:$0x3FB2] =	sst s4  }
0xd: {  	[smem:$0x3FB3] =	sst s5  }
0xe: {  	[smem:$0x3FB4] =	sst s6  }
0xf: {  	[smem:$0x3FB5] =	sst s7  }
0x10: {  	[smem:$0x3FB6] =	sst s8  }
0x11: {  	[smem:$0x3FB7] =	sst s9;
	s0 =	simm.s32 @!p0 $0x0  }
0x12: {  	s1 =	sld [smem:$0x3F9D];
	s0 =	simm.s32 @p0 $0x1  }
0x13: {  	[smem:$0x3FB8] =	sst s0;
	s0 =	simm.s32 @!p1 $0x0  }
0x14: {  	s2 =	sld [smem:$0x3F9C];
	s0 =	simm.s32 @p1 $0x1  }
0x15: {  	[smem:$0x3FB9] =	sst s0;
	s0 =	simm.s32 @!p2 $0x0  }
0x16: {  	s3 =	sld [smem:$0x3FDB];
	s0 =	simm.s32 @p2 $0x1  }
0x17: {  	s4 =	simm.s32 $0x1BF5;
	[smem:$0x3FBB] =	sst s0  }
0x18: {  	s0 =	sld [smem:$0x3F9E];
	_ =	swait.ge [sflag:s4], $0x0  }
0x19: {  	s7 =	sld [smem:$0x3F9F]  }
0x1a: {  	s8 =	sadd.s32 $0xFFFFE003, lr  }
0x1b: {  	s9 =	sadd.s32 $0xFFFFFEF7, lr;
	s5 =	simm.s32 $0xFFFFFFFF;
	p2 =	slt.u32 s8, $0xFFFFF086  }
0x1c: {  	p1 =	slt.u32 s9, $0xF7A;
	s5 =	simm.s32 @!p2 $0x0  }
0x1d: {  	s5 =	simm.s32 @p1 $0x1;
	p0 =	seq.s32 s7, s2  }
0x1e: {  	s7 =	smul.u32 @!p0 $0xF7A, s2;
	p2 =	seq.s32 @!p0 s5, $0x0  }
0x1f: {  	s9 =	smul.u32 $0xF7A, s1;
	s8 =	simm.s32 @!p0 $0x1BF5;
	p2 =	por !p2, p0  }
0x20: {  	[sflag:s8] =	ssyncset.s32 @!p0 $0xFFFFF086;
	s6 =	sadd.s32 @!p0 s3, s7;
	s7 =	simm.s32 @!p0 $0x108  }
0x21: {  	s3 =	sadd.s32 s3, s9;
	s6 =	sadd.s32 @!p0 $0x88, s6;
	s7 =	simm.s32 @p2 $0x1082  }
0x22: {  	[simem:s7], [sflag:s8] =	dma.local @!p0 [hbm:s6], $0xF7A  }
0x23: {  	s9 =	sor.u32 $0xD0000000, s2;
	s6 =	simm.s32 $0x108;
	_ =	swait.ge @!p0 [sflag:s8], $0x0  }
0x24: {  	s3 =	sadd.s32 $0x88, s3;
	s6 =	simm.s32 @!p1 $0x1082;
	[sflag:s4] =	ssyncset.s32 $0xFFFFF086  }
0x25: {  	[simem:s6], [sflag:s4] =	dma.local [hbm:s3], $0xF7A  }
0x26: {  	[smem:$0x3F9F] =	sst s1;
	(tag) =	ssettag s2;
	_ =	strace s9  }
0x27: {  	s1 =	sld [smem:$0x3FAF]  }
0x28: {  	s2 =	sld [smem:$0x3FB0]  }
0x29: {  	s4 =	sld [smem:$0x3FB2]  }
0x2a: {  	p0 =	seq.s32 s5, $0x0;
	s5 =	sld [smem:$0x3FB3]  }
0x2b: {  	s6 =	sld [smem:$0x3FB4]  }
0x2c: {  	s7 =	sld [smem:$0x3FB5]  }
0x2d: {  	s3 =	simm.s32 $0x108;
	s8 =	sld [smem:$0x3FB6]  }
0x2e: {  	s3 =	simm.s32 @!p0 $0x1082;
	s9 =	sld [smem:$0x3FB7]  }
0x2f: {  	lr =	sadd.s32 s0, s3;
	s0 =	sld [smem:$0x3FAE]  }
0x30: {  	s3 =	sld [smem:$0x3FB1]  }
0x31: {  	[smem:$0x3FBA] =	sst s10  }
0x32: {  	s10 =	sld [smem:$0x3FB8];
	_ =	sdelay $0x3  }
0x33: {  	p0 =	seq.s32 s10, $0x1;
	s10 =	sld [smem:$0x3FBA];
	_ =	sdelay $0x3  }
0x34: {  	[smem:$0x3FBA] =	sst s10  }
0x35: {  	s10 =	sld [smem:$0x3FB9];
	_ =	sdelay $0x3  }
0x36: {  	p1 =	seq.s32 s10, $0x1;
	s10 =	sld [smem:$0x3FBA];
	_ =	sdelay $0x3  }
0x37: {  	[smem:$0x3FBA] =	sst s10  }
0x38: {  	s10 =	sld [smem:$0x3FBB]  }
0x39: {  	_ = 	snop;
	(pc) =	sbr.ind lr, $3  }
0x3a: {  	_ = 	snop  }
0x3b: {  	_ = 	snop  }
0x3c: {  	p2 =	seq.s32 s10, $0x1;
	s10 =	sld [smem:$0x3FBA]  }
0x3d: {  	_ =	shalt  }
0x3e: {  	_ =	shalt  }
0x3f: {  	_ =	shalt  }
0x40: {  	_ =	shalt  }
0x41: {  	_ =	shalt  }
0x42: {  	_ =	shalt  }
0x43: {  	_ =	shalt  }
0x44: {  	_ =	shalt  }
0x45: {  	_ =	shalt  }
0x46: {  	_ =	shalt  }
0x47: {  	_ =	shalt  }
0x48: {  	_ =	shalt  }
0x49: {  	_ =	shalt  }
0x4a: {  	_ =	shalt  }
0x4b: {  	_ =	shalt  }
0x4c: {  	_ =	shalt  }
0x4d: {  	_ =	shalt  }
0x4e: {  	_ =	shalt  }
0x4f: {  	_ =	shalt  }
0x50: {  	_ =	shalt  }
0x51: {  	_ =	shalt  }
0x52: {  	_ =	shalt  }
0x53: {  	_ =	shalt  }
0x54: {  	_ =	shalt  }
0x55: {  	_ =	shalt  }
0x56: {  	_ =	shalt  }
0x57: {  	_ =	shalt  }
0x58: {  	_ =	shalt  }
0x59: {  	_ =	shalt  }
0x5a: {  	_ =	shalt  }
0x5b: {  	_ =	shalt  }
0x5c: {  	_ =	shalt  }
0x5d: {  	_ =	shalt  }
0x5e: {  	_ =	shalt  }
0x5f: {  	_ =	shalt  }
0x60: {  	_ =	shalt  }
0x61: {  	_ =	shalt  }
0x62: {  	_ =	shalt  }
0x63: {  	_ =	shalt  }
0x64: {  	_ =	shalt  }
0x65: {  	_ =	shalt  }
0x66: {  	_ =	shalt  }
0x67: {  	_ =	shalt  }
0x68: {  	_ =	shalt  }
0x69: {  	_ =	shalt  }
0x6a: {  	_ =	shalt  }
0x6b: {  	_ =	shalt  }
0x6c: {  	_ =	shalt  }
0x6d: {  	_ =	shalt  }
0x6e: {  	_ =	shalt  }
0x6f: {  	_ =	shalt  }
0x70: {  	_ =	shalt  }
0x71: {  	_ =	shalt  }
0x72: {  	_ =	shalt  }
0x73: {  	_ =	shalt  }
0x74: {  	_ =	shalt  }
0x75: {  	_ =	shalt  }
0x76: {  	_ =	shalt  }
0x77: {  	_ =	shalt  }
0x78: {  	_ =	shalt  }
0x79: {  	_ =	shalt  }
0x7a: {  	_ =	shalt  }
0x7b: {  	_ =	shalt  }
0x7c: {  	_ =	shalt  }
0x7d: {  	_ =	shalt  }
0x7e: {  	_ =	shalt  }
0x7f: {  	_ =	shalt  }
0x80: {  	_ =	shalt  }
0x81: {  	_ =	shalt  }
0x82: {  	_ =	shalt  }
0x83: {  	_ =	shalt  }
0x84: {  	_ =	shalt  }
0x85: {  	_ =	shalt  }
0x86: {  	_ =	shalt  }
0x87: {  	_ =	shalt  }
.Lfunc_end0:
.L_simem_size_0:
called_computation_lowered:
.L_overlay_start_0:
0x88: {  	s2 =	sld [smem:$0x3FD9]  }
0x89: {  	s3 =	sld [smem:$0x3FFE];
	_ =	sdelay $0x1  }
0x8a: {  	s1 =	srdreg.scid  }
0x8b: {  	s0 =	sand.u32 $0x1, s1  }
0x8c: {  	s14 =	sshll.u32 s0, $0xA;
	s2 =	sadd.s32 s3, s2  }
0x8d: {  	s2 =	sadd.s32 s2, s14  }
0x8e: {  	[smem:$0x3FC6] =	sst s2  }
0x8f: {  	_ = 	snop  }
0x90: {  	s2 =	sld [smem:$0x3FD0];
	_ =	sdelay $0x2  }
0x91: {  	s15 =	simm.s32 $0xA;
	s4 =	simm.s32 $0x10  }
0x92: {  	[smem:s4], [sflag:s15] =	dma.local [hbm:s2], $0x1  }
0x93: {  	_ =	swait.eq [sflag:s15], $0x1  }
0x94: {  	[sflag:s15] =	ssyncset.done $0x0  }
0x95: {  	[sflag:s15] =	ssyncadd.s32 $0xFFFFFFFF  }
0x96: {  	s16 =	sld [smem:$0x11];
	(tm) =	ssettm $0x1  }
0x97: {  	s17 =	sld [smem:$0x3FFB];
	_ =	sdelay $0x3  }
0x98: {  	_ =	strace s17  }
0x99: {  	s3 =	sld [smem:$0x3FFC];
	_ =	sdelay $0x3  }
0x9a: {  	_ =	strace s3  }
0x9b: {  	s3 =	sld [smem:$0x3FFD];
	_ =	sdelay $0x3  }
0x9c: {  	_ =	strace s3  }
0x9d: {  	_ =	strace $0x8FFFFFFF  }
0x9e: {  	s18 =	sld [smem:$0x3FDB];
	_ =	sdelay $0x1  }
0x9f: {  	s19 =	simm.s32 $_scs_section_size  }
0xa0: {  	s5 =	simm.s32 $_size__tile_overlayer_lowered;
	s6 =	simm.s32 $_tile_overlayer_lowered  }
0xa1: {  	s22 =	simm.s32 $0x1BFF;
	s21 =	sshll.u32 s6, $0x1;
	s3 =	sadd.s32 s19, s18  }
0xa2: {  	s7 =	simm.s32 $0x0;
	s20 =	sshll.u32 s5, $0x1;
	s5 =	sadd.s32 s21, s3  }
0xa3: {  	[timem:s7], [sflag:s22] =	dma.local [hbm:s5], s20  }
0xa4: {  	_ =	swait.ge [sflag:s22], s20  }
0xa5: {  	s4 =	ssub.s32 $0x0, s20;
	[sflag:s22] =	ssyncset.done $0x0  }
0xa6: {  	[sflag:s22] =	ssyncadd.s32 s4;
	_ =	sdelay $0x1  }
0xa7: {  	s23 =	simm.s32 $0x1B8B  }
0xa8: {  	_ =	swait.ge [sflag:s23], $0x1  }
0xa9: {  	[sflag:s23] =	ssyncset.done $0x0  }
0xaa: {  	s25 =	simm.s32 $0x1B8E;
	s24 =	sld [smem:$0x3FFE];
	[sflag:s23] =	ssyncadd.s32 $0xFFFFFFFF  }
0xab: {  	s26 =	simm.s32 $execute0_lowered;
	[smem:$0x3FD2] =	sst s25  }
0xac: {  	s5 =	sshll.u32 s26, $0x1;
	_ =	strace $0x80000046;
	[dreg:$0x1] =	wrdreg $0xFFFFFFFF  }
0xad: {  	s28 =	simm.s32 $_size_execute0_lowered;
	s3 =	sadd.s32 s3, s5;
	[dreg:$0x0] =	wrdreg $0x0  }
0xae: {  	s5 =	sshll.u32 s28, $0x1;
	[dreg:$0x2] =	wrdreg s3  }
0xaf: {  	[dreg:$0x3] =	wrdreg s5  }
0xb0: {  	[dreg:$0x4] =	wrdreg $0xC0  }
0xb1: {  	_ =	task [dreg:s7], $0x5FFFF  }
0xb2: {  	[dreg:$0x1] =	wrdreg $0xFFFFFFFF  }
0xb3: {  	[dreg:$0x0] =	wrdreg $0x60  }
0xb4: {  	[dreg:$0x2] =	wrdreg s16  }
0xb5: {  	[dreg:$0x3] =	wrdreg s24  }
0xb6: {  	[dreg:$0x4] =	wrdreg $0x9  }
0xb7: {  	_ =	task.clear_ibuf [dreg:s7], $0x5FFFF;
	_ =	strace $0x90000046  }
0xb8: {  	s29 =	simm.s32 $0x9;
	_ =	strace $0x80000048  }
0xb9: {  	_ =	swait.ge [sflag:s29], $0x1  }
0xba: {  	[sflag:s29] =	ssyncadd.s32 $0xFFFFFFFF  }
0xbb: {  	_ =	strace $0x90000048  }
0xbc: {  	_ =	sfence  }
0xbd: {  	s30 =	sld [smem:$0x0];
	_ =	sdelay $0x2  }
0xbe: {  	s31 =	sshll.u32 s1, $0xD;
	s1 =	sshrl.u32 s1, $0x2  }
0xbf: {  	s3 =	sand.u32 $0x4000, s31;
	s1 =	sadd.s32 s1, s30  }
0xc0: {  	s0 =	sor.u32 s3, s0;
	s1 =	sshll.u32 s1, $0x11  }
0xc1: {  	s0 =	sor.u32 s1, s0  }
0xc2: {  	s0 =	sadd.s32 $0x8F2B, s0  }
0xc3: {  	[sflag:s0] =	ssyncadd.remote.s32 $0x1  }
0xc4: {  	_ =	sfence.sel $0xFFFF  }
0xc5: {  	[dreg:$0x0] =	wrdreg $0xFFFFFFFF;
	(pc) =	sbr.abs _section_cstart, $3  }
0xc6: {  	[dreg:$0x1] =	wrdreg $0xFFFFFFFF  }
0xc7: {  	_ =	task.clear_ibuf [dreg:s7], $0x2FFFF;
	_ =	strace $0x9FFFFFFF  }
0xc8: {  	(tm) =	ssettm $0x7FFFFFFF  }
0xc9: {  	_ =	shalt  }
tec
execute0_lowered:
.L_overlay_start_1:
0x0: {  	(tag) =	ssettag $0x1  }
0x1: {  	s1 =	rddreg [dreg:$0x0]  }
0x2: {  	s0 =	rddreg [dreg:$0x1];
	s3 =	simm.s32 $0x0  }
0x3: {  	s2 =	srdreg.scid;
	s5 =	stileid.u32;
	s28 =	simm.s32 $0x7  }
0x4: {  	s2 =	sand.u32 $0x1, s2;
	s4 =	sshll.u32 s5, $0x1;
	s5 =	sshrl.u32 s5, $0x2  }
0x5: {  	s29 =	simm.s32 $0x900;
	s4 =	sor.u32 s2, s4;
	s5 =	smul.u32 $0x4800, s5  }
0x6: {  	[smem:$0x7FF] =	sst s3;
	s6 =	sadd.s32 $0x2400, s0;
	s9 =	smul.u32 $0x9000, s4  }
0x7: {  	s7 =	sshll.u32 s4, $0xA;
	s8 =	sshll.u32 s4, $0x7;
	s4 =	smul.u32 $0x48000, s4  }
0x8: {  	_ =	strace $0x80000047;
	s8 =	sand.u32 $0x380, s8;
	s7 =	sadd.s32 s7, s0  }
0x9: {  	s5 =	sor.u32 s5, s8;
	s14 =	sadd.s32 s6, s9;
	s4 =	sshrl.u32 s4, $0x3  }
0xa: {  	s5 =	sshrl.u32 s5, $0x3;
	[dreg:$0x3] =	wrdreg s14;
	s15 =	sadd.s32 $0x800, s14  }
0xb: {  	s16 =	sadd.s32 s6, s4;
	s0 =	sadd.s32 s0, s5;
	[dreg:$0x5] =	wrdreg s15  }
0xc: {  	v0 =	vimm.s32 $0x2380;
	vm0 =	vcmask $0x300;
	s30 =	simm.s32 $0x4900;
	s4 =	sadd.s32 $0x1000, s16;
	[dreg:$0x4] =	wrdreg s0  }
0xd: {  	vm14 =	vcmask $0x704;
	s31 =	simm.s32 $0xC900;
	v0 =	vsel vm0, $0x0, v0;
	s17 =	sadd.s32 $0x1800, s16;
	[dreg:$0x6] =	wrdreg s4  }
0xe: {  	vm15 =	vcmask $0xB08;
	s11 =	simm.s32 $0x5;
	v0 =	vsel vm14, $0x80, v0;
	s18 =	sadd.s32 $0x2000, s16;
	[dreg:$0x7] =	wrdreg s17  }
0xf: {  	vm4 =	vcmask $0xF0C;
	s12 =	simm.s32 $0x6;
	v0 =	vsel vm15, $0x100, v0;
	s19 =	sadd.s32 $0x2800, s16;
	[dreg:$0x8] =	wrdreg s18  }
0x10: {  	vm5 =	vcmask $0x1310;
	s13 =	simm.s32 $0x0;
	v0 =	vsel vm4, $0x180, v0;
	s20 =	sadd.s32 $0x3000, s16;
	[dreg:$0x9] =	wrdreg s19  }
0x11: {  	vm6 =	vcmask $0x1714;
	s2 =	ssub.s32 $0x2, s2;
	v0 =	vsel vm5, $0x200, v0;
	s21 =	sadd.s32 $0x3800, s16;
	[dreg:$0xa] =	wrdreg s20  }
0x12: {  	vm7 =	vcmask $0x1B18;
	s10 =	sshrl.u32 s2, $0x1;
	v0 =	vsel vm6, $0x280, v0;
	s22 =	sadd.s32 $0x4000, s16;
	[dreg:$0xb] =	wrdreg s21  }
0x13: {  	vm8 =	vcmask $0x1F1C;
	s2 =	ssub.s32 s2, s10;
	s23 =	sadd.s32 $0x4800, s16;
	v0 =	vsel vm7, $0x300, v0;
	[dreg:$0xc] =	wrdreg s22  }
0x14: {  	vm9 =	vcmask $0x2320;
	s10 =	simm.s32 $0x4;
	s24 =	sadd.s32 $0x5000, s16;
	[dreg:$0xd] =	wrdreg s23;
	v0 =	vsel vm8, $0x380, v0  }
0x15: {  	vm10 =	vcmask $0x2724;
	s8 =	simm.s32 $0x2;
	s25 =	sadd.s32 $0x5800, s16;
	[dreg:$0xe] =	wrdreg s24;
	v0 =	vsel vm9, $0x2000, v0  }
0x16: {  	vm11 =	vcmask $0x2B28;
	s9 =	simm.s32 $0x3;
	s26 =	sadd.s32 $0x6000, s16;
	[dreg:$0xf] =	wrdreg s25;
	v0 =	vsel vm10, $0x2080, v0  }
0x17: {  	vm12 =	vcmask $0x2F2C;
	s6 =	simm.s32 $0x18900;
	s5 =	simm.s32 $0x14900;
	[dreg:$0x10] =	wrdreg s26;
	v0 =	vsel vm11, $0x2100, v0  }
0x18: {  	vm13 =	vcmask $0x3330;
	s18 =	sadd.s32 $0x6800, s16;
	s19 =	sadd.s32 $0x7000, s16;
	s20 =	sadd.s32 $0x7800, s16;
	v0 =	vsel vm12, $0x2180, v0  }
0x19: {  	vm14 =	vcmask $0x3734;
	s21 =	sadd.s32 $0x8000, s16;
	s22 =	sadd.s32 $0x8800, s16;
	s23 =	sadd.s32 $0x122400, s7;
	v0 =	vsel vm13, $0x2200, v0  }
0x1a: {  	vm15 =	vcmask $0x3B38;
	s24 =	smax.u32 s2, $0x1;
	s25 =	simm.s32 $0x80;
	s26 =	simm.s32 $0x400;
	v1 =	vsel vm14, $0x2280, v0  }
0x1b: {  	v2 =	vimm.f32 $1.000000000e+00;
	s0 =	simm.s32 $0x8900;
	s2 =	simm.s32 $0x10900;
	s7 =	simm.s32 $0x1;
	v0 =	vimm.f32 $0.0e+00;
	v1 =	vsel vm15, $0x2300, v1  }
.LBB2_1:
0x1c: {  	s4 =	rddreg [dreg:$0x4]  }
0x1d: {  	[tilespmem:s3], [sflag:$0x7] =	stream.strided.gather [hbm4b:s4+s25], $0x900, s26, s25, $0x38;
	[tilespmem:$0x1CD00] =	vst v63  }
0x1e: {  	s17 =	sand.u32 $0x70, s3;
	s14 =	sand.u32 $0x1C00, s3;
	_ =	swait.ge [sflag:s28], $0x900  }
0x1f: {  	s4 =	sor.u32 s17, s14;
	[sflag:s28] =	ssyncset.done $0x0  }
0x20: {  	s16 =	sadd.s32 $0x18900, s4;
	[sflag:s28] =	ssyncadd.s32 $0xFFFFF700  }
0x21: {  	[tilespmem:s16+$0x280] =	vst v0  }
0x22: {  	[tilespmem:s16+$0x200] =	vst v0  }
0x23: {  	[tilespmem:s16+$0x180] =	vst v0  }
0x24: {  	[tilespmem:s16+$0x100] =	vst v0  }
0x25: {  	[tilespmem:s16+$0x80] =	vst v0  }
0x26: {  	s15 =	simm.s32 $0x0;
	s17 =	sor.u32 s3, s3;
	s14 =	simm.s32 $0x10;
	[tilespmem:s4+$0x18900] =	vst v0  }
.LBB2_2:
0x27: {  	p0 =	sne.s32 s14, $0x3F0;
	[tilespmem:s16+$0x300] =	vst v0;
	s16 =	sor.u32 $0x380, s17  }
0x28: {  	[tilespmem:s16+$0x18900] =	vst v0  }
0x29: {  	[tilespmem:s4+$0x1A900] =	vst v0  }
0x2a: {  	[tilespmem:s4+$0x1A980] =	vst v0  }
0x2b: {  	[tilespmem:s4+$0x1AA00] =	vst v0  }
0x2c: {  	[tilespmem:s4+$0x1AA80] =	vst v0  }
0x2d: {  	s15 =	sadd.s32 $0x80, s15;
	[tilespmem:s4+$0x1AB00] =	vst v0  }
0x2e: {  	s16 =	sand.u32 $0x70, s14;
	s17 =	sand.u32 $0x1C00, s15;
	[tilespmem:s4+$0x1AB80] =	vst v0  }
0x2f: {  	s17 =	sor.u32 s16, s17;
	[tilespmem:s4+$0x1AC00] =	vst v0  }
0x30: {  	s16 =	sadd.s32 $0x18900, s17;
	[tilespmem:s4+$0x1AC80] =	vst v0;
	s4 =	smov.u32 s17  }
0x31: {  	[tilespmem:s16+$0x280] =	vst v0  }
.Ltmp0:
0x32: {  	[tilespmem:s16+$0x200] =	vst v0;
	(pc) =	sbr.rel @p0 .LBB2_2-.Ltmp0, $4  }
0x33: {  	[tilespmem:s16+$0x180] =	vst v0  }
0x34: {  	[tilespmem:s16+$0x100] =	vst v0  }
0x35: {  	[tilespmem:s16+$0x80] =	vst v0  }
0x36: {  	s17 =	sor.u32 s15, s14;
	s14 =	sadd.s32 $0x10, s14;
	[tilespmem:s4+$0x18900] =	vst v0  }
0x37: {  	[tilespmem:s16+$0x300] =	vst v0;
	s14 =	sor.u32 $0x380, s17  }
0x38: {  	[tilespmem:s14+$0x18900] =	vst v0  }
0x39: {  	[tilespmem:s4+$0x1A900] =	vst v0  }
0x3a: {  	[tilespmem:s4+$0x1A980] =	vst v0  }
0x3b: {  	[tilespmem:s4+$0x1AA00] =	vst v0  }
0x3c: {  	[tilespmem:s4+$0x1AA80] =	vst v0  }
0x3d: {  	[tilespmem:s4+$0x1AB00] =	vst v0  }
0x3e: {  	[tilespmem:s4+$0x1AB80] =	vst v0  }
0x3f: {  	[tilespmem:s4+$0x1AC00] =	vst v0  }
0x40: {  	s17 =	simm.s32 $0x0;
	[tilespmem:s4+$0x1AC80] =	vst v0  }
0x41: {  	[tilespmem:s29], [sflag:$0x1] =	stream.indirect.gather [hbm4b:s1+s25], $0x80, s17, s25, $0xb8;
	[tilespmem:$0x1CD00] =	vst v63  }
0x42: {  	_ = 	snop  }
0x43: {  	[tilespmem:s30], [sflag:$0x2] =	stream.indirect.gather [hbm4b:s1+s25], $0x80, s25, s25, $0xb8;
	[tilespmem:$0x1CD00] =	vst v63  }
0x44: {  	s14 =	simm.s32 $0x100  }
0x45: {  	[tilespmem:s0], [sflag:$0x3] =	stream.indirect.gather [hbm4b:s1+s25], $0x80, s14, s25, $0xb8;
	[tilespmem:$0x1CD00] =	vst v63  }
0x46: {  	s15 =	simm.s32 $0x180  }
0x47: {  	[tilespmem:s31], [sflag:$0x4] =	stream.indirect.gather [hbm4b:s1+s25], $0x80, s15, s25, $0xb8;
	[tilespmem:$0x1CD00] =	vst v63  }
0x48: {  	s16 =	simm.s32 $0x200  }
0x49: {  	[tilespmem:s2], [sflag:$0x5] =	stream.indirect.gather [hbm4b:s1+s25], $0x80, s16, s25, $0xb8;
	[tilespmem:$0x1CD00] =	vst v63  }
0x4a: {  	s4 =	simm.s32 $0x40;
	s17 =	simm.s32 $0x280;
	s14 =	simm.s32 $0x0  }
0x4b: {  	[tilespmem:s5], [sflag:$0x6] =	stream.indirect.gather [hbm4b:s1+s25], $0x80, s17, s25, $0xb8;
	[tilespmem:$0x1CD00] =	vst v63  }
.LBB2_4:
0x4c: {  	p0 =	sne.s32 s4, $0x23C0;
	v3 =	vld [tilespmem:s14+$0x0];
	_ =	sdelay $0x4  }
0x4d: {  	v4 =	vshll.u32 v3, $0x3  }
0x4e: {  	v3 =	vand.u32 $0x7F, v3;
	v4 =	vand.u32 $0xFFFFFC00, v4  }
0x4f: {  	v3 =	vor.u32 v3, v4  }
0x50: {  	v3 =	vadd.s32 v1, v3  }
.Ltmp1:
0x51: {  	(pc) =	sbr.rel @p0 .LBB2_4-.Ltmp1, $2  }
0x52: {  	_ =	sdelay $0x2  }
0x53: {  	s14 =	sshra.s32 s4, $0x2;
	s4 =	sadd.s32 $0x40, s4;
	[tilespmem:v3+s6+$0x0] =	vst.idx.add.f32.msk $0xffff, v2  }
0x54: {  	v3 =	vld [tilespmem:s14+$0x0];
	_ =	sdelay $0x4  }
0x55: {  	v4 =	vshll.u32 v3, $0x3  }
0x56: {  	v3 =	vand.u32 $0x7F, v3;
	v4 =	vand.u32 $0xFFFFFC00, v4  }
0x57: {  	v3 =	vor.u32 v3, v4  }
0x58: {  	v3 =	vadd.s32 v1, v3;
	_ =	sdelay $0x4  }
0x59: {  	[tilespmem:v3+s6+$0x0] =	vst.idx.add.f32.msk $0xffff, v2  }
0x5a: {  	_ =	swait.ge [sflag:s7], $0x4000  }
0x5b: {  	[sflag:s7] =	ssyncset.done $0x0  }
0x5c: {  	s14 =	simm.s32 $0x0;
	s4 =	rddreg [dreg:$0x3];
	[sflag:s7] =	ssyncadd.s32 $0xFFFFC000  }
0x5d: {  	[hbm4b:s4+s14] =	stream.linear.scatter [tilespmem:s29], [sflag:$0x7], $0x4000, $0x38;
	[tilespmem:$0x1CD00] =	vst v63  }
0x5e: {  	_ =	swait.ge [sflag:s28], $0x4000  }
0x5f: {  	[sflag:s28] =	ssyncset.done $0x0  }
0x60: {  	s17 =	simm.s32 $0x300;
	[sflag:s28] =	ssyncadd.s32 $0xFFFFC000  }
0x61: {  	[tilespmem:s29], [sflag:$0x1] =	stream.indirect.gather [hbm4b:s1+s25], $0x80, s17, s25, $0xb8;
	[tilespmem:$0x1CD00] =	vst v63  }
0x62: {  	_ =	swait.ge [sflag:s8], $0x4000  }
0x63: {  	[sflag:s8] =	ssyncset.done $0x0  }
0x64: {  	s15 =	rddreg [dreg:$0x5];
	[sflag:s8] =	ssyncadd.s32 $0xFFFFC000  }
0x65: {  	[hbm4b:s15+s14] =	stream.linear.scatter [tilespmem:s30], [sflag:$0x7], $0x4000, $0x38;
	[tilespmem:$0x1CD00] =	vst v63  }
0x66: {  	_ =	swait.ge [sflag:s28], $0x4000  }
0x67: {  	[sflag:s28] =	ssyncset.done $0x0  }
0x68: {  	s16 =	simm.s32 $0x380;
	[sflag:s28] =	ssyncadd.s32 $0xFFFFC000  }
0x69: {  	[tilespmem:s30], [sflag:$0x2] =	stream.indirect.gather [hbm4b:s1+s25], $0x80, s16, s25, $0xb8;
	[tilespmem:$0x1CD00] =	vst v63  }
0x6a: {  	_ =	swait.ge [sflag:s9], $0x4000  }
0x6b: {  	[sflag:s9] =	ssyncset.done $0x0  }
0x6c: {  	s17 =	rddreg [dreg:$0x6];
	[sflag:s9] =	ssyncadd.s32 $0xFFFFC000  }
0x6d: {  	[hbm4b:s17+s14] =	stream.linear.scatter [tilespmem:s0], [sflag:$0x7], $0x4000, $0x38;
	[tilespmem:$0x1CD00] =	vst v63  }
0x6e: {  	_ =	swait.ge [sflag:s28], $0x4000  }
0x6f: {  	[sflag:s28] =	ssyncset.done $0x0  }
0x70: {  	[sflag:s28] =	ssyncadd.s32 $0xFFFFC000  }
0x71: {  	[tilespmem:s0], [sflag:$0x3] =	stream.indirect.gather [hbm4b:s1+s25], $0x80, s26, s25, $0xb8;
	[tilespmem:$0x1CD00] =	vst v63  }
0x72: {  	_ =	swait.ge [sflag:s10], $0x4000  }
0x73: {  	[sflag:s10] =	ssyncset.done $0x0  }
0x74: {  	s15 =	rddreg [dreg:$0x7];
	[sflag:s10] =	ssyncadd.s32 $0xFFFFC000  }
0x75: {  	[hbm4b:s15+s14] =	stream.linear.scatter [tilespmem:s31], [sflag:$0x7], $0x4000, $0x38;
	[tilespmem:$0x1CD00] =	vst v63  }
0x76: {  	_ =	swait.ge [sflag:s28], $0x4000  }
0x77: {  	[sflag:s28] =	ssyncset.done $0x0  }
0x78: {  	s16 =	simm.s32 $0x480;
	[sflag:s28] =	ssyncadd.s32 $0xFFFFC000  }
0x79: {  	[tilespmem:s31], [sflag:$0x4] =	stream.indirect.gather [hbm4b:s1+s25], $0x80, s16, s25, $0xb8;
	[tilespmem:$0x1CD00] =	vst v63  }
0x7a: {  	_ =	swait.ge [sflag:s11], $0x4000  }
0x7b: {  	[sflag:s11] =	ssyncset.done $0x0  }
0x7c: {  	s17 =	rddreg [dreg:$0x8];
	[sflag:s11] =	ssyncadd.s32 $0xFFFFC000  }
0x7d: {  	[hbm4b:s17+s14] =	stream.linear.scatter [tilespmem:s2], [sflag:$0x7], $0x4000, $0x38;
	[tilespmem:$0x1CD00] =	vst v63  }
0x7e: {  	_ =	swait.ge [sflag:s28], $0x4000  }
0x7f: {  	[sflag:s28] =	ssyncset.done $0x0  }
0x80: {  	s15 =	simm.s32 $0x500;
	[sflag:s28] =	ssyncadd.s32 $0xFFFFC000  }
0x81: {  	[tilespmem:s2], [sflag:$0x5] =	stream.indirect.gather [hbm4b:s1+s25], $0x80, s15, s25, $0xb8;
	[tilespmem:$0x1CD00] =	vst v63  }
0x82: {  	_ =	swait.ge [sflag:s12], $0x4000  }
0x83: {  	[sflag:s12] =	ssyncset.done $0x0  }
0x84: {  	s16 =	rddreg [dreg:$0x9];
	[sflag:s12] =	ssyncadd.s32 $0xFFFFC000  }
0x85: {  	[hbm4b:s16+s14] =	stream.linear.scatter [tilespmem:s5], [sflag:$0x7], $0x4000, $0x38;
	[tilespmem:$0x1CD00] =	vst v63  }
0x86: {  	_ =	swait.ge [sflag:s28], $0x4000  }
0x87: {  	[sflag:s28] =	ssyncset.done $0x0  }
0x88: {  	s17 =	simm.s32 $0x580;
	[sflag:s28] =	ssyncadd.s32 $0xFFFFC000  }
0x89: {  	[tilespmem:s5], [sflag:$0x6] =	stream.indirect.gather [hbm4b:s1+s25], $0x80, s17, s25, $0xb8;
	[tilespmem:$0x1CD00] =	vst v63  }
0x8a: {  	_ =	swait.ge [sflag:s7], $0x4000  }
0x8b: {  	[sflag:s7] =	ssyncset.done $0x0  }
0x8c: {  	s15 =	rddreg [dreg:$0xa];
	[sflag:s7] =	ssyncadd.s32 $0xFFFFC000  }
0x8d: {  	[hbm4b:s15+s14] =	stream.linear.scatter [tilespmem:s29], [sflag:$0x7], $0x4000, $0x38;
	[tilespmem:$0x1CD00] =	vst v63  }
0x8e: {  	_ =	swait.ge [sflag:s28], $0x4000  }
0x8f: {  	[sflag:s28] =	ssyncset.done $0x0  }
0x90: {  	s16 =	simm.s32 $0x600;
	[sflag:s28] =	ssyncadd.s32 $0xFFFFC000  }
0x91: {  	[tilespmem:s29], [sflag:$0x1] =	stream.indirect.gather [hbm4b:s1+s25], $0x80, s16, s25, $0xb8;
	[tilespmem:$0x1CD00] =	vst v63  }
0x92: {  	_ =	swait.ge [sflag:s8], $0x4000  }
0x93: {  	[sflag:s8] =	ssyncset.done $0x0  }
0x94: {  	s17 =	rddreg [dreg:$0xb];
	[sflag:s8] =	ssyncadd.s32 $0xFFFFC000  }
0x95: {  	[hbm4b:s17+s14] =	stream.linear.scatter [tilespmem:s30], [sflag:$0x7], $0x4000, $0x38;
	[tilespmem:$0x1CD00] =	vst v63  }
0x96: {  	_ =	swait.ge [sflag:s28], $0x4000  }
0x97: {  	[sflag:s28] =	ssyncset.done $0x0  }
0x98: {  	s15 =	simm.s32 $0x680;
	[sflag:s28] =	ssyncadd.s32 $0xFFFFC000  }
0x99: {  	[tilespmem:s30], [sflag:$0x2] =	stream.indirect.gather [hbm4b:s1+s25], $0x80, s15, s25, $0xb8;
	[tilespmem:$0x1CD00] =	vst v63  }
0x9a: {  	_ =	swait.ge [sflag:s9], $0x4000  }
0x9b: {  	[sflag:s9] =	ssyncset.done $0x0  }
0x9c: {  	s16 =	rddreg [dreg:$0xc];
	[sflag:s9] =	ssyncadd.s32 $0xFFFFC000  }
0x9d: {  	[hbm4b:s16+s14] =	stream.linear.scatter [tilespmem:s0], [sflag:$0x7], $0x4000, $0x38;
	[tilespmem:$0x1CD00] =	vst v63  }
0x9e: {  	_ =	swait.ge [sflag:s28], $0x4000  }
0x9f: {  	[sflag:s28] =	ssyncset.done $0x0  }
0xa0: {  	s17 =	simm.s32 $0x700;
	[sflag:s28] =	ssyncadd.s32 $0xFFFFC000  }
0xa1: {  	[tilespmem:s0], [sflag:$0x3] =	stream.indirect.gather [hbm4b:s1+s25], $0x80, s17, s25, $0xb8;
	[tilespmem:$0x1CD00] =	vst v63  }
0xa2: {  	_ =	swait.ge [sflag:s10], $0x4000  }
0xa3: {  	[sflag:s10] =	ssyncset.done $0x0  }
0xa4: {  	s15 =	rddreg [dreg:$0xd];
	[sflag:s10] =	ssyncadd.s32 $0xFFFFC000  }
0xa5: {  	[hbm4b:s15+s14] =	stream.linear.scatter [tilespmem:s31], [sflag:$0x7], $0x4000, $0x38;
	[tilespmem:$0x1CD00] =	vst v63  }
0xa6: {  	_ =	swait.ge [sflag:s28], $0x4000  }
0xa7: {  	[sflag:s28] =	ssyncset.done $0x0  }
0xa8: {  	s16 =	simm.s32 $0x780;
	[sflag:s28] =	ssyncadd.s32 $0xFFFFC000  }
0xa9: {  	[tilespmem:s31], [sflag:$0x4] =	stream.indirect.gather [hbm4b:s1+s25], $0x80, s16, s25, $0xb8;
	[tilespmem:$0x1CD00] =	vst v63  }
0xaa: {  	_ =	swait.ge [sflag:s11], $0x4000  }
0xab: {  	[sflag:s11] =	ssyncset.done $0x0  }
0xac: {  	s17 =	rddreg [dreg:$0xe];
	[sflag:s11] =	ssyncadd.s32 $0xFFFFC000  }
0xad: {  	[hbm4b:s17+s14] =	stream.linear.scatter [tilespmem:s2], [sflag:$0x7], $0x4000, $0x38;
	[tilespmem:$0x1CD00] =	vst v63  }
0xae: {  	_ =	swait.ge [sflag:s28], $0x4000  }
0xaf: {  	[sflag:s28] =	ssyncset.done $0x0  }
0xb0: {  	s15 =	simm.s32 $0x800;
	[sflag:s28] =	ssyncadd.s32 $0xFFFFC000  }
0xb1: {  	[tilespmem:s2], [sflag:$0x5] =	stream.indirect.gather [hbm4b:s1+s25], $0x80, s15, s25, $0xb8;
	[tilespmem:$0x1CD00] =	vst v63  }
0xb2: {  	_ =	swait.ge [sflag:s12], $0x4000  }
0xb3: {  	[sflag:s12] =	ssyncset.done $0x0  }
0xb4: {  	s16 =	rddreg [dreg:$0xf];
	[sflag:s12] =	ssyncadd.s32 $0xFFFFC000  }
0xb5: {  	[hbm4b:s16+s14] =	stream.linear.scatter [tilespmem:s5], [sflag:$0x7], $0x4000, $0x38;
	[tilespmem:$0x1CD00] =	vst v63  }
0xb6: {  	_ =	swait.ge [sflag:s28], $0x4000  }
0xb7: {  	[sflag:s28] =	ssyncset.done $0x0  }
0xb8: {  	s17 =	simm.s32 $0x880;
	[sflag:s28] =	ssyncadd.s32 $0xFFFFC000  }
0xb9: {  	[tilespmem:s5], [sflag:$0x6] =	stream.indirect.gather [hbm4b:s1+s25], $0x80, s17, s25, $0xb8;
	[tilespmem:$0x1CD00] =	vst v63  }
0xba: {  	_ =	swait.ge [sflag:s7], $0x4000  }
0xbb: {  	[sflag:s7] =	ssyncset.done $0x0  }
0xbc: {  	s15 =	rddreg [dreg:$0x10];
	[sflag:s7] =	ssyncadd.s32 $0xFFFFC000  }
0xbd: {  	[hbm4b:s15+s14] =	stream.linear.scatter [tilespmem:s29], [sflag:$0x7], $0x4000, $0x38;
	[tilespmem:$0x1CD00] =	vst v63  }
0xbe: {  	_ =	swait.ge [sflag:s28], $0x4000  }
0xbf: {  	[sflag:s28] =	ssyncset.done $0x0  }
0xc0: {  	[sflag:s28] =	ssyncadd.s32 $0xFFFFC000  }
0xc1: {  	_ =	swait.ge [sflag:s8], $0x4000  }
0xc2: {  	[sflag:s8] =	ssyncset.done $0x0  }
0xc3: {  	[sflag:s8] =	ssyncadd.s32 $0xFFFFC000  }
0xc4: {  	[hbm4b:s18+s14] =	stream.linear.scatter [tilespmem:s30], [sflag:$0x7], $0x4000, $0x38;
	[tilespmem:$0x1CD00] =	vst v63  }
0xc5: {  	_ =	swait.ge [sflag:s28], $0x4000  }
0xc6: {  	[sflag:s28] =	ssyncset.done $0x0  }
0xc7: {  	[sflag:s28] =	ssyncadd.s32 $0xFFFFC000  }
0xc8: {  	_ =	swait.ge [sflag:s9], $0x4000  }
0xc9: {  	[sflag:s9] =	ssyncset.done $0x0  }
0xca: {  	[sflag:s9] =	ssyncadd.s32 $0xFFFFC000  }
0xcb: {  	[hbm4b:s19+s14] =	stream.linear.scatter [tilespmem:s0], [sflag:$0x7], $0x4000, $0x38;
	[tilespmem:$0x1CD00] =	vst v63  }
0xcc: {  	_ =	swait.ge [sflag:s28], $0x4000  }
0xcd: {  	[sflag:s28] =	ssyncset.done $0x0  }
0xce: {  	[sflag:s28] =	ssyncadd.s32 $0xFFFFC000  }
0xcf: {  	_ =	swait.ge [sflag:s10], $0x4000  }
0xd0: {  	[sflag:s10] =	ssyncset.done $0x0  }
0xd1: {  	[sflag:s10] =	ssyncadd.s32 $0xFFFFC000  }
0xd2: {  	[hbm4b:s20+s14] =	stream.linear.scatter [tilespmem:s31], [sflag:$0x7], $0x4000, $0x38;
	[tilespmem:$0x1CD00] =	vst v63  }
0xd3: {  	_ =	swait.ge [sflag:s28], $0x4000  }
0xd4: {  	[sflag:s28] =	ssyncset.done $0x0  }
0xd5: {  	[sflag:s28] =	ssyncadd.s32 $0xFFFFC000  }
0xd6: {  	_ =	swait.ge [sflag:s11], $0x4000  }
0xd7: {  	[sflag:s11] =	ssyncset.done $0x0  }
0xd8: {  	[sflag:s11] =	ssyncadd.s32 $0xFFFFC000  }
0xd9: {  	[hbm4b:s21+s14] =	stream.linear.scatter [tilespmem:s2], [sflag:$0x7], $0x4000, $0x38;
	[tilespmem:$0x1CD00] =	vst v63  }
0xda: {  	_ =	swait.ge [sflag:s28], $0x4000  }
0xdb: {  	[sflag:s28] =	ssyncset.done $0x0  }
0xdc: {  	[sflag:s28] =	ssyncadd.s32 $0xFFFFC000  }
0xdd: {  	_ =	swait.ge [sflag:s12], $0x4000  }
0xde: {  	[sflag:s12] =	ssyncset.done $0x0  }
0xdf: {  	[sflag:s12] =	ssyncadd.s32 $0xFFFFC000  }
0xe0: {  	[hbm4b:s22+s14] =	stream.linear.scatter [tilespmem:s5], [sflag:$0x7], $0x4000, $0x38;
	[tilespmem:$0x1CD00] =	vst v63  }
0xe1: {  	_ =	swait.ge [sflag:s28], $0x4000  }
0xe2: {  	s16 =	sand.u32 $0x70, s14;
	s14 =	sand.u32 $0x1C00, s14;
	[sflag:s28] =	ssyncset.done $0x0  }
0xe3: {  	s4 =	sor.u32 s16, s14;
	[sflag:s28] =	ssyncadd.s32 $0xFFFFC000  }
0xe4: {  	v3 =	vld [tilespmem:s4+$0x18900]  }
0xe5: {  	s14 =	sadd.s32 $0x18900, s4  }
0xe6: {  	v4 =	vld [tilespmem:s14+$0x80];
	_ =	sdelay $0x1  }
0xe7: {  	v5 =	vld [tilespmem:s14+$0x100]  }
0xe8: {  	v3 =	vadd.f32 $0.0e+00, v3  }
0xe9: {  	v6 =	vld [tilespmem:s14+$0x180]  }
0xea: {  	v3 =	vadd.f32 v4, v3  }
0xeb: {  	v4 =	vld [tilespmem:s14+$0x200]  }
0xec: {  	v3 =	vadd.f32 v5, v3  }
0xed: {  	v5 =	vld [tilespmem:s14+$0x280]  }
0xee: {  	v3 =	vadd.f32 v6, v3  }
0xef: {  	v60 =	vld [tilespmem:s14+$0x300]  }
0xf0: {  	v3 =	vadd.f32 v4, v3  }
0xf1: {  	v4 =	vld [tilespmem:s14+$0x380]  }
0xf2: {  	v3 =	vadd.f32 v5, v3  }
0xf3: {  	v5 =	vld [tilespmem:s4+$0x1A900]  }
0xf4: {  	v3 =	vadd.f32 v60, v3  }
0xf5: {  	v61 =	vld [tilespmem:s4+$0x1A980]  }
0xf6: {  	v3 =	vadd.f32 v4, v3  }
0xf7: {  	v4 =	vld [tilespmem:s4+$0x1AA00]  }
0xf8: {  	v3 =	vadd.f32 v5, v3  }
0xf9: {  	v5 =	vld [tilespmem:s4+$0x1AA80]  }
0xfa: {  	v3 =	vadd.f32 v61, v3  }
0xfb: {  	v62 =	vld [tilespmem:s4+$0x1AB00]  }
0xfc: {  	v3 =	vadd.f32 v4, v3  }
0xfd: {  	v4 =	vld [tilespmem:s4+$0x1AB80]  }
0xfe: {  	v3 =	vadd.f32 v5, v3  }
0xff: {  	v5 =	vld [tilespmem:s4+$0x1AC00]  }
0x100: {  	v3 =	vadd.f32 v62, v3  }
0x101: {  	v63 =	vld [tilespmem:s4+$0x1AC80]  }
0x102: {  	v3 =	vadd.f32 v4, v3;
	_ =	sdelay $0x1  }
0x103: {  	v3 =	vadd.f32 v5, v3  }
0x104: {  	s17 =	simm.s32 $0x10  }
0x105: {  	s15 =	simm.s32 $0x80;
	s16 =	sand.u32 $0x70, s17;
	v3 =	vadd.f32 v63, v3  }
0x106: {  	s17 =	sand.u32 $0x1C00, s15;
	s14 =	simm.s32 $0x1C900;
	s4 =	simm.s32 $0x20  }
.LBB2_6:
0x107: {  	p0 =	sne.s32 s4, $0x3F0;
	s16 =	sor.u32 s16, s17;
	[tilespmem:s14+$0x0] =	vst v3  }
0x108: {  	v3 =	vld [tilespmem:s16+$0x18900]  }
0x109: {  	s17 =	sadd.s32 $0x18900, s16  }
0x10a: {  	v4 =	vld [tilespmem:s17+$0x80];
	_ =	sdelay $0x1  }
0x10b: {  	v5 =	vld [tilespmem:s17+$0x100]  }
0x10c: {  	v3 =	vadd.f32 $0.0e+00, v3  }
0x10d: {  	v6 =	vld [tilespmem:s17+$0x180]  }
0x10e: {  	v3 =	vadd.f32 v4, v3  }
0x10f: {  	v4 =	vld [tilespmem:s17+$0x200]  }
0x110: {  	v3 =	vadd.f32 v5, v3  }
0x111: {  	v5 =	vld [tilespmem:s17+$0x280]  }
0x112: {  	v3 =	vadd.f32 v6, v3  }
0x113: {  	v6 =	vld [tilespmem:s17+$0x300]  }
0x114: {  	v3 =	vadd.f32 v4, v3  }
0x115: {  	v4 =	vld [tilespmem:s17+$0x380]  }
0x116: {  	v3 =	vadd.f32 v5, v3  }
0x117: {  	v5 =	vld [tilespmem:s16+$0x1A900]  }
0x118: {  	v3 =	vadd.f32 v6, v3  }
0x119: {  	v6 =	vld [tilespmem:s16+$0x1A980]  }
0x11a: {  	v3 =	vadd.f32 v4, v3  }
0x11b: {  	v4 =	vld [tilespmem:s16+$0x1AA00]  }
0x11c: {  	v3 =	vadd.f32 v5, v3  }
0x11d: {  	v5 =	vld [tilespmem:s16+$0x1AA80]  }
0x11e: {  	v3 =	vadd.f32 v6, v3  }
0x11f: {  	v6 =	vld [tilespmem:s16+$0x1AB00]  }
0x120: {  	v3 =	vadd.f32 v4, v3  }
0x121: {  	v4 =	vld [tilespmem:s16+$0x1AB80]  }
0x122: {  	v3 =	vadd.f32 v5, v3  }
0x123: {  	v5 =	vld [tilespmem:s16+$0x1AC00]  }
0x124: {  	v3 =	vadd.f32 v6, v3  }
0x125: {  	v6 =	vld [tilespmem:s16+$0x1AC80]  }
0x126: {  	v3 =	vadd.f32 v4, v3  }
.Ltmp2:
0x127: {  	(pc) =	sbr.rel @p0 .LBB2_6-.Ltmp2, $3  }
0x128: {  	v3 =	vadd.f32 v5, v3;
	_ =	sdelay $0x1  }
0x129: {  	s15 =	sadd.s32 $0x80, s15;
	s14 =	sadd.s32 $0x10, s14;
	v3 =	vadd.f32 v6, v3  }
0x12a: {  	s17 =	sand.u32 $0x1C00, s15;
	s16 =	sand.u32 $0x70, s4;
	s4 =	sadd.s32 $0x10, s4  }
0x12b: {  	s4 =	sor.u32 s16, s17;
	[tilespmem:s14+$0x0] =	vst v3  }
0x12c: {  	v3 =	vld [tilespmem:s4+$0x18900]  }
0x12d: {  	s15 =	sadd.s32 $0x18900, s4  }
0x12e: {  	v4 =	vld [tilespmem:s15+$0x80];
	_ =	sdelay $0x1  }
0x12f: {  	v5 =	vld [tilespmem:s15+$0x100]  }
0x130: {  	v3 =	vadd.f32 $0.0e+00, v3  }
0x131: {  	v6 =	vld [tilespmem:s15+$0x180]  }
0x132: {  	v3 =	vadd.f32 v4, v3  }
0x133: {  	v52 =	vld [tilespmem:s15+$0x200]  }
0x134: {  	v3 =	vadd.f32 v5, v3  }
0x135: {  	v53 =	vld [tilespmem:s15+$0x280]  }
0x136: {  	v3 =	vadd.f32 v6, v3  }
0x137: {  	v54 =	vld [tilespmem:s15+$0x300]  }
0x138: {  	v3 =	vadd.f32 v52, v3  }
0x139: {  	v55 =	vld [tilespmem:s15+$0x380]  }
0x13a: {  	v3 =	vadd.f32 v53, v3  }
0x13b: {  	v56 =	vld [tilespmem:s4+$0x1A900]  }
0x13c: {  	v3 =	vadd.f32 v54, v3  }
0x13d: {  	v57 =	vld [tilespmem:s4+$0x1A980]  }
0x13e: {  	v3 =	vadd.f32 v55, v3  }
0x13f: {  	v58 =	vld [tilespmem:s4+$0x1AA00]  }
0x140: {  	v3 =	vadd.f32 v56, v3  }
0x141: {  	v59 =	vld [tilespmem:s4+$0x1AA80]  }
0x142: {  	v3 =	vadd.f32 v57, v3  }
0x143: {  	v60 =	vld [tilespmem:s4+$0x1AB00]  }
0x144: {  	v3 =	vadd.f32 v58, v3  }
0x145: {  	v61 =	vld [tilespmem:s4+$0x1AB80]  }
0x146: {  	v3 =	vadd.f32 v59, v3  }
0x147: {  	v62 =	vld [tilespmem:s4+$0x1AC00]  }
0x148: {  	v3 =	vadd.f32 v60, v3  }
0x149: {  	v63 =	vld [tilespmem:s4+$0x1AC80]  }
0x14a: {  	v3 =	vadd.f32 v61, v3;
	_ =	sdelay $0x1  }
0x14b: {  	v3 =	vadd.f32 v62, v3;
	_ =	sdelay $0x1  }
0x14c: {  	s13 =	sadd.s32 $0x1, s13;
	v3 =	vadd.f32 v63, v3  }
0x14d: {  	s16 =	sadd.s32 $0x10, s14;
	p0 =	sne.s32 s13, s24  }
.Ltmp3:
0x14e: {  	s17 =	simm.s32 $0x1C900;
	[tilespmem:s16+$0x0] =	vst v3;
	(pc) =	sbr.rel @p0 .LBB2_1-.Ltmp3, $4  }
0x14f: {  	[hbm4b:s23+s25] =	stream.strided.scatter [tilespmem:s17], [sflag:$0x7], $0x400, s26, s25, $0x38;
	[tilespmem:$0x1CD00] =	vst v63  }
0x150: {  	_ =	swait.ge [sflag:s28], $0x400  }
0x151: {  	[sflag:s28] =	ssyncset.done $0x0  }
0x152: {  	[sflag:s28] =	ssyncadd.s32 $0xFFFFFC00  }
0x153: {  	_ =	sfence.sel $0x180000  }
0x154: {  	[bflag:$0x0] =	sbarrier.arrive $0xFFFF  }
0x155: {  	_ =	strace $0x90000047  }
0x156: {  	s0 =	stileid.u32;
	[bflag:$0x2] =	sbarrier.arrive $0xFFFF  }
0x157: {  	p0 =	sne.s32 s0, $0x0;
	s0 =	rddreg [dreg:$0x2]  }
0x158: {  	s0 =	sadd.s32 @!p0 $0x100000, s0  }
0x159: {  	[sflag:s0] =	ssyncadd.tile.s32 @!p0 $0x1;
	_ =	shalt  }
.Lfunc_end2:
_tile_overlayer_lowered:
.L_overlay_start_2:
0x15a: {  	(tag) =	ssettag $0x2  }
0x15b: {  	s0 =	rddreg [dreg:$0x0];
	s2 =	stileid.u32  }
0x15c: {  	s1 =	rddreg [dreg:$0x1];
	p0 =	sne.s32 s2, $0x0  }
0x15d: {  	s3 =	rddreg [dreg:$0x2];
	[bflag:$0x3] =	sbarrier.arrive $0xFFFF;
	s2 =	simm.s32 @!p0 $0x1C07  }
0x15e: {  	[timem:s3], [sflag:s2] =	dma.local @!p0 [hbm:s0], s1  }
0x15f: {  	s0 =	simm.s32 @!p0 $0x7  }
0x160: {  	_ =	swait.ge @!p0 [sflag:s0], s1  }
0x161: {  	s1 =	ssub.s32 @!p0 $0x0, s1;
	[sflag:s0] =	ssyncset.done @!p0 $0x0  }
0x162: {  	[sflag:s0] =	ssyncadd.s32 @!p0 s1  }
0x163: {  	[bflag:$0x3] =	sbarrier.arrive $0xFFFF  }
0x164: {  	_ =	shalt  }

</sc_bundles>
